<compile_context>
chip_gen: v7x
topology: tpu7x:2x2x1
jax: 0.10.2.dev20260603
libtpu: 0.0.44.dev20260713+nightly
codegen_flags: <defaults>
</compile_context>

<pallas_src>
import functools

import jax
import jax.numpy as jnp
from jax import lax
from jax.experimental import pallas as pl
from jax.experimental.pallas import tpu as pltpu
from jax.experimental.pallas import tpu_sc as plsc

N_USERS = 5000
N_ITEMS = 5000
N_NODES = N_USERS + N_ITEMS
DIM = 256
N_EDGES = 160000
DROP = 0.1
DECAY = 1e-4
BATCH = 4096

NC = 2
NS = 16
L = 16

NW = NC * NS
DW = DIM // NW
BLK = 8000
NBLK = N_EDGES // BLK
SEG_PAD = 5120
VG = DIM // L
ACC = SEG_PAD * DW
TABW = N_USERS * DW

BPB = BATCH // (NC * NS)


def _agg_body(tab_hbm, pack_hbm, vals_hbm, keep_hbm, out_hbm,
              psb, vsb, ksb, dvb, tabv, acc, sem):
    cid = lax.axis_index("c")
    sid = lax.axis_index("s")
    w = cid * NS + sid
    scale = 1.0 / (1.0 - DROP)

    for a in range(2):
        pltpu.sync_copy(tab_hbm.at[pl.ds((a * NW + w) * TABW, TABW)], tabv)

        def z_acc(i, carry):
            acc[pl.ds(i * L, L)] = jnp.zeros((L,), jnp.float32)
            return carry

        lax.fori_loop(0, ACC // L, z_acc, 0)

        def blk_body(b, carry):
            base = b * BLK
            c1 = pltpu.async_copy(pack_hbm.at[pl.ds(a * N_EDGES + base, BLK)], psb, sem)
            c2 = pltpu.async_copy(vals_hbm.at[pl.ds(base, BLK)], vsb, sem)
            c3 = pltpu.async_copy(keep_hbm.at[pl.ds(base, BLK)], ksb, sem)
            c1.wait()
            c2.wait()
            c3.wait()

            @plsc.parallel_loop(0, BLK // L, unroll=4)
            def dv_group(g):
                s = pl.ds(g * L, L)
                dvb[s] = vsb[s] * ksb[s] * scale

            @plsc.parallel_loop(0, BLK // L, unroll=6)
            def grp_body(g):
                s = pl.ds(g * L, L)
                p16 = psb[s]
                dvv = dvb[s]
                sb8 = jnp.bitwise_and(p16, 0xFFFF)
                db8 = lax.shift_right_logical(p16, 16)
                for d in range(DW):
                    xv = plsc.load_gather(tabv, [sb8 + d])
                    plsc.addupdate_scatter(acc, [db8 + d], xv * dvv)
            return carry

        lax.fori_loop(0, NBLK, blk_body, 0)
        pltpu.sync_copy(acc, out_hbm.at[pl.ds((a * NW + w) * ACC, ACC)])


def _bpr_body(emb_hbm, uidx_hbm, pidx_hbm, nidx_hbm, pd_hbm, nd_hbm, sq_hbm,
              uidx_v, pidx_v, nidx_v, ubuf, pbuf, nbuf, pdv, ndv, sqv, sem):
    cid = lax.axis_index("c")
    sid = lax.axis_index("s")
    wid = sid * NC + cid
    base = wid * BPB

    pltpu.sync_copy(uidx_hbm.at[pl.ds(base, BPB)], uidx_v)
    pltpu.sync_copy(pidx_hbm.at[pl.ds(base, BPB)], pidx_v)
    pltpu.sync_copy(nidx_hbm.at[pl.ds(base, BPB)], nidx_v)
    c1 = pltpu.async_copy(emb_hbm.at[uidx_v], ubuf, sem)
    c2 = pltpu.async_copy(emb_hbm.at[pidx_v], pbuf, sem)
    c3 = pltpu.async_copy(emb_hbm.at[nidx_v], nbuf, sem)
    c1.wait()
    c2.wait()
    c3.wait()

    lane = lax.iota(jnp.int32, L)
    zero = jnp.zeros((L,), jnp.float32)

    def body(i, carry):
        sacc, pvec, nvec = carry
        pacc = zero
        nacc = zero
        for g in range(VG):
            s = pl.ds(g * L, L)
            u = ubuf[i, s]
            p = pbuf[i, s]
            n = nbuf[i, s]
            pacc = pacc + u * p
            nacc = nacc + u * n
            sacc = sacc + u * u + p * p + n * n
        ps = jnp.sum(pacc)
        ns = jnp.sum(nacc)
        j = jnp.bitwise_and(i, L - 1)
        pvec = jnp.where(lane == j, ps, pvec)
        nvec = jnp.where(lane == j, ns, nvec)

        @pl.when(j == L - 1)
        def _flush():
            st = i - (L - 1)
            pdv[pl.ds(st, L)] = pvec
            ndv[pl.ds(st, L)] = nvec

        return (sacc, pvec, nvec)

    sacc, _, _ = lax.fori_loop(0, BPB, body, (zero, zero, zero))
    sqv[...] = sacc
    pltpu.sync_copy(pdv, pd_hbm.at[pl.ds(base, BPB)])
    pltpu.sync_copy(ndv, nd_hbm.at[pl.ds(base, BPB)])
    pltpu.sync_copy(sqv, sq_hbm.at[pl.ds(wid * L, L)])


def _slab_reduce_block(x_ref, o_ref):
    o_ref[...] = jnp.sum(x_ref[0], axis=0)[None]


def _emb_block(x_ref, w_ref, b_ref, o_ref):
    x = x_ref[...]
    y = jnp.dot(x, w_ref[...], preferred_element_type=jnp.float32) + b_ref[...]
    y = jnp.where(y >= 0, y, 0.2 * y)
    n = jnp.sqrt(jnp.sum(y * y, axis=1, keepdims=True))
    o_ref[...] = y / jnp.maximum(n, 1e-12)


def _loss_block(pd_ref, nd_ref, sq_ref, o_ref):
    d = pd_ref[...] - nd_ref[...]
    z = -d
    sp = jnp.maximum(z, 0.0) + jnp.log1p(jnp.exp(-jnp.abs(z)))
    mf = jnp.sum(sp) * (1.0 / BATCH)
    reg = jnp.sum(sq_ref[...]) * 0.5
    o_ref[...] = jnp.broadcast_to(mf + DECAY * reg * (1.0 / BATCH), (1, 1))


def kernel(node_emb, train_weight, bias, vals, keep_mask, rows, cols, users, pos, neg):
    rows = rows.astype(jnp.int32)
    cols = cols.astype(jnp.int32)
    users = users.astype(jnp.int32)
    pos = pos.astype(jnp.int32)
    neg = neg.astype(jnp.int32)

    gsrc = jnp.concatenate([cols, rows])
    sdst = jnp.concatenate([rows, cols])
    pack = jnp.bitwise_or(gsrc * DW, jnp.left_shift(sdst * DW, 16))
    tabi = node_emb[N_USERS:].reshape(N_ITEMS, NW, DW).transpose(1, 0, 2)
    tabu = node_emb[:N_USERS].reshape(N_USERS, NW, DW).transpose(1, 0, 2)
    tab = jnp.concatenate([tabi, tabu]).reshape(2 * NW * TABW)

    mesh = plsc.VectorSubcoreMesh(core_axis_name="c", subcore_axis_name="s")
    slabs = pl.kernel(
        _agg_body,
        out_type=jax.ShapeDtypeStruct((2 * NW * ACC,), jnp.float32),
        mesh=mesh,
        compiler_params=pltpu.CompilerParams(needs_layout_passes=False),
        scratch_types=[
            pltpu.VMEM((BLK,), jnp.int32),
            pltpu.VMEM((BLK,), jnp.float32),
            pltpu.VMEM((BLK,), jnp.float32),
            pltpu.VMEM((BLK,), jnp.float32),
            pltpu.VMEM((TABW,), jnp.float32),
            pltpu.VMEM((ACC,), jnp.float32),
            pltpu.SemaphoreType.DMA,
        ],
    )(tab, pack, vals, keep_mask)

    red = slabs.reshape(2, NW, SEG_PAD, DW).transpose(0, 2, 1, 3).reshape(2, SEG_PAD, DIM)
    cat = jnp.concatenate([red[0, :N_USERS], red[1, :N_ITEMS]], axis=0)

    emb = pl.pallas_call(
        _emb_block,
        grid=(5,),
        in_specs=[
            pl.BlockSpec((N_NODES // 5, DIM), lambda i: (i, 0)),
            pl.BlockSpec((DIM, DIM), lambda i: (0, 0)),
            pl.BlockSpec((N_NODES // 5, DIM), lambda i: (i, 0)),
        ],
        out_specs=pl.BlockSpec((N_NODES // 5, DIM), lambda i: (i, 0)),
        out_shape=jax.ShapeDtypeStruct((N_NODES, DIM), jnp.float32),
    )(cat, train_weight, bias)

    pd, nd, sq = pl.kernel(
        _bpr_body,
        out_type=(
            jax.ShapeDtypeStruct((BATCH,), jnp.float32),
            jax.ShapeDtypeStruct((BATCH,), jnp.float32),
            jax.ShapeDtypeStruct((NC * NS * L,), jnp.float32),
        ),
        mesh=plsc.VectorSubcoreMesh(core_axis_name="c", subcore_axis_name="s"),
        compiler_params=pltpu.CompilerParams(needs_layout_passes=False),
        scratch_types=[
            pltpu.VMEM((BPB,), jnp.int32),
            pltpu.VMEM((BPB,), jnp.int32),
            pltpu.VMEM((BPB,), jnp.int32),
            pltpu.VMEM((BPB, DIM), jnp.float32),
            pltpu.VMEM((BPB, DIM), jnp.float32),
            pltpu.VMEM((BPB, DIM), jnp.float32),
            pltpu.VMEM((BPB,), jnp.float32),
            pltpu.VMEM((BPB,), jnp.float32),
            pltpu.VMEM((L,), jnp.float32),
            pltpu.SemaphoreType.DMA,
        ],
    )(emb, users, pos + N_USERS, neg + N_USERS)

    loss2 = pl.pallas_call(
        _loss_block,
        out_shape=jax.ShapeDtypeStruct((1, 1), jnp.float32),
    )(pd.reshape(32, 128), nd.reshape(32, 128), sq.reshape(4, 128))
    loss = loss2[0, 0]

    return (loss, emb[:N_USERS], emb[N_USERS:])

# --- scband reference (transcript-rebuilt; emitter-appended) ---
"""Pipeline reference for scband-recommender-88613765251653 (READ-ONLY COPY).

The authoritative reference and input builder live on the scoring server;
editing this copy changes nothing except your own understanding.
"""

import jax, jax.numpy as jnp
import numpy as np

N_USERS = 5000
N_ITEMS = 5000
N_NODES = N_USERS + N_ITEMS
DIM = 256
N_EDGES = 160000
N_LAYERS = 2
DROP = 0.1
DECAY = 1e-4
BATCH = 4096


def setup_inputs(seed: int = 0) -> dict:
    key = jax.random.key(seed)
    ks = jax.random.split(key, 10)
    node_emb = jax.random.normal(ks[0], (N_NODES, DIM), dtype=jnp.float32) * 0.05
    train_weight = jax.random.normal(ks[1], (DIM, DIM), dtype=jnp.float32) * 0.05
    bias = jax.random.normal(ks[2], (N_NODES, DIM), dtype=jnp.float32) * 0.05
    rows = jax.random.randint(ks[3], (N_EDGES,), 0, N_USERS)
    cols = jax.random.randint(ks[4], (N_EDGES,), 0, N_ITEMS)
    # row-normalized interaction matrix values (D^-1 A), matching norm_dense
    deg = jnp.bincount(rows, length=N_USERS).astype(jnp.float32)
    d_inv = jnp.where(deg > 0, 1.0 / jnp.maximum(deg, 1.0), 0.0)
    vals = d_inv[rows]
    # precomputed sparse-dropout keep mask (floor(1 - p + U[0,1)) in {0,1}), matching sparse_dropout
    keep_rand = jax.random.uniform(ks[5], (N_EDGES,), dtype=jnp.float32)
    keep_mask = jnp.floor(1.0 - DROP + keep_rand)
    users = jax.random.randint(ks[6], (BATCH,), 0, N_USERS)
    pos = jax.random.randint(ks[7], (BATCH,), 0, N_ITEMS)
    neg = jax.random.randint(ks[8], (BATCH,), 0, N_ITEMS)
    return {"node_emb": node_emb, "train_weight": train_weight, "bias": bias,
            "vals": vals, "keep_mask": keep_mask, "rows": rows, "cols": cols,
            "users": users, "pos": pos, "neg": neg}


def _l2_normalize(x):
    n = jnp.sqrt(jnp.sum(x * x, axis=1, keepdims=True))
    return x / jnp.maximum(n, 1e-12)


def _leaky_relu(x):
    return jnp.where(x >= 0, x, 0.2 * x)


def reference(node_emb, train_weight, bias, vals, keep_mask, rows, cols, users, pos, neg):
    # sparse_dropout: drop entries then rescale by 1/(1-p); zeroed values are equivalent to removed nnz
    da_vals = vals * keep_mask * (1.0 / (1.0 - DROP))
    user_src = node_emb[:N_USERS]
    item_src = node_emb[N_USERS:]
    all_embedding = None
    for _ in range(N_LAYERS):
        # user_emb = (DA @ node_emb[item]) @ W + bias[user]
        u_agg = jax.ops.segment_sum(item_src[cols] * da_vals[:, None], rows, num_segments=N_USERS)
        user_emb = u_agg @ train_weight + bias[:N_USERS]
        # item_emb = (DA.T @ node_emb[user]) @ W + bias[item]
        i_agg = jax.ops.segment_sum(user_src[rows] * da_vals[:, None], cols, num_segments=N_ITEMS)
        item_emb = i_agg @ train_weight + bias[N_USERS:]
        user_emb = _l2_normalize(_leaky_relu(user_emb))
        item_emb = _l2_normalize(_leaky_relu(item_emb))
        all_embedding = jnp.concatenate([user_emb, item_emb], axis=0)
    user_emb = all_embedding[:N_USERS]
    item_emb = all_embedding[N_USERS:]
    # BPR loss on the batch
    bu = user_emb[users]
    bp = item_emb[pos]
    bn = item_emb[neg]
    pos_scores = jnp.sum(bu * bp, axis=1)
    neg_scores = jnp.sum(bu * bn, axis=1)
    mf_loss = -1.0 * jnp.mean(jax.nn.log_sigmoid(pos_scores - neg_scores))
    regularizer = (jnp.sum(bu ** 2) + jnp.sum(bp ** 2) + jnp.sum(bn ** 2)) / 2.0
    emb_loss = DECAY * regularizer / BATCH
    loss = mf_loss + emb_loss
    return (loss, user_emb, item_emb)

if __name__ == "__main__":
    import jax
    _d = setup_inputs()
    print(jax.jit(kernel)(*tuple(_d.values())))

</pallas_src>

<mosaic_0001>
#map = affine_map<(d0, d1) -> (0)>
module attributes {stable_mosaic.version = 14 : i64} {
  func.func @_agg_body(%arg0: i32, %arg1: i32, %arg2: memref<2560000xf32, #tpu.memory_space<hbm>>, %arg3: memref<320000xi32, #tpu.memory_space<hbm>>, %arg4: memref<160000xf32, #tpu.memory_space<hbm>>, %arg5: memref<160000xf32, #tpu.memory_space<hbm>>, %arg6: memref<2621440xf32, #tpu.memory_space<hbm>>, %arg7: memref<8000xi32, #tpu.memory_space<vmem>>, %arg8: memref<8000xf32, #tpu.memory_space<vmem>>, %arg9: memref<8000xf32, #tpu.memory_space<vmem>>, %arg10: memref<8000xf32, #tpu.memory_space<vmem>>, %arg11: memref<40000xf32, #tpu.memory_space<vmem>>, %arg12: memref<40960xf32, #tpu.memory_space<vmem>>, %arg13: memref<!tpu.dma_semaphore, #tpu.memory_space<semaphore_mem>>) attributes {dimension_semantics = [#tpu.dimension_semantics<core_parallel>, #tpu.dimension_semantics<subcore_parallel>], iteration_bounds = array<i64: 2, 16>, scalar_prefetch = 0 : i64, scratch_operands = 7 : i64, tpu.core_type = #tpu.core_type<sc_vector_subcore>, window_params = [{transform_indices = #map}, {transform_indices = #map}, {transform_indices = #map}, {transform_indices = #map}, {transform_indices = #map}]} {
    %mul3A = arith.constant 16 : i32
    %mul3A_0 = arith.muli %arg0, %mul3A : i32
    %add3A = arith.addi %mul3A_0, %arg1 : i32
    %add3A_1 = arith.constant 0 : i32
    %add3A_2 = arith.addi %add3A_1, %add3A : i32
    %mul3A_3 = arith.constant 40000 : i32
    %mul3A_4 = arith.muli %add3A_2, %mul3A_3 : i32
    "tpu.region"() ({
      %run_scoped3A = tpu.sem_alloc : memref<!tpu.dma_semaphore, #tpu.memory_space<semaphore_mem>>
      %dma_start3A = tpu.memref_slice %arg2[%mul3A_4] : memref<2560000xf32, #tpu.memory_space<hbm>> -> memref<40000xf32, #tpu.memory_space<hbm>>
      %dma_start3A_40 = tpu.memref_slice %arg2[%mul3A_4] : memref<2560000xf32, #tpu.memory_space<hbm>> -> memref<40000xf32, #tpu.memory_space<hbm>>
      tpu.enqueue_dma source(%dma_start3A_40 : memref<40000xf32, #tpu.memory_space<hbm>>) target(%arg11 : memref<40000xf32, #tpu.memory_space<vmem>>) target_semaphore(%run_scoped3A : memref<!tpu.dma_semaphore, #tpu.memory_space<semaphore_mem>>)
      %dma_wait3A = tpu.memref_slice %arg2[%mul3A_4] : memref<2560000xf32, #tpu.memory_space<hbm>> -> memref<40000xf32, #tpu.memory_space<hbm>>
      %dma_wait3A_41 = tpu.memref_slice %arg2[%mul3A_4] : memref<2560000xf32, #tpu.memory_space<hbm>> -> memref<40000xf32, #tpu.memory_space<hbm>>
      tpu.wait_dma2 semaphore(%run_scoped3A : memref<!tpu.dma_semaphore, #tpu.memory_space<semaphore_mem>>) src(%dma_wait3A_41 : memref<40000xf32, #tpu.memory_space<hbm>>) dst(%arg11 : memref<40000xf32, #tpu.memory_space<vmem>>)
      tpu.yield
    }) : () -> ()
    %scan3A = arith.constant 0 : i32
    %scan3A_5 = arith.constant 0 : i32
    %scan3A_6 = arith.constant 2560 : i32
    %scan3A_7 = arith.addi %scan3A_5, %scan3A_6 : i32
    %scan3A_8 = arith.constant 1 : i32
    scf.for %scan3A_40 = %scan3A_5 to %scan3A_7 step %scan3A_8  : i32 {
      %broadcast_in_dim3A = arith.constant 0.000000e+00 : f32
      %broadcast_in_dim3A_41 = vector.broadcast %broadcast_in_dim3A : f32 to vector<16xf32>
      %mul3A_42 = arith.constant 16 : i32
      %mul3A_43 = arith.muli %scan3A_40, %mul3A_42 : i32
      %swap3A = arith.index_cast %mul3A_43 : i32 to index
      %swap3A_44 = tpu.vector_load %arg12[%swap3A] {strides = array<i32>} : memref<40960xf32, #tpu.memory_space<vmem>>, vector<16xf32>,
      tpu.vector_store %arg12[%swap3A], %broadcast_in_dim3A_41 {strides = array<i32>} : memref<40960xf32, #tpu.memory_space<vmem>>, vector<16xf32>,
    }
    %scan3A_9 = arith.constant 2560 : i32
    %scan3A_10 = arith.constant 0 : i32
    %scan3A_11 = arith.constant 0 : i32
    %scan3A_12 = arith.constant 20 : i32
    %scan3A_13 = arith.addi %scan3A_11, %scan3A_12 : i32
    %scan3A_14 = arith.constant 1 : i32
    scf.for %scan3A_40 = %scan3A_11 to %scan3A_13 step %scan3A_14  : i32 {
      %mul3A_41 = arith.constant 8000 : i32
      %mul3A_42 = arith.muli %scan3A_40, %mul3A_41 : i32
      %add3A_43 = arith.constant 0 : i32
      %add3A_44 = arith.addi %add3A_43, %mul3A_42 : i32
      %dma_start3A = tpu.memref_slice %arg3[%add3A_44] : memref<320000xi32, #tpu.memory_space<hbm>> -> memref<8000xi32, #tpu.memory_space<hbm>>
      %dma_start3A_45 = tpu.memref_slice %arg3[%add3A_44] : memref<320000xi32, #tpu.memory_space<hbm>> -> memref<8000xi32, #tpu.memory_space<hbm>>
      tpu.enqueue_dma source(%dma_start3A_45 : memref<8000xi32, #tpu.memory_space<hbm>>) target(%arg7 : memref<8000xi32, #tpu.memory_space<vmem>>) target_semaphore(%arg13 : memref<!tpu.dma_semaphore, #tpu.memory_space<semaphore_mem>>)
      %dma_start3A_46 = tpu.memref_slice %arg4[%mul3A_42] : memref<160000xf32, #tpu.memory_space<hbm>> -> memref<8000xf32, #tpu.memory_space<hbm>>
      %dma_start3A_47 = tpu.memref_slice %arg4[%mul3A_42] : memref<160000xf32, #tpu.memory_space<hbm>> -> memref<8000xf32, #tpu.memory_space<hbm>>
      tpu.enqueue_dma source(%dma_start3A_47 : memref<8000xf32, #tpu.memory_space<hbm>>) target(%arg8 : memref<8000xf32, #tpu.memory_space<vmem>>) target_semaphore(%arg13 : memref<!tpu.dma_semaphore, #tpu.memory_space<semaphore_mem>>)
      %dma_start3A_48 = tpu.memref_slice %arg5[%mul3A_42] : memref<160000xf32, #tpu.memory_space<hbm>> -> memref<8000xf32, #tpu.memory_space<hbm>>
      %dma_start3A_49 = tpu.memref_slice %arg5[%mul3A_42] : memref<160000xf32, #tpu.memory_space<hbm>> -> memref<8000xf32, #tpu.memory_space<hbm>>
      tpu.enqueue_dma source(%dma_start3A_49 : memref<8000xf32, #tpu.memory_space<hbm>>) target(%arg9 : memref<8000xf32, #tpu.memory_space<vmem>>) target_semaphore(%arg13 : memref<!tpu.dma_semaphore, #tpu.memory_space<semaphore_mem>>)
      %dma_wait3A = tpu.memref_slice %arg3[%add3A_44] : memref<320000xi32, #tpu.memory_space<hbm>> -> memref<8000xi32, #tpu.memory_space<hbm>>
      %dma_wait3A_50 = tpu.memref_slice %arg3[%add3A_44] : memref<320000xi32, #tpu.memory_space<hbm>> -> memref<8000xi32, #tpu.memory_space<hbm>>
      tpu.wait_dma2 semaphore(%arg13 : memref<!tpu.dma_semaphore, #tpu.memory_space<semaphore_mem>>) src(%dma_wait3A_50 : memref<8000xi32, #tpu.memory_space<hbm>>) dst(%arg7 : memref<8000xi32, #tpu.memory_space<vmem>>)
      %dma_wait3A_51 = tpu.memref_slice %arg4[%mul3A_42] : memref<160000xf32, #tpu.memory_space<hbm>> -> memref<8000xf32, #tpu.memory_space<hbm>>
      %dma_wait3A_52 = tpu.memref_slice %arg4[%mul3A_42] : memref<160000xf32, #tpu.memory_space<hbm>> -> memref<8000xf32, #tpu.memory_space<hbm>>
      tpu.wait_dma2 semaphore(%arg13 : memref<!tpu.dma_semaphore, #tpu.memory_space<semaphore_mem>>) src(%dma_wait3A_52 : memref<8000xf32, #tpu.memory_space<hbm>>) dst(%arg8 : memref<8000xf32, #tpu.memory_space<vmem>>)
      %dma_wait3A_53 = tpu.memref_slice %arg5[%mul3A_42] : memref<160000xf32, #tpu.memory_space<hbm>> -> memref<8000xf32, #tpu.memory_space<hbm>>
      %dma_wait3A_54 = tpu.memref_slice %arg5[%mul3A_42] : memref<160000xf32, #tpu.memory_space<hbm>> -> memref<8000xf32, #tpu.memory_space<hbm>>
      tpu.wait_dma2 semaphore(%arg13 : memref<!tpu.dma_semaphore, #tpu.memory_space<semaphore_mem>>) src(%dma_wait3A_54 : memref<8000xf32, #tpu.memory_space<hbm>>) dst(%arg9 : memref<8000xf32, #tpu.memory_space<vmem>>)
      %parallel_loop3A = arith.constant 0 : i32
      %parallel_loop3A_55 = arith.constant 500 : i32
      %parallel_loop3A_56 = arith.constant 1 : i32
      scf.for %parallel_loop3A_60 = %parallel_loop3A to %parallel_loop3A_55 step %parallel_loop3A_56  : i32 {
        %parallel_loop3A_61 = arith.constant 16 : i32
        %parallel_loop3A_62 = arith.muli %parallel_loop3A_60, %parallel_loop3A_61 : i32
        %parallel_loop3A_63 = arith.index_cast %parallel_loop3A_62 : i32 to index
        %parallel_loop3A_64 = tpu.vector_load %arg8[%parallel_loop3A_63] {strides = array<i32>} : memref<8000xf32, #tpu.memory_space<vmem>>, vector<16xf32>,
        %parallel_loop3A_65 = arith.index_cast %parallel_loop3A_62 : i32 to index
        %parallel_loop3A_66 = tpu.vector_load %arg9[%parallel_loop3A_65] {strides = array<i32>} : memref<8000xf32, #tpu.memory_space<vmem>>, vector<16xf32>,
        %parallel_loop3A_67 = arith.mulf %parallel_loop3A_64, %parallel_loop3A_66 : vector<16xf32>
        %parallel_loop3A_68 = arith.constant 1.11111116 : f32
        %parallel_loop3A_69 = vector.broadcast %parallel_loop3A_68 : f32 to vector<16xf32>
        %parallel_loop3A_70 = arith.mulf %parallel_loop3A_67, %parallel_loop3A_69 : vector<16xf32>
        %parallel_loop3A_71 = arith.index_cast %parallel_loop3A_62 : i32 to index
        %parallel_loop3A_72 = tpu.vector_load %arg10[%parallel_loop3A_71] {strides = array<i32>} : memref<8000xf32, #tpu.memory_space<vmem>>, vector<16xf32>,
        tpu.vector_store %arg10[%parallel_loop3A_71], %parallel_loop3A_70 {strides = array<i32>} : memref<8000xf32, #tpu.memory_space<vmem>>, vector<16xf32>,
      } {sc.loop_unroll_factor = 4 : i64, sc.parallel_access}
      %parallel_loop3A_57 = arith.constant 0 : i32
      %parallel_loop3A_58 = arith.constant 500 : i32
      %parallel_loop3A_59 = arith.constant 1 : i32
      scf.for %parallel_loop3A_60 = %parallel_loop3A_57 to %parallel_loop3A_58 step %parallel_loop3A_59  : i32 {
        %parallel_loop3A_61 = arith.constant 16 : i32
        %parallel_loop3A_62 = arith.muli %parallel_loop3A_60, %parallel_loop3A_61 : i32
        %parallel_loop3A_63 = arith.index_cast %parallel_loop3A_62 : i32 to index
        %parallel_loop3A_64 = tpu.vector_load %arg7[%parallel_loop3A_63] {strides = array<i32>} : memref<8000xi32, #tpu.memory_space<vmem>>, vector<16xi32>,
        %parallel_loop3A_65 = arith.index_cast %parallel_loop3A_62 : i32 to index
        %parallel_loop3A_66 = tpu.vector_load %arg10[%parallel_loop3A_65] {strides = array<i32>} : memref<8000xf32, #tpu.memory_space<vmem>>, vector<16xf32>,
        %parallel_loop3A_67 = arith.constant 65535 : i32
        %parallel_loop3A_68 = vector.broadcast %parallel_loop3A_67 : i32 to vector<16xi32>
        %parallel_loop3A_69 = arith.andi %parallel_loop3A_64, %parallel_loop3A_68 : vector<16xi32>
        %parallel_loop3A_70 = arith.constant 16 : i32
        %parallel_loop3A_71 = vector.broadcast %parallel_loop3A_70 : i32 to vector<16xi32>
        %parallel_loop3A_72 = arith.shrui %parallel_loop3A_64, %parallel_loop3A_71 : vector<16xi32>
        %parallel_loop3A_73 = arith.constant 0 : i32
        %parallel_loop3A_74 = vector.broadcast %parallel_loop3A_73 : i32 to vector<16xi32>
        %parallel_loop3A_75 = arith.addi %parallel_loop3A_69, %parallel_loop3A_74 : vector<16xi32>
        %parallel_loop3A_76 = tpu.vector_load_idx %arg11[%parallel_loop3A_75] : memref<40000xf32, #tpu.memory_space<vmem>>[vector<16xi32>], vector<16xf32>,
        %parallel_loop3A_77 = arith.constant 0 : i32
        %parallel_loop3A_78 = vector.broadcast %parallel_loop3A_77 : i32 to vector<16xi32>
        %parallel_loop3A_79 = arith.addi %parallel_loop3A_72, %parallel_loop3A_78 : vector<16xi32>
        %parallel_loop3A_80 = arith.mulf %parallel_loop3A_76, %parallel_loop3A_66 : vector<16xf32>
        tpu.vector_store_idx %arg12[%parallel_loop3A_79], %parallel_loop3A_80 {add = true} : memref<40960xf32, #tpu.memory_space<vmem>>[vector<16xi32>], vector<16xf32>,
        %parallel_loop3A_81 = arith.constant 1 : i32
        %parallel_loop3A_82 = vector.broadcast %parallel_loop3A_81 : i32 to vector<16xi32>
        %parallel_loop3A_83 = arith.addi %parallel_loop3A_69, %parallel_loop3A_82 : vector<16xi32>
        %parallel_loop3A_84 = tpu.vector_load_idx %arg11[%parallel_loop3A_83] : memref<40000xf32, #tpu.memory_space<vmem>>[vector<16xi32>], vector<16xf32>,
        %parallel_loop3A_85 = arith.constant 1 : i32
        %parallel_loop3A_86 = vector.broadcast %parallel_loop3A_85 : i32 to vector<16xi32>
        %parallel_loop3A_87 = arith.addi %parallel_loop3A_72, %parallel_loop3A_86 : vector<16xi32>
        %parallel_loop3A_88 = arith.mulf %parallel_loop3A_84, %parallel_loop3A_66 : vector<16xf32>
        tpu.vector_store_idx %arg12[%parallel_loop3A_87], %parallel_loop3A_88 {add = true} : memref<40960xf32, #tpu.memory_space<vmem>>[vector<16xi32>], vector<16xf32>,
        %parallel_loop3A_89 = arith.constant 2 : i32
        %parallel_loop3A_90 = vector.broadcast %parallel_loop3A_89 : i32 to vector<16xi32>
        %parallel_loop3A_91 = arith.addi %parallel_loop3A_69, %parallel_loop3A_90 : vector<16xi32>
        %parallel_loop3A_92 = tpu.vector_load_idx %arg11[%parallel_loop3A_91] : memref<40000xf32, #tpu.memory_space<vmem>>[vector<16xi32>], vector<16xf32>,
        %parallel_loop3A_93 = arith.constant 2 : i32
        %parallel_loop3A_94 = vector.broadcast %parallel_loop3A_93 : i32 to vector<16xi32>
        %parallel_loop3A_95 = arith.addi %parallel_loop3A_72, %parallel_loop3A_94 : vector<16xi32>
        %parallel_loop3A_96 = arith.mulf %parallel_loop3A_92, %parallel_loop3A_66 : vector<16xf32>
        tpu.vector_store_idx %arg12[%parallel_loop3A_95], %parallel_loop3A_96 {add = true} : memref<40960xf32, #tpu.memory_space<vmem>>[vector<16xi32>], vector<16xf32>,
        %parallel_loop3A_97 = arith.constant 3 : i32
        %parallel_loop3A_98 = vector.broadcast %parallel_loop3A_97 : i32 to vector<16xi32>
        %parallel_loop3A_99 = arith.addi %parallel_loop3A_69, %parallel_loop3A_98 : vector<16xi32>
        %parallel_loop3A_100 = tpu.vector_load_idx %arg11[%parallel_loop3A_99] : memref<40000xf32, #tpu.memory_space<vmem>>[vector<16xi32>], vector<16xf32>,
        %parallel_loop3A_101 = arith.constant 3 : i32
        %parallel_loop3A_102 = vector.broadcast %parallel_loop3A_101 : i32 to vector<16xi32>
        %parallel_loop3A_103 = arith.addi %parallel_loop3A_72, %parallel_loop3A_102 : vector<16xi32>
        %parallel_loop3A_104 = arith.mulf %parallel_loop3A_100, %parallel_loop3A_66 : vector<16xf32>
        tpu.vector_store_idx %arg12[%parallel_loop3A_103], %parallel_loop3A_104 {add = true} : memref<40960xf32, #tpu.memory_space<vmem>>[vector<16xi32>], vector<16xf32>,
        %parallel_loop3A_105 = arith.constant 4 : i32
        %parallel_loop3A_106 = vector.broadcast %parallel_loop3A_105 : i32 to vector<16xi32>
        %parallel_loop3A_107 = arith.addi %parallel_loop3A_69, %parallel_loop3A_106 : vector<16xi32>
        %parallel_loop3A_108 = tpu.vector_load_idx %arg11[%parallel_loop3A_107] : memref<40000xf32, #tpu.memory_space<vmem>>[vector<16xi32>], vector<16xf32>,
        %parallel_loop3A_109 = arith.constant 4 : i32
        %parallel_loop3A_110 = vector.broadcast %parallel_loop3A_109 : i32 to vector<16xi32>
        %parallel_loop3A_111 = arith.addi %parallel_loop3A_72, %parallel_loop3A_110 : vector<16xi32>
        %parallel_loop3A_112 = arith.mulf %parallel_loop3A_108, %parallel_loop3A_66 : vector<16xf32>
        tpu.vector_store_idx %arg12[%parallel_loop3A_111], %parallel_loop3A_112 {add = true} : memref<40960xf32, #tpu.memory_space<vmem>>[vector<16xi32>], vector<16xf32>,
        %parallel_loop3A_113 = arith.constant 5 : i32
        %parallel_loop3A_114 = vector.broadcast %parallel_loop3A_113 : i32 to vector<16xi32>
        %parallel_loop3A_115 = arith.addi %parallel_loop3A_69, %parallel_loop3A_114 : vector<16xi32>
        %parallel_loop3A_116 = tpu.vector_load_idx %arg11[%parallel_loop3A_115] : memref<40000xf32, #tpu.memory_space<vmem>>[vector<16xi32>], vector<16xf32>,
        %parallel_loop3A_117 = arith.constant 5 : i32
        %parallel_loop3A_118 = vector.broadcast %parallel_loop3A_117 : i32 to vector<16xi32>
        %parallel_loop3A_119 = arith.addi %parallel_loop3A_72, %parallel_loop3A_118 : vector<16xi32>
        %parallel_loop3A_120 = arith.mulf %parallel_loop3A_116, %parallel_loop3A_66 : vector<16xf32>
        tpu.vector_store_idx %arg12[%parallel_loop3A_119], %parallel_loop3A_120 {add = true} : memref<40960xf32, #tpu.memory_space<vmem>>[vector<16xi32>], vector<16xf32>,
        %parallel_loop3A_121 = arith.constant 6 : i32
        %parallel_loop3A_122 = vector.broadcast %parallel_loop3A_121 : i32 to vector<16xi32>
        %parallel_loop3A_123 = arith.addi %parallel_loop3A_69, %parallel_loop3A_122 : vector<16xi32>
        %parallel_loop3A_124 = tpu.vector_load_idx %arg11[%parallel_loop3A_123] : memref<40000xf32, #tpu.memory_space<vmem>>[vector<16xi32>], vector<16xf32>,
        %parallel_loop3A_125 = arith.constant 6 : i32
        %parallel_loop3A_126 = vector.broadcast %parallel_loop3A_125 : i32 to vector<16xi32>
        %parallel_loop3A_127 = arith.addi %parallel_loop3A_72, %parallel_loop3A_126 : vector<16xi32>
        %parallel_loop3A_128 = arith.mulf %parallel_loop3A_124, %parallel_loop3A_66 : vector<16xf32>
        tpu.vector_store_idx %arg12[%parallel_loop3A_127], %parallel_loop3A_128 {add = true} : memref<40960xf32, #tpu.memory_space<vmem>>[vector<16xi32>], vector<16xf32>,
        %parallel_loop3A_129 = arith.constant 7 : i32
        %parallel_loop3A_130 = vector.broadcast %parallel_loop3A_129 : i32 to vector<16xi32>
        %parallel_loop3A_131 = arith.addi %parallel_loop3A_69, %parallel_loop3A_130 : vector<16xi32>
        %parallel_loop3A_132 = tpu.vector_load_idx %arg11[%parallel_loop3A_131] : memref<40000xf32, #tpu.memory_space<vmem>>[vector<16xi32>], vector<16xf32>,
        %parallel_loop3A_133 = arith.constant 7 : i32
        %parallel_loop3A_134 = vector.broadcast %parallel_loop3A_133 : i32 to vector<16xi32>
        %parallel_loop3A_135 = arith.addi %parallel_loop3A_72, %parallel_loop3A_134 : vector<16xi32>
        %parallel_loop3A_136 = arith.mulf %parallel_loop3A_132, %parallel_loop3A_66 : vector<16xf32>
        tpu.vector_store_idx %arg12[%parallel_loop3A_135], %parallel_loop3A_136 {add = true} : memref<40960xf32, #tpu.memory_space<vmem>>[vector<16xi32>], vector<16xf32>,
      } {sc.loop_unroll_factor = 6 : i64, sc.parallel_access}
    }
    %scan3A_15 = arith.constant 20 : i32
    %add3A_16 = arith.constant 0 : i32
    %add3A_17 = arith.addi %add3A_16, %add3A : i32
    %mul3A_18 = arith.constant 40960 : i32
    %mul3A_19 = arith.muli %add3A_17, %mul3A_18 : i32
    "tpu.region"() ({
      %run_scoped3A = tpu.sem_alloc : memref<!tpu.dma_semaphore, #tpu.memory_space<semaphore_mem>>
      %dma_start3A = tpu.memref_slice %arg6[%mul3A_19] : memref<2621440xf32, #tpu.memory_space<hbm>> -> memref<40960xf32, #tpu.memory_space<hbm>>
      %dma_start3A_40 = tpu.memref_slice %arg6[%mul3A_19] : memref<2621440xf32, #tpu.memory_space<hbm>> -> memref<40960xf32, #tpu.memory_space<hbm>>
      tpu.enqueue_dma source(%arg12 : memref<40960xf32, #tpu.memory_space<vmem>>) target(%dma_start3A_40 : memref<40960xf32, #tpu.memory_space<hbm>>) target_semaphore(%run_scoped3A : memref<!tpu.dma_semaphore, #tpu.memory_space<semaphore_mem>>)
      %dma_wait3A = tpu.memref_slice %arg6[%mul3A_19] : memref<2621440xf32, #tpu.memory_space<hbm>> -> memref<40960xf32, #tpu.memory_space<hbm>>
      %dma_wait3A_41 = tpu.memref_slice %arg6[%mul3A_19] : memref<2621440xf32, #tpu.memory_space<hbm>> -> memref<40960xf32, #tpu.memory_space<hbm>>
      tpu.wait_dma2 semaphore(%run_scoped3A : memref<!tpu.dma_semaphore, #tpu.memory_space<semaphore_mem>>) src(%arg12 : memref<40960xf32, #tpu.memory_space<vmem>>) dst(%dma_wait3A_41 : memref<40960xf32, #tpu.memory_space<hbm>>)
      tpu.yield
    }) : () -> ()
    %add3A_20 = arith.constant 32 : i32
    %add3A_21 = arith.addi %add3A_20, %add3A : i32
    %mul3A_22 = arith.constant 40000 : i32
    %mul3A_23 = arith.muli %add3A_21, %mul3A_22 : i32
    "tpu.region"() ({
      %run_scoped3A = tpu.sem_alloc : memref<!tpu.dma_semaphore, #tpu.memory_space<semaphore_mem>>
      %dma_start3A = tpu.memref_slice %arg2[%mul3A_23] : memref<2560000xf32, #tpu.memory_space<hbm>> -> memref<40000xf32, #tpu.memory_space<hbm>>
      %dma_start3A_40 = tpu.memref_slice %arg2[%mul3A_23] : memref<2560000xf32, #tpu.memory_space<hbm>> -> memref<40000xf32, #tpu.memory_space<hbm>>
      tpu.enqueue_dma source(%dma_start3A_40 : memref<40000xf32, #tpu.memory_space<hbm>>) target(%arg11 : memref<40000xf32, #tpu.memory_space<vmem>>) target_semaphore(%run_scoped3A : memref<!tpu.dma_semaphore, #tpu.memory_space<semaphore_mem>>)
      %dma_wait3A = tpu.memref_slice %arg2[%mul3A_23] : memref<2560000xf32, #tpu.memory_space<hbm>> -> memref<40000xf32, #tpu.memory_space<hbm>>
      %dma_wait3A_41 = tpu.memref_slice %arg2[%mul3A_23] : memref<2560000xf32, #tpu.memory_space<hbm>> -> memref<40000xf32, #tpu.memory_space<hbm>>
      tpu.wait_dma2 semaphore(%run_scoped3A : memref<!tpu.dma_semaphore, #tpu.memory_space<semaphore_mem>>) src(%dma_wait3A_41 : memref<40000xf32, #tpu.memory_space<hbm>>) dst(%arg11 : memref<40000xf32, #tpu.memory_space<vmem>>)
      tpu.yield
    }) : () -> ()
    %scan3A_24 = arith.constant 0 : i32
    %scan3A_25 = arith.constant 0 : i32
    %scan3A_26 = arith.constant 2560 : i32
    %scan3A_27 = arith.addi %scan3A_25, %scan3A_26 : i32
    %scan3A_28 = arith.constant 1 : i32
    scf.for %scan3A_40 = %scan3A_25 to %scan3A_27 step %scan3A_28  : i32 {
      %broadcast_in_dim3A = arith.constant 0.000000e+00 : f32
      %broadcast_in_dim3A_41 = vector.broadcast %broadcast_in_dim3A : f32 to vector<16xf32>
      %mul3A_42 = arith.constant 16 : i32
      %mul3A_43 = arith.muli %scan3A_40, %mul3A_42 : i32
      %swap3A = arith.index_cast %mul3A_43 : i32 to index
      %swap3A_44 = tpu.vector_load %arg12[%swap3A] {strides = array<i32>} : memref<40960xf32, #tpu.memory_space<vmem>>, vector<16xf32>,
      tpu.vector_store %arg12[%swap3A], %broadcast_in_dim3A_41 {strides = array<i32>} : memref<40960xf32, #tpu.memory_space<vmem>>, vector<16xf32>,
    }
    %scan3A_29 = arith.constant 2560 : i32
    %scan3A_30 = arith.constant 0 : i32
    %scan3A_31 = arith.constant 0 : i32
    %scan3A_32 = arith.constant 20 : i32
    %scan3A_33 = arith.addi %scan3A_31, %scan3A_32 : i32
    %scan3A_34 = arith.constant 1 : i32
    scf.for %scan3A_40 = %scan3A_31 to %scan3A_33 step %scan3A_34  : i32 {
      %mul3A_41 = arith.constant 8000 : i32
      %mul3A_42 = arith.muli %scan3A_40, %mul3A_41 : i32
      %add3A_43 = arith.constant 160000 : i32
      %add3A_44 = arith.addi %add3A_43, %mul3A_42 : i32
      %dma_start3A = tpu.memref_slice %arg3[%add3A_44] : memref<320000xi32, #tpu.memory_space<hbm>> -> memref<8000xi32, #tpu.memory_space<hbm>>
      %dma_start3A_45 = tpu.memref_slice %arg3[%add3A_44] : memref<320000xi32, #tpu.memory_space<hbm>> -> memref<8000xi32, #tpu.memory_space<hbm>>
      tpu.enqueue_dma source(%dma_start3A_45 : memref<8000xi32, #tpu.memory_space<hbm>>) target(%arg7 : memref<8000xi32, #tpu.memory_space<vmem>>) target_semaphore(%arg13 : memref<!tpu.dma_semaphore, #tpu.memory_space<semaphore_mem>>)
      %dma_start3A_46 = tpu.memref_slice %arg4[%mul3A_42] : memref<160000xf32, #tpu.memory_space<hbm>> -> memref<8000xf32, #tpu.memory_space<hbm>>
      %dma_start3A_47 = tpu.memref_slice %arg4[%mul3A_42] : memref<160000xf32, #tpu.memory_space<hbm>> -> memref<8000xf32, #tpu.memory_space<hbm>>
      tpu.enqueue_dma source(%dma_start3A_47 : memref<8000xf32, #tpu.memory_space<hbm>>) target(%arg8 : memref<8000xf32, #tpu.memory_space<vmem>>) target_semaphore(%arg13 : memref<!tpu.dma_semaphore, #tpu.memory_space<semaphore_mem>>)
      %dma_start3A_48 = tpu.memref_slice %arg5[%mul3A_42] : memref<160000xf32, #tpu.memory_space<hbm>> -> memref<8000xf32, #tpu.memory_space<hbm>>
      %dma_start3A_49 = tpu.memref_slice %arg5[%mul3A_42] : memref<160000xf32, #tpu.memory_space<hbm>> -> memref<8000xf32, #tpu.memory_space<hbm>>
      tpu.enqueue_dma source(%dma_start3A_49 : memref<8000xf32, #tpu.memory_space<hbm>>) target(%arg9 : memref<8000xf32, #tpu.memory_space<vmem>>) target_semaphore(%arg13 : memref<!tpu.dma_semaphore, #tpu.memory_space<semaphore_mem>>)
      %dma_wait3A = tpu.memref_slice %arg3[%add3A_44] : memref<320000xi32, #tpu.memory_space<hbm>> -> memref<8000xi32, #tpu.memory_space<hbm>>
      %dma_wait3A_50 = tpu.memref_slice %arg3[%add3A_44] : memref<320000xi32, #tpu.memory_space<hbm>> -> memref<8000xi32, #tpu.memory_space<hbm>>
      tpu.wait_dma2 semaphore(%arg13 : memref<!tpu.dma_semaphore, #tpu.memory_space<semaphore_mem>>) src(%dma_wait3A_50 : memref<8000xi32, #tpu.memory_space<hbm>>) dst(%arg7 : memref<8000xi32, #tpu.memory_space<vmem>>)
      %dma_wait3A_51 = tpu.memref_slice %arg4[%mul3A_42] : memref<160000xf32, #tpu.memory_space<hbm>> -> memref<8000xf32, #tpu.memory_space<hbm>>
      %dma_wait3A_52 = tpu.memref_slice %arg4[%mul3A_42] : memref<160000xf32, #tpu.memory_space<hbm>> -> memref<8000xf32, #tpu.memory_space<hbm>>
      tpu.wait_dma2 semaphore(%arg13 : memref<!tpu.dma_semaphore, #tpu.memory_space<semaphore_mem>>) src(%dma_wait3A_52 : memref<8000xf32, #tpu.memory_space<hbm>>) dst(%arg8 : memref<8000xf32, #tpu.memory_space<vmem>>)
      %dma_wait3A_53 = tpu.memref_slice %arg5[%mul3A_42] : memref<160000xf32, #tpu.memory_space<hbm>> -> memref<8000xf32, #tpu.memory_space<hbm>>
      %dma_wait3A_54 = tpu.memref_slice %arg5[%mul3A_42] : memref<160000xf32, #tpu.memory_space<hbm>> -> memref<8000xf32, #tpu.memory_space<hbm>>
      tpu.wait_dma2 semaphore(%arg13 : memref<!tpu.dma_semaphore, #tpu.memory_space<semaphore_mem>>) src(%dma_wait3A_54 : memref<8000xf32, #tpu.memory_space<hbm>>) dst(%arg9 : memref<8000xf32, #tpu.memory_space<vmem>>)
      %parallel_loop3A = arith.constant 0 : i32
      %parallel_loop3A_55 = arith.constant 500 : i32
      %parallel_loop3A_56 = arith.constant 1 : i32
      scf.for %parallel_loop3A_60 = %parallel_loop3A to %parallel_loop3A_55 step %parallel_loop3A_56  : i32 {
        %parallel_loop3A_61 = arith.constant 16 : i32
        %parallel_loop3A_62 = arith.muli %parallel_loop3A_60, %parallel_loop3A_61 : i32
        %parallel_loop3A_63 = arith.index_cast %parallel_loop3A_62 : i32 to index
        %parallel_loop3A_64 = tpu.vector_load %arg8[%parallel_loop3A_63] {strides = array<i32>} : memref<8000xf32, #tpu.memory_space<vmem>>, vector<16xf32>,
        %parallel_loop3A_65 = arith.index_cast %parallel_loop3A_62 : i32 to index
        %parallel_loop3A_66 = tpu.vector_load %arg9[%parallel_loop3A_65] {strides = array<i32>} : memref<8000xf32, #tpu.memory_space<vmem>>, vector<16xf32>,
        %parallel_loop3A_67 = arith.mulf %parallel_loop3A_64, %parallel_loop3A_66 : vector<16xf32>
        %parallel_loop3A_68 = arith.constant 1.11111116 : f32
        %parallel_loop3A_69 = vector.broadcast %parallel_loop3A_68 : f32 to vector<16xf32>
        %parallel_loop3A_70 = arith.mulf %parallel_loop3A_67, %parallel_loop3A_69 : vector<16xf32>
        %parallel_loop3A_71 = arith.index_cast %parallel_loop3A_62 : i32 to index
        %parallel_loop3A_72 = tpu.vector_load %arg10[%parallel_loop3A_71] {strides = array<i32>} : memref<8000xf32, #tpu.memory_space<vmem>>, vector<16xf32>,
        tpu.vector_store %arg10[%parallel_loop3A_71], %parallel_loop3A_70 {strides = array<i32>} : memref<8000xf32, #tpu.memory_space<vmem>>, vector<16xf32>,
      } {sc.loop_unroll_factor = 4 : i64, sc.parallel_access}
      %parallel_loop3A_57 = arith.constant 0 : i32
      %parallel_loop3A_58 = arith.constant 500 : i32
      %parallel_loop3A_59 = arith.constant 1 : i32
      scf.for %parallel_loop3A_60 = %parallel_loop3A_57 to %parallel_loop3A_58 step %parallel_loop3A_59  : i32 {
        %parallel_loop3A_61 = arith.constant 16 : i32
        %parallel_loop3A_62 = arith.muli %parallel_loop3A_60, %parallel_loop3A_61 : i32
        %parallel_loop3A_63 = arith.index_cast %parallel_loop3A_62 : i32 to index
        %parallel_loop3A_64 = tpu.vector_load %arg7[%parallel_loop3A_63] {strides = array<i32>} : memref<8000xi32, #tpu.memory_space<vmem>>, vector<16xi32>,
        %parallel_loop3A_65 = arith.index_cast %parallel_loop3A_62 : i32 to index
        %parallel_loop3A_66 = tpu.vector_load %arg10[%parallel_loop3A_65] {strides = array<i32>} : memref<8000xf32, #tpu.memory_space<vmem>>, vector<16xf32>,
        %parallel_loop3A_67 = arith.constant 65535 : i32
        %parallel_loop3A_68 = vector.broadcast %parallel_loop3A_67 : i32 to vector<16xi32>
        %parallel_loop3A_69 = arith.andi %parallel_loop3A_64, %parallel_loop3A_68 : vector<16xi32>
        %parallel_loop3A_70 = arith.constant 16 : i32
        %parallel_loop3A_71 = vector.broadcast %parallel_loop3A_70 : i32 to vector<16xi32>
        %parallel_loop3A_72 = arith.shrui %parallel_loop3A_64, %parallel_loop3A_71 : vector<16xi32>
        %parallel_loop3A_73 = arith.constant 0 : i32
        %parallel_loop3A_74 = vector.broadcast %parallel_loop3A_73 : i32 to vector<16xi32>
        %parallel_loop3A_75 = arith.addi %parallel_loop3A_69, %parallel_loop3A_74 : vector<16xi32>
        %parallel_loop3A_76 = tpu.vector_load_idx %arg11[%parallel_loop3A_75] : memref<40000xf32, #tpu.memory_space<vmem>>[vector<16xi32>], vector<16xf32>,
        %parallel_loop3A_77 = arith.constant 0 : i32
        %parallel_loop3A_78 = vector.broadcast %parallel_loop3A_77 : i32 to vector<16xi32>
        %parallel_loop3A_79 = arith.addi %parallel_loop3A_72, %parallel_loop3A_78 : vector<16xi32>
        %parallel_loop3A_80 = arith.mulf %parallel_loop3A_76, %parallel_loop3A_66 : vector<16xf32>
        tpu.vector_store_idx %arg12[%parallel_loop3A_79], %parallel_loop3A_80 {add = true} : memref<40960xf32, #tpu.memory_space<vmem>>[vector<16xi32>], vector<16xf32>,
        %parallel_loop3A_81 = arith.constant 1 : i32
        %parallel_loop3A_82 = vector.broadcast %parallel_loop3A_81 : i32 to vector<16xi32>
        %parallel_loop3A_83 = arith.addi %parallel_loop3A_69, %parallel_loop3A_82 : vector<16xi32>
        %parallel_loop3A_84 = tpu.vector_load_idx %arg11[%parallel_loop3A_83] : memref<40000xf32, #tpu.memory_space<vmem>>[vector<16xi32>], vector<16xf32>,
        %parallel_loop3A_85 = arith.constant 1 : i32
        %parallel_loop3A_86 = vector.broadcast %parallel_loop3A_85 : i32 to vector<16xi32>
        %parallel_loop3A_87 = arith.addi %parallel_loop3A_72, %parallel_loop3A_86 : vector<16xi32>
        %parallel_loop3A_88 = arith.mulf %parallel_loop3A_84, %parallel_loop3A_66 : vector<16xf32>
        tpu.vector_store_idx %arg12[%parallel_loop3A_87], %parallel_loop3A_88 {add = true} : memref<40960xf32, #tpu.memory_space<vmem>>[vector<16xi32>], vector<16xf32>,
        %parallel_loop3A_89 = arith.constant 2 : i32
        %parallel_loop3A_90 = vector.broadcast %parallel_loop3A_89 : i32 to vector<16xi32>
        %parallel_loop3A_91 = arith.addi %parallel_loop3A_69, %parallel_loop3A_90 : vector<16xi32>
        %parallel_loop3A_92 = tpu.vector_load_idx %arg11[%parallel_loop3A_91] : memref<40000xf32, #tpu.memory_space<vmem>>[vector<16xi32>], vector<16xf32>,
        %parallel_loop3A_93 = arith.constant 2 : i32
        %parallel_loop3A_94 = vector.broadcast %parallel_loop3A_93 : i32 to vector<16xi32>
        %parallel_loop3A_95 = arith.addi %parallel_loop3A_72, %parallel_loop3A_94 : vector<16xi32>
        %parallel_loop3A_96 = arith.mulf %parallel_loop3A_92, %parallel_loop3A_66 : vector<16xf32>
        tpu.vector_store_idx %arg12[%parallel_loop3A_95], %parallel_loop3A_96 {add = true} : memref<40960xf32, #tpu.memory_space<vmem>>[vector<16xi32>], vector<16xf32>,
        %parallel_loop3A_97 = arith.constant 3 : i32
        %parallel_loop3A_98 = vector.broadcast %parallel_loop3A_97 : i32 to vector<16xi32>
        %parallel_loop3A_99 = arith.addi %parallel_loop3A_69, %parallel_loop3A_98 : vector<16xi32>
        %parallel_loop3A_100 = tpu.vector_load_idx %arg11[%parallel_loop3A_99] : memref<40000xf32, #tpu.memory_space<vmem>>[vector<16xi32>], vector<16xf32>,
        %parallel_loop3A_101 = arith.constant 3 : i32
        %parallel_loop3A_102 = vector.broadcast %parallel_loop3A_101 : i32 to vector<16xi32>
        %parallel_loop3A_103 = arith.addi %parallel_loop3A_72, %parallel_loop3A_102 : vector<16xi32>
        %parallel_loop3A_104 = arith.mulf %parallel_loop3A_100, %parallel_loop3A_66 : vector<16xf32>
        tpu.vector_store_idx %arg12[%parallel_loop3A_103], %parallel_loop3A_104 {add = true} : memref<40960xf32, #tpu.memory_space<vmem>>[vector<16xi32>], vector<16xf32>,
        %parallel_loop3A_105 = arith.constant 4 : i32
        %parallel_loop3A_106 = vector.broadcast %parallel_loop3A_105 : i32 to vector<16xi32>
        %parallel_loop3A_107 = arith.addi %parallel_loop3A_69, %parallel_loop3A_106 : vector<16xi32>
        %parallel_loop3A_108 = tpu.vector_load_idx %arg11[%parallel_loop3A_107] : memref<40000xf32, #tpu.memory_space<vmem>>[vector<16xi32>], vector<16xf32>,
        %parallel_loop3A_109 = arith.constant 4 : i32
        %parallel_loop3A_110 = vector.broadcast %parallel_loop3A_109 : i32 to vector<16xi32>
        %parallel_loop3A_111 = arith.addi %parallel_loop3A_72, %parallel_loop3A_110 : vector<16xi32>
        %parallel_loop3A_112 = arith.mulf %parallel_loop3A_108, %parallel_loop3A_66 : vector<16xf32>
        tpu.vector_store_idx %arg12[%parallel_loop3A_111], %parallel_loop3A_112 {add = true} : memref<40960xf32, #tpu.memory_space<vmem>>[vector<16xi32>], vector<16xf32>,
        %parallel_loop3A_113 = arith.constant 5 : i32
        %parallel_loop3A_114 = vector.broadcast %parallel_loop3A_113 : i32 to vector<16xi32>
        %parallel_loop3A_115 = arith.addi %parallel_loop3A_69, %parallel_loop3A_114 : vector<16xi32>
        %parallel_loop3A_116 = tpu.vector_load_idx %arg11[%parallel_loop3A_115] : memref<40000xf32, #tpu.memory_space<vmem>>[vector<16xi32>], vector<16xf32>,
        %parallel_loop3A_117 = arith.constant 5 : i32
        %parallel_loop3A_118 = vector.broadcast %parallel_loop3A_117 : i32 to vector<16xi32>
        %parallel_loop3A_119 = arith.addi %parallel_loop3A_72, %parallel_loop3A_118 : vector<16xi32>
        %parallel_loop3A_120 = arith.mulf %parallel_loop3A_116, %parallel_loop3A_66 : vector<16xf32>
        tpu.vector_store_idx %arg12[%parallel_loop3A_119], %parallel_loop3A_120 {add = true} : memref<40960xf32, #tpu.memory_space<vmem>>[vector<16xi32>], vector<16xf32>,
        %parallel_loop3A_121 = arith.constant 6 : i32
        %parallel_loop3A_122 = vector.broadcast %parallel_loop3A_121 : i32 to vector<16xi32>
        %parallel_loop3A_123 = arith.addi %parallel_loop3A_69, %parallel_loop3A_122 : vector<16xi32>
        %parallel_loop3A_124 = tpu.vector_load_idx %arg11[%parallel_loop3A_123] : memref<40000xf32, #tpu.memory_space<vmem>>[vector<16xi32>], vector<16xf32>,
        %parallel_loop3A_125 = arith.constant 6 : i32
        %parallel_loop3A_126 = vector.broadcast %parallel_loop3A_125 : i32 to vector<16xi32>
        %parallel_loop3A_127 = arith.addi %parallel_loop3A_72, %parallel_loop3A_126 : vector<16xi32>
        %parallel_loop3A_128 = arith.mulf %parallel_loop3A_124, %parallel_loop3A_66 : vector<16xf32>
        tpu.vector_store_idx %arg12[%parallel_loop3A_127], %parallel_loop3A_128 {add = true} : memref<40960xf32, #tpu.memory_space<vmem>>[vector<16xi32>], vector<16xf32>,
        %parallel_loop3A_129 = arith.constant 7 : i32
        %parallel_loop3A_130 = vector.broadcast %parallel_loop3A_129 : i32 to vector<16xi32>
        %parallel_loop3A_131 = arith.addi %parallel_loop3A_69, %parallel_loop3A_130 : vector<16xi32>
        %parallel_loop3A_132 = tpu.vector_load_idx %arg11[%parallel_loop3A_131] : memref<40000xf32, #tpu.memory_space<vmem>>[vector<16xi32>], vector<16xf32>,
        %parallel_loop3A_133 = arith.constant 7 : i32
        %parallel_loop3A_134 = vector.broadcast %parallel_loop3A_133 : i32 to vector<16xi32>
        %parallel_loop3A_135 = arith.addi %parallel_loop3A_72, %parallel_loop3A_134 : vector<16xi32>
        %parallel_loop3A_136 = arith.mulf %parallel_loop3A_132, %parallel_loop3A_66 : vector<16xf32>
        tpu.vector_store_idx %arg12[%parallel_loop3A_135], %parallel_loop3A_136 {add = true} : memref<40960xf32, #tpu.memory_space<vmem>>[vector<16xi32>], vector<16xf32>,
      } {sc.loop_unroll_factor = 6 : i64, sc.parallel_access}
    }
    %scan3A_35 = arith.constant 20 : i32
    %add3A_36 = arith.constant 32 : i32
    %add3A_37 = arith.addi %add3A_36, %add3A : i32
    %mul3A_38 = arith.constant 40960 : i32
    %mul3A_39 = arith.muli %add3A_37, %mul3A_38 : i32
    "tpu.region"() ({
      %run_scoped3A = tpu.sem_alloc : memref<!tpu.dma_semaphore, #tpu.memory_space<semaphore_mem>>
      %dma_start3A = tpu.memref_slice %arg6[%mul3A_39] : memref<2621440xf32, #tpu.memory_space<hbm>> -> memref<40960xf32, #tpu.memory_space<hbm>>
      %dma_start3A_40 = tpu.memref_slice %arg6[%mul3A_39] : memref<2621440xf32, #tpu.memory_space<hbm>> -> memref<40960xf32, #tpu.memory_space<hbm>>
      tpu.enqueue_dma source(%arg12 : memref<40960xf32, #tpu.memory_space<vmem>>) target(%dma_start3A_40 : memref<40960xf32, #tpu.memory_space<hbm>>) target_semaphore(%run_scoped3A : memref<!tpu.dma_semaphore, #tpu.memory_space<semaphore_mem>>)
      %dma_wait3A = tpu.memref_slice %arg6[%mul3A_39] : memref<2621440xf32, #tpu.memory_space<hbm>> -> memref<40960xf32, #tpu.memory_space<hbm>>
      %dma_wait3A_41 = tpu.memref_slice %arg6[%mul3A_39] : memref<2621440xf32, #tpu.memory_space<hbm>> -> memref<40960xf32, #tpu.memory_space<hbm>>
      tpu.wait_dma2 semaphore(%run_scoped3A : memref<!tpu.dma_semaphore, #tpu.memory_space<semaphore_mem>>) src(%arg12 : memref<40960xf32, #tpu.memory_space<vmem>>) dst(%dma_wait3A_41 : memref<40960xf32, #tpu.memory_space<hbm>>)
      tpu.yield
    }) : () -> ()
    return
  }
}

#map = affine_map<(d0, d1) -> (0, 0)>
#map1 = affine_map<(d0, d1) -> (0)>
module attributes {stable_mosaic.version = 14 : i64} {
  func.func @_bpr_body(%arg0: i32, %arg1: i32, %arg2: memref<10000x256xf32, #tpu.memory_space<hbm>>, %arg3: memref<4096xi32, #tpu.memory_space<hbm>>, %arg4: memref<4096xi32, #tpu.memory_space<hbm>>, %arg5: memref<4096xi32, #tpu.memory_space<hbm>>, %arg6: memref<4096xf32, #tpu.memory_space<hbm>>, %arg7: memref<4096xf32, #tpu.memory_space<hbm>>, %arg8: memref<512xf32, #tpu.memory_space<hbm>>, %arg9: memref<128xi32, #tpu.memory_space<vmem>>, %arg10: memref<128xi32, #tpu.memory_space<vmem>>, %arg11: memref<128xi32, #tpu.memory_space<vmem>>, %arg12: memref<128x256xf32, #tpu.memory_space<vmem>>, %arg13: memref<128x256xf32, #tpu.memory_space<vmem>>, %arg14: memref<128x256xf32, #tpu.memory_space<vmem>>, %arg15: memref<128xf32, #tpu.memory_space<vmem>>, %arg16: memref<128xf32, #tpu.memory_space<vmem>>, %arg17: memref<16xf32, #tpu.memory_space<vmem>>, %arg18: memref<!tpu.dma_semaphore, #tpu.memory_space<semaphore_mem>>) attributes {dimension_semantics = [#tpu.dimension_semantics<core_parallel>, #tpu.dimension_semantics<subcore_parallel>], iteration_bounds = array<i64: 2, 16>, scalar_prefetch = 0 : i64, scratch_operands = 10 : i64, tpu.core_type = #tpu.core_type<sc_vector_subcore>, window_params = [{transform_indices = #map}, {transform_indices = #map1}, {transform_indices = #map1}, {transform_indices = #map1}, {transform_indices = #map1}, {transform_indices = #map1}, {transform_indices = #map1}]} {
    %mul3A = arith.constant 2 : i32
    %mul3A_0 = arith.muli %arg1, %mul3A : i32
    %add3A = arith.addi %mul3A_0, %arg0 : i32
    %mul3A_1 = arith.constant 128 : i32
    %mul3A_2 = arith.muli %add3A, %mul3A_1 : i32
    "tpu.region"() ({
      %run_scoped3A = tpu.sem_alloc : memref<!tpu.dma_semaphore, #tpu.memory_space<semaphore_mem>>
      %dma_start3A_28 = tpu.memref_slice %arg3[%mul3A_2] : memref<4096xi32, #tpu.memory_space<hbm>> -> memref<128xi32, #tpu.memory_space<hbm>>
      %dma_start3A_29 = tpu.memref_slice %arg3[%mul3A_2] : memref<4096xi32, #tpu.memory_space<hbm>> -> memref<128xi32, #tpu.memory_space<hbm>>
      tpu.enqueue_dma source(%dma_start3A_29 : memref<128xi32, #tpu.memory_space<hbm>>) target(%arg9 : memref<128xi32, #tpu.memory_space<vmem>>) target_semaphore(%run_scoped3A : memref<!tpu.dma_semaphore, #tpu.memory_space<semaphore_mem>>)
      %dma_wait3A_30 = tpu.memref_slice %arg3[%mul3A_2] : memref<4096xi32, #tpu.memory_space<hbm>> -> memref<128xi32, #tpu.memory_space<hbm>>
      %dma_wait3A_31 = tpu.memref_slice %arg3[%mul3A_2] : memref<4096xi32, #tpu.memory_space<hbm>> -> memref<128xi32, #tpu.memory_space<hbm>>
      tpu.wait_dma2 semaphore(%run_scoped3A : memref<!tpu.dma_semaphore, #tpu.memory_space<semaphore_mem>>) src(%dma_wait3A_31 : memref<128xi32, #tpu.memory_space<hbm>>) dst(%arg9 : memref<128xi32, #tpu.memory_space<vmem>>)
      tpu.yield
    }) : () -> ()
    "tpu.region"() ({
      %run_scoped3A = tpu.sem_alloc : memref<!tpu.dma_semaphore, #tpu.memory_space<semaphore_mem>>
      %dma_start3A_28 = tpu.memref_slice %arg4[%mul3A_2] : memref<4096xi32, #tpu.memory_space<hbm>> -> memref<128xi32, #tpu.memory_space<hbm>>
      %dma_start3A_29 = tpu.memref_slice %arg4[%mul3A_2] : memref<4096xi32, #tpu.memory_space<hbm>> -> memref<128xi32, #tpu.memory_space<hbm>>
      tpu.enqueue_dma source(%dma_start3A_29 : memref<128xi32, #tpu.memory_space<hbm>>) target(%arg10 : memref<128xi32, #tpu.memory_space<vmem>>) target_semaphore(%run_scoped3A : memref<!tpu.dma_semaphore, #tpu.memory_space<semaphore_mem>>)
      %dma_wait3A_30 = tpu.memref_slice %arg4[%mul3A_2] : memref<4096xi32, #tpu.memory_space<hbm>> -> memref<128xi32, #tpu.memory_space<hbm>>
      %dma_wait3A_31 = tpu.memref_slice %arg4[%mul3A_2] : memref<4096xi32, #tpu.memory_space<hbm>> -> memref<128xi32, #tpu.memory_space<hbm>>
      tpu.wait_dma2 semaphore(%run_scoped3A : memref<!tpu.dma_semaphore, #tpu.memory_space<semaphore_mem>>) src(%dma_wait3A_31 : memref<128xi32, #tpu.memory_space<hbm>>) dst(%arg10 : memref<128xi32, #tpu.memory_space<vmem>>)
      tpu.yield
    }) : () -> ()
    "tpu.region"() ({
      %run_scoped3A = tpu.sem_alloc : memref<!tpu.dma_semaphore, #tpu.memory_space<semaphore_mem>>
      %dma_start3A_28 = tpu.memref_slice %arg5[%mul3A_2] : memref<4096xi32, #tpu.memory_space<hbm>> -> memref<128xi32, #tpu.memory_space<hbm>>
      %dma_start3A_29 = tpu.memref_slice %arg5[%mul3A_2] : memref<4096xi32, #tpu.memory_space<hbm>> -> memref<128xi32, #tpu.memory_space<hbm>>
      tpu.enqueue_dma source(%dma_start3A_29 : memref<128xi32, #tpu.memory_space<hbm>>) target(%arg11 : memref<128xi32, #tpu.memory_space<vmem>>) target_semaphore(%run_scoped3A : memref<!tpu.dma_semaphore, #tpu.memory_space<semaphore_mem>>)
      %dma_wait3A_30 = tpu.memref_slice %arg5[%mul3A_2] : memref<4096xi32, #tpu.memory_space<hbm>> -> memref<128xi32, #tpu.memory_space<hbm>>
      %dma_wait3A_31 = tpu.memref_slice %arg5[%mul3A_2] : memref<4096xi32, #tpu.memory_space<hbm>> -> memref<128xi32, #tpu.memory_space<hbm>>
      tpu.wait_dma2 semaphore(%run_scoped3A : memref<!tpu.dma_semaphore, #tpu.memory_space<semaphore_mem>>) src(%dma_wait3A_31 : memref<128xi32, #tpu.memory_space<hbm>>) dst(%arg11 : memref<128xi32, #tpu.memory_space<vmem>>)
      tpu.yield
    }) : () -> ()
    %dma_start3A = arith.constant 0 : i32
    %dma_start3A_3 = arith.constant 0 : i32
    %dma_start3A_4 = tpu.memref_slice %arg2[%dma_start3A, %dma_start3A_3] : memref<10000x256xf32, #tpu.memory_space<hbm>> -> memref<10000x256xf32, #tpu.memory_space<hbm>>
    tpu.enqueue_indirect_dma source(%dma_start3A_4 : memref<10000x256xf32, #tpu.memory_space<hbm>>) target(%arg12 : memref<128x256xf32, #tpu.memory_space<vmem>>) offsets(%arg9 : memref<128xi32, #tpu.memory_space<vmem>>) semaphore(%arg18 : memref<!tpu.dma_semaphore, #tpu.memory_space<semaphore_mem>>)
    %dma_start3A_5 = arith.constant 0 : i32
    %dma_start3A_6 = arith.constant 0 : i32
    %dma_start3A_7 = tpu.memref_slice %arg2[%dma_start3A_5, %dma_start3A_6] : memref<10000x256xf32, #tpu.memory_space<hbm>> -> memref<10000x256xf32, #tpu.memory_space<hbm>>
    tpu.enqueue_indirect_dma source(%dma_start3A_7 : memref<10000x256xf32, #tpu.memory_space<hbm>>) target(%arg13 : memref<128x256xf32, #tpu.memory_space<vmem>>) offsets(%arg10 : memref<128xi32, #tpu.memory_space<vmem>>) semaphore(%arg18 : memref<!tpu.dma_semaphore, #tpu.memory_space<semaphore_mem>>)
    %dma_start3A_8 = arith.constant 0 : i32
    %dma_start3A_9 = arith.constant 0 : i32
    %dma_start3A_10 = tpu.memref_slice %arg2[%dma_start3A_8, %dma_start3A_9] : memref<10000x256xf32, #tpu.memory_space<hbm>> -> memref<10000x256xf32, #tpu.memory_space<hbm>>
    tpu.enqueue_indirect_dma source(%dma_start3A_10 : memref<10000x256xf32, #tpu.memory_space<hbm>>) target(%arg14 : memref<128x256xf32, #tpu.memory_space<vmem>>) offsets(%arg11 : memref<128xi32, #tpu.memory_space<vmem>>) semaphore(%arg18 : memref<!tpu.dma_semaphore, #tpu.memory_space<semaphore_mem>>)
    %dma_wait3A = arith.constant 0 : i32
    %dma_wait3A_11 = arith.constant 0 : i32
    %dma_wait3A_12 = tpu.memref_slice %arg2[%dma_wait3A, %dma_wait3A_11] : memref<10000x256xf32, #tpu.memory_space<hbm>> -> memref<10000x256xf32, #tpu.memory_space<hbm>>
    tpu.wait_indirect_dma semaphore(%arg18 : memref<!tpu.dma_semaphore, #tpu.memory_space<semaphore_mem>>) src(%dma_wait3A_12 : memref<10000x256xf32, #tpu.memory_space<hbm>>) dst(%arg12 : memref<128x256xf32, #tpu.memory_space<vmem>>)
    %dma_wait3A_13 = arith.constant 0 : i32
    %dma_wait3A_14 = arith.constant 0 : i32
    %dma_wait3A_15 = tpu.memref_slice %arg2[%dma_wait3A_13, %dma_wait3A_14] : memref<10000x256xf32, #tpu.memory_space<hbm>> -> memref<10000x256xf32, #tpu.memory_space<hbm>>
    tpu.wait_indirect_dma semaphore(%arg18 : memref<!tpu.dma_semaphore, #tpu.memory_space<semaphore_mem>>) src(%dma_wait3A_15 : memref<10000x256xf32, #tpu.memory_space<hbm>>) dst(%arg13 : memref<128x256xf32, #tpu.memory_space<vmem>>)
    %dma_wait3A_16 = arith.constant 0 : i32
    %dma_wait3A_17 = arith.constant 0 : i32
    %dma_wait3A_18 = tpu.memref_slice %arg2[%dma_wait3A_16, %dma_wait3A_17] : memref<10000x256xf32, #tpu.memory_space<hbm>> -> memref<10000x256xf32, #tpu.memory_space<hbm>>
    tpu.wait_indirect_dma semaphore(%arg18 : memref<!tpu.dma_semaphore, #tpu.memory_space<semaphore_mem>>) src(%dma_wait3A_18 : memref<10000x256xf32, #tpu.memory_space<hbm>>) dst(%arg14 : memref<128x256xf32, #tpu.memory_space<vmem>>)
    %iota3A = tpu.iota {dimensions = array<i32: 0>} : vector<16xi32>
    %broadcast_in_dim3A = arith.constant 0.000000e+00 : f32
    %broadcast_in_dim3A_19 = vector.broadcast %broadcast_in_dim3A : f32 to vector<16xf32>
    %scan3A = arith.constant 0 : i32
    %scan3A_20 = arith.constant 128 : i32
    %scan3A_21 = arith.addi %scan3A, %scan3A_20 : i32
    %scan3A_22 = arith.constant 1 : i32
    %scan3A_23:3 = scf.for %scan3A_28 = %scan3A to %scan3A_21 step %scan3A_22 iter_args(%scan3A_29 = %broadcast_in_dim3A_19, %scan3A_30 = %broadcast_in_dim3A_19, %scan3A_31 = %broadcast_in_dim3A_19) -> (vector<16xf32>, vector<16xf32>, vector<16xf32>)  : i32 {
      %get3A = arith.index_cast %scan3A_28 : i32 to index
      %get3A_32 = arith.constant 0 : index
      %get3A_33 = tpu.vector_load %arg12[%get3A, %get3A_32] {strides = array<i32>} : memref<128x256xf32, #tpu.memory_space<vmem>>, vector<16xf32>,
      %get3A_34 = arith.index_cast %scan3A_28 : i32 to index
      %get3A_35 = arith.constant 0 : index
      %get3A_36 = tpu.vector_load %arg13[%get3A_34, %get3A_35] {strides = array<i32>} : memref<128x256xf32, #tpu.memory_space<vmem>>, vector<16xf32>,
      %get3A_37 = arith.index_cast %scan3A_28 : i32 to index
      %get3A_38 = arith.constant 0 : index
      %get3A_39 = tpu.vector_load %arg14[%get3A_37, %get3A_38] {strides = array<i32>} : memref<128x256xf32, #tpu.memory_space<vmem>>, vector<16xf32>,
      %mul3A_40 = arith.mulf %get3A_33, %get3A_36 : vector<16xf32>
      %add3A_41 = arith.addf %broadcast_in_dim3A_19, %mul3A_40 : vector<16xf32>
      %mul3A_42 = arith.mulf %get3A_33, %get3A_39 : vector<16xf32>
      %add3A_43 = arith.addf %broadcast_in_dim3A_19, %mul3A_42 : vector<16xf32>
      %mul3A_44 = arith.mulf %get3A_33, %get3A_33 : vector<16xf32>
      %add3A_45 = arith.addf %scan3A_29, %mul3A_44 : vector<16xf32>
      %mul3A_46 = arith.mulf %get3A_36, %get3A_36 : vector<16xf32>
      %add3A_47 = arith.addf %add3A_45, %mul3A_46 : vector<16xf32>
      %mul3A_48 = arith.mulf %get3A_39, %get3A_39 : vector<16xf32>
      %add3A_49 = arith.addf %add3A_47, %mul3A_48 : vector<16xf32>
      %get3A_50 = arith.index_cast %scan3A_28 : i32 to index
      %get3A_51 = arith.constant 16 : index
      %get3A_52 = tpu.vector_load %arg12[%get3A_50, %get3A_51] {strides = array<i32>} : memref<128x256xf32, #tpu.memory_space<vmem>>, vector<16xf32>,
      %get3A_53 = arith.index_cast %scan3A_28 : i32 to index
      %get3A_54 = arith.constant 16 : index
      %get3A_55 = tpu.vector_load %arg13[%get3A_53, %get3A_54] {strides = array<i32>} : memref<128x256xf32, #tpu.memory_space<vmem>>, vector<16xf32>,
      %get3A_56 = arith.index_cast %scan3A_28 : i32 to index
      %get3A_57 = arith.constant 16 : index
      %get3A_58 = tpu.vector_load %arg14[%get3A_56, %get3A_57] {strides = array<i32>} : memref<128x256xf32, #tpu.memory_space<vmem>>, vector<16xf32>,
      %mul3A_59 = arith.mulf %get3A_52, %get3A_55 : vector<16xf32>
      %add3A_60 = arith.addf %add3A_41, %mul3A_59 : vector<16xf32>
      %mul3A_61 = arith.mulf %get3A_52, %get3A_58 : vector<16xf32>
      %add3A_62 = arith.addf %add3A_43, %mul3A_61 : vector<16xf32>
      %mul3A_63 = arith.mulf %get3A_52, %get3A_52 : vector<16xf32>
      %add3A_64 = arith.addf %add3A_49, %mul3A_63 : vector<16xf32>
      %mul3A_65 = arith.mulf %get3A_55, %get3A_55 : vector<16xf32>
      %add3A_66 = arith.addf %add3A_64, %mul3A_65 : vector<16xf32>
      %mul3A_67 = arith.mulf %get3A_58, %get3A_58 : vector<16xf32>
      %add3A_68 = arith.addf %add3A_66, %mul3A_67 : vector<16xf32>
      %get3A_69 = arith.index_cast %scan3A_28 : i32 to index
      %get3A_70 = arith.constant 32 : index
      %get3A_71 = tpu.vector_load %arg12[%get3A_69, %get3A_70] {strides = array<i32>} : memref<128x256xf32, #tpu.memory_space<vmem>>, vector<16xf32>,
      %get3A_72 = arith.index_cast %scan3A_28 : i32 to index
      %get3A_73 = arith.constant 32 : index
      %get3A_74 = tpu.vector_load %arg13[%get3A_72, %get3A_73] {strides = array<i32>} : memref<128x256xf32, #tpu.memory_space<vmem>>, vector<16xf32>,
      %get3A_75 = arith.index_cast %scan3A_28 : i32 to index
      %get3A_76 = arith.constant 32 : index
      %get3A_77 = tpu.vector_load %arg14[%get3A_75, %get3A_76] {strides = array<i32>} : memref<128x256xf32, #tpu.memory_space<vmem>>, vector<16xf32>,
      %mul3A_78 = arith.mulf %get3A_71, %get3A_74 : vector<16xf32>
      %add3A_79 = arith.addf %add3A_60, %mul3A_78 : vector<16xf32>
      %mul3A_80 = arith.mulf %get3A_71, %get3A_77 : vector<16xf32>
      %add3A_81 = arith.addf %add3A_62, %mul3A_80 : vector<16xf32>
      %mul3A_82 = arith.mulf %get3A_71, %get3A_71 : vector<16xf32>
      %add3A_83 = arith.addf %add3A_68, %mul3A_82 : vector<16xf32>
      %mul3A_84 = arith.mulf %get3A_74, %get3A_74 : vector<16xf32>
      %add3A_85 = arith.addf %add3A_83, %mul3A_84 : vector<16xf32>
      %mul3A_86 = arith.mulf %get3A_77, %get3A_77 : vector<16xf32>
      %add3A_87 = arith.addf %add3A_85, %mul3A_86 : vector<16xf32>
      %get3A_88 = arith.index_cast %scan3A_28 : i32 to index
      %get3A_89 = arith.constant 48 : index
      %get3A_90 = tpu.vector_load %arg12[%get3A_88, %get3A_89] {strides = array<i32>} : memref<128x256xf32, #tpu.memory_space<vmem>>, vector<16xf32>,
      %get3A_91 = arith.index_cast %scan3A_28 : i32 to index
      %get3A_92 = arith.constant 48 : index
      %get3A_93 = tpu.vector_load %arg13[%get3A_91, %get3A_92] {strides = array<i32>} : memref<128x256xf32, #tpu.memory_space<vmem>>, vector<16xf32>,
      %get3A_94 = arith.index_cast %scan3A_28 : i32 to index
      %get3A_95 = arith.constant 48 : index
      %get3A_96 = tpu.vector_load %arg14[%get3A_94, %get3A_95] {strides = array<i32>} : memref<128x256xf32, #tpu.memory_space<vmem>>, vector<16xf32>,
      %mul3A_97 = arith.mulf %get3A_90, %get3A_93 : vector<16xf32>
      %add3A_98 = arith.addf %add3A_79, %mul3A_97 : vector<16xf32>
      %mul3A_99 = arith.mulf %get3A_90, %get3A_96 : vector<16xf32>
      %add3A_100 = arith.addf %add3A_81, %mul3A_99 : vector<16xf32>
      %mul3A_101 = arith.mulf %get3A_90, %get3A_90 : vector<16xf32>
      %add3A_102 = arith.addf %add3A_87, %mul3A_101 : vector<16xf32>
      %mul3A_103 = arith.mulf %get3A_93, %get3A_93 : vector<16xf32>
      %add3A_104 = arith.addf %add3A_102, %mul3A_103 : vector<16xf32>
      %mul3A_105 = arith.mulf %get3A_96, %get3A_96 : vector<16xf32>
      %add3A_106 = arith.addf %add3A_104, %mul3A_105 : vector<16xf32>
      %get3A_107 = arith.index_cast %scan3A_28 : i32 to index
      %get3A_108 = arith.constant 64 : index
      %get3A_109 = tpu.vector_load %arg12[%get3A_107, %get3A_108] {strides = array<i32>} : memref<128x256xf32, #tpu.memory_space<vmem>>, vector<16xf32>,
      %get3A_110 = arith.index_cast %scan3A_28 : i32 to index
      %get3A_111 = arith.constant 64 : index
      %get3A_112 = tpu.vector_load %arg13[%get3A_110, %get3A_111] {strides = array<i32>} : memref<128x256xf32, #tpu.memory_space<vmem>>, vector<16xf32>,
      %get3A_113 = arith.index_cast %scan3A_28 : i32 to index
      %get3A_114 = arith.constant 64 : index
      %get3A_115 = tpu.vector_load %arg14[%get3A_113, %get3A_114] {strides = array<i32>} : memref<128x256xf32, #tpu.memory_space<vmem>>, vector<16xf32>,
      %mul3A_116 = arith.mulf %get3A_109, %get3A_112 : vector<16xf32>
      %add3A_117 = arith.addf %add3A_98, %mul3A_116 : vector<16xf32>
      %mul3A_118 = arith.mulf %get3A_109, %get3A_115 : vector<16xf32>
      %add3A_119 = arith.addf %add3A_100, %mul3A_118 : vector<16xf32>
      %mul3A_120 = arith.mulf %get3A_109, %get3A_109 : vector<16xf32>
      %add3A_121 = arith.addf %add3A_106, %mul3A_120 : vector<16xf32>
      %mul3A_122 = arith.mulf %get3A_112, %get3A_112 : vector<16xf32>
      %add3A_123 = arith.addf %add3A_121, %mul3A_122 : vector<16xf32>
      %mul3A_124 = arith.mulf %get3A_115, %get3A_115 : vector<16xf32>
      %add3A_125 = arith.addf %add3A_123, %mul3A_124 : vector<16xf32>
      %get3A_126 = arith.index_cast %scan3A_28 : i32 to index
      %get3A_127 = arith.constant 80 : index
      %get3A_128 = tpu.vector_load %arg12[%get3A_126, %get3A_127] {strides = array<i32>} : memref<128x256xf32, #tpu.memory_space<vmem>>, vector<16xf32>,
      %get3A_129 = arith.index_cast %scan3A_28 : i32 to index
      %get3A_130 = arith.constant 80 : index
      %get3A_131 = tpu.vector_load %arg13[%get3A_129, %get3A_130] {strides = array<i32>} : memref<128x256xf32, #tpu.memory_space<vmem>>, vector<16xf32>,
      %get3A_132 = arith.index_cast %scan3A_28 : i32 to index
      %get3A_133 = arith.constant 80 : index
      %get3A_134 = tpu.vector_load %arg14[%get3A_132, %get3A_133] {strides = array<i32>} : memref<128x256xf32, #tpu.memory_space<vmem>>, vector<16xf32>,
      %mul3A_135 = arith.mulf %get3A_128, %get3A_131 : vector<16xf32>
      %add3A_136 = arith.addf %add3A_117, %mul3A_135 : vector<16xf32>
      %mul3A_137 = arith.mulf %get3A_128, %get3A_134 : vector<16xf32>
      %add3A_138 = arith.addf %add3A_119, %mul3A_137 : vector<16xf32>
      %mul3A_139 = arith.mulf %get3A_128, %get3A_128 : vector<16xf32>
      %add3A_140 = arith.addf %add3A_125, %mul3A_139 : vector<16xf32>
      %mul3A_141 = arith.mulf %get3A_131, %get3A_131 : vector<16xf32>
      %add3A_142 = arith.addf %add3A_140, %mul3A_141 : vector<16xf32>
      %mul3A_143 = arith.mulf %get3A_134, %get3A_134 : vector<16xf32>
      %add3A_144 = arith.addf %add3A_142, %mul3A_143 : vector<16xf32>
      %get3A_145 = arith.index_cast %scan3A_28 : i32 to index
      %get3A_146 = arith.constant 96 : index
      %get3A_147 = tpu.vector_load %arg12[%get3A_145, %get3A_146] {strides = array<i32>} : memref<128x256xf32, #tpu.memory_space<vmem>>, vector<16xf32>,
      %get3A_148 = arith.index_cast %scan3A_28 : i32 to index
      %get3A_149 = arith.constant 96 : index
      %get3A_150 = tpu.vector_load %arg13[%get3A_148, %get3A_149] {strides = array<i32>} : memref<128x256xf32, #tpu.memory_space<vmem>>, vector<16xf32>,
      %get3A_151 = arith.index_cast %scan3A_28 : i32 to index
      %get3A_152 = arith.constant 96 : index
      %get3A_153 = tpu.vector_load %arg14[%get3A_151, %get3A_152] {strides = array<i32>} : memref<128x256xf32, #tpu.memory_space<vmem>>, vector<16xf32>,
      %mul3A_154 = arith.mulf %get3A_147, %get3A_150 : vector<16xf32>
      %add3A_155 = arith.addf %add3A_136, %mul3A_154 : vector<16xf32>
      %mul3A_156 = arith.mulf %get3A_147, %get3A_153 : vector<16xf32>
      %add3A_157 = arith.addf %add3A_138, %mul3A_156 : vector<16xf32>
      %mul3A_158 = arith.mulf %get3A_147, %get3A_147 : vector<16xf32>
      %add3A_159 = arith.addf %add3A_144, %mul3A_158 : vector<16xf32>
      %mul3A_160 = arith.mulf %get3A_150, %get3A_150 : vector<16xf32>
      %add3A_161 = arith.addf %add3A_159, %mul3A_160 : vector<16xf32>
      %mul3A_162 = arith.mulf %get3A_153, %get3A_153 : vector<16xf32>
      %add3A_163 = arith.addf %add3A_161, %mul3A_162 : vector<16xf32>
      %get3A_164 = arith.index_cast %scan3A_28 : i32 to index
      %get3A_165 = arith.constant 112 : index
      %get3A_166 = tpu.vector_load %arg12[%get3A_164, %get3A_165] {strides = array<i32>} : memref<128x256xf32, #tpu.memory_space<vmem>>, vector<16xf32>,
      %get3A_167 = arith.index_cast %scan3A_28 : i32 to index
      %get3A_168 = arith.constant 112 : index
      %get3A_169 = tpu.vector_load %arg13[%get3A_167, %get3A_168] {strides = array<i32>} : memref<128x256xf32, #tpu.memory_space<vmem>>, vector<16xf32>,
      %get3A_170 = arith.index_cast %scan3A_28 : i32 to index
      %get3A_171 = arith.constant 112 : index
      %get3A_172 = tpu.vector_load %arg14[%get3A_170, %get3A_171] {strides = array<i32>} : memref<128x256xf32, #tpu.memory_space<vmem>>, vector<16xf32>,
      %mul3A_173 = arith.mulf %get3A_166, %get3A_169 : vector<16xf32>
      %add3A_174 = arith.addf %add3A_155, %mul3A_173 : vector<16xf32>
      %mul3A_175 = arith.mulf %get3A_166, %get3A_172 : vector<16xf32>
      %add3A_176 = arith.addf %add3A_157, %mul3A_175 : vector<16xf32>
      %mul3A_177 = arith.mulf %get3A_166, %get3A_166 : vector<16xf32>
      %add3A_178 = arith.addf %add3A_163, %mul3A_177 : vector<16xf32>
      %mul3A_179 = arith.mulf %get3A_169, %get3A_169 : vector<16xf32>
      %add3A_180 = arith.addf %add3A_178, %mul3A_179 : vector<16xf32>
      %mul3A_181 = arith.mulf %get3A_172, %get3A_172 : vector<16xf32>
      %add3A_182 = arith.addf %add3A_180, %mul3A_181 : vector<16xf32>
      %get3A_183 = arith.index_cast %scan3A_28 : i32 to index
      %get3A_184 = arith.constant 128 : index
      %get3A_185 = tpu.vector_load %arg12[%get3A_183, %get3A_184] {strides = array<i32>} : memref<128x256xf32, #tpu.memory_space<vmem>>, vector<16xf32>,
      %get3A_186 = arith.index_cast %scan3A_28 : i32 to index
      %get3A_187 = arith.constant 128 : index
      %get3A_188 = tpu.vector_load %arg13[%get3A_186, %get3A_187] {strides = array<i32>} : memref<128x256xf32, #tpu.memory_space<vmem>>, vector<16xf32>,
      %get3A_189 = arith.index_cast %scan3A_28 : i32 to index
      %get3A_190 = arith.constant 128 : index
      %get3A_191 = tpu.vector_load %arg14[%get3A_189, %get3A_190] {strides = array<i32>} : memref<128x256xf32, #tpu.memory_space<vmem>>, vector<16xf32>,
      %mul3A_192 = arith.mulf %get3A_185, %get3A_188 : vector<16xf32>
      %add3A_193 = arith.addf %add3A_174, %mul3A_192 : vector<16xf32>
      %mul3A_194 = arith.mulf %get3A_185, %get3A_191 : vector<16xf32>
      %add3A_195 = arith.addf %add3A_176, %mul3A_194 : vector<16xf32>
      %mul3A_196 = arith.mulf %get3A_185, %get3A_185 : vector<16xf32>
      %add3A_197 = arith.addf %add3A_182, %mul3A_196 : vector<16xf32>
      %mul3A_198 = arith.mulf %get3A_188, %get3A_188 : vector<16xf32>
      %add3A_199 = arith.addf %add3A_197, %mul3A_198 : vector<16xf32>
      %mul3A_200 = arith.mulf %get3A_191, %get3A_191 : vector<16xf32>
      %add3A_201 = arith.addf %add3A_199, %mul3A_200 : vector<16xf32>
      %get3A_202 = arith.index_cast %scan3A_28 : i32 to index
      %get3A_203 = arith.constant 144 : index
      %get3A_204 = tpu.vector_load %arg12[%get3A_202, %get3A_203] {strides = array<i32>} : memref<128x256xf32, #tpu.memory_space<vmem>>, vector<16xf32>,
      %get3A_205 = arith.index_cast %scan3A_28 : i32 to index
      %get3A_206 = arith.constant 144 : index
      %get3A_207 = tpu.vector_load %arg13[%get3A_205, %get3A_206] {strides = array<i32>} : memref<128x256xf32, #tpu.memory_space<vmem>>, vector<16xf32>,
      %get3A_208 = arith.index_cast %scan3A_28 : i32 to index
      %get3A_209 = arith.constant 144 : index
      %get3A_210 = tpu.vector_load %arg14[%get3A_208, %get3A_209] {strides = array<i32>} : memref<128x256xf32, #tpu.memory_space<vmem>>, vector<16xf32>,
      %mul3A_211 = arith.mulf %get3A_204, %get3A_207 : vector<16xf32>
      %add3A_212 = arith.addf %add3A_193, %mul3A_211 : vector<16xf32>
      %mul3A_213 = arith.mulf %get3A_204, %get3A_210 : vector<16xf32>
      %add3A_214 = arith.addf %add3A_195, %mul3A_213 : vector<16xf32>
      %mul3A_215 = arith.mulf %get3A_204, %get3A_204 : vector<16xf32>
      %add3A_216 = arith.addf %add3A_201, %mul3A_215 : vector<16xf32>
      %mul3A_217 = arith.mulf %get3A_207, %get3A_207 : vector<16xf32>
      %add3A_218 = arith.addf %add3A_216, %mul3A_217 : vector<16xf32>
      %mul3A_219 = arith.mulf %get3A_210, %get3A_210 : vector<16xf32>
      %add3A_220 = arith.addf %add3A_218, %mul3A_219 : vector<16xf32>
      %get3A_221 = arith.index_cast %scan3A_28 : i32 to index
      %get3A_222 = arith.constant 160 : index
      %get3A_223 = tpu.vector_load %arg12[%get3A_221, %get3A_222] {strides = array<i32>} : memref<128x256xf32, #tpu.memory_space<vmem>>, vector<16xf32>,
      %get3A_224 = arith.index_cast %scan3A_28 : i32 to index
      %get3A_225 = arith.constant 160 : index
      %get3A_226 = tpu.vector_load %arg13[%get3A_224, %get3A_225] {strides = array<i32>} : memref<128x256xf32, #tpu.memory_space<vmem>>, vector<16xf32>,
      %get3A_227 = arith.index_cast %scan3A_28 : i32 to index
      %get3A_228 = arith.constant 160 : index
      %get3A_229 = tpu.vector_load %arg14[%get3A_227, %get3A_228] {strides = array<i32>} : memref<128x256xf32, #tpu.memory_space<vmem>>, vector<16xf32>,
      %mul3A_230 = arith.mulf %get3A_223, %get3A_226 : vector<16xf32>
      %add3A_231 = arith.addf %add3A_212, %mul3A_230 : vector<16xf32>
      %mul3A_232 = arith.mulf %get3A_223, %get3A_229 : vector<16xf32>
      %add3A_233 = arith.addf %add3A_214, %mul3A_232 : vector<16xf32>
      %mul3A_234 = arith.mulf %get3A_223, %get3A_223 : vector<16xf32>
      %add3A_235 = arith.addf %add3A_220, %mul3A_234 : vector<16xf32>
      %mul3A_236 = arith.mulf %get3A_226, %get3A_226 : vector<16xf32>
      %add3A_237 = arith.addf %add3A_235, %mul3A_236 : vector<16xf32>
      %mul3A_238 = arith.mulf %get3A_229, %get3A_229 : vector<16xf32>
      %add3A_239 = arith.addf %add3A_237, %mul3A_238 : vector<16xf32>
      %get3A_240 = arith.index_cast %scan3A_28 : i32 to index
      %get3A_241 = arith.constant 176 : index
      %get3A_242 = tpu.vector_load %arg12[%get3A_240, %get3A_241] {strides = array<i32>} : memref<128x256xf32, #tpu.memory_space<vmem>>, vector<16xf32>,
      %get3A_243 = arith.index_cast %scan3A_28 : i32 to index
      %get3A_244 = arith.constant 176 : index
      %get3A_245 = tpu.vector_load %arg13[%get3A_243, %get3A_244] {strides = array<i32>} : memref<128x256xf32, #tpu.memory_space<vmem>>, vector<16xf32>,
      %get3A_246 = arith.index_cast %scan3A_28 : i32 to index
      %get3A_247 = arith.constant 176 : index
      %get3A_248 = tpu.vector_load %arg14[%get3A_246, %get3A_247] {strides = array<i32>} : memref<128x256xf32, #tpu.memory_space<vmem>>, vector<16xf32>,
      %mul3A_249 = arith.mulf %get3A_242, %get3A_245 : vector<16xf32>
      %add3A_250 = arith.addf %add3A_231, %mul3A_249 : vector<16xf32>
      %mul3A_251 = arith.mulf %get3A_242, %get3A_248 : vector<16xf32>
      %add3A_252 = arith.addf %add3A_233, %mul3A_251 : vector<16xf32>
      %mul3A_253 = arith.mulf %get3A_242, %get3A_242 : vector<16xf32>
      %add3A_254 = arith.addf %add3A_239, %mul3A_253 : vector<16xf32>
      %mul3A_255 = arith.mulf %get3A_245, %get3A_245 : vector<16xf32>
      %add3A_256 = arith.addf %add3A_254, %mul3A_255 : vector<16xf32>
      %mul3A_257 = arith.mulf %get3A_248, %get3A_248 : vector<16xf32>
      %add3A_258 = arith.addf %add3A_256, %mul3A_257 : vector<16xf32>
      %get3A_259 = arith.index_cast %scan3A_28 : i32 to index
      %get3A_260 = arith.constant 192 : index
      %get3A_261 = tpu.vector_load %arg12[%get3A_259, %get3A_260] {strides = array<i32>} : memref<128x256xf32, #tpu.memory_space<vmem>>, vector<16xf32>,
      %get3A_262 = arith.index_cast %scan3A_28 : i32 to index
      %get3A_263 = arith.constant 192 : index
      %get3A_264 = tpu.vector_load %arg13[%get3A_262, %get3A_263] {strides = array<i32>} : memref<128x256xf32, #tpu.memory_space<vmem>>, vector<16xf32>,
      %get3A_265 = arith.index_cast %scan3A_28 : i32 to index
      %get3A_266 = arith.constant 192 : index
      %get3A_267 = tpu.vector_load %arg14[%get3A_265, %get3A_266] {strides = array<i32>} : memref<128x256xf32, #tpu.memory_space<vmem>>, vector<16xf32>,
      %mul3A_268 = arith.mulf %get3A_261, %get3A_264 : vector<16xf32>
      %add3A_269 = arith.addf %add3A_250, %mul3A_268 : vector<16xf32>
      %mul3A_270 = arith.mulf %get3A_261, %get3A_267 : vector<16xf32>
      %add3A_271 = arith.addf %add3A_252, %mul3A_270 : vector<16xf32>
      %mul3A_272 = arith.mulf %get3A_261, %get3A_261 : vector<16xf32>
      %add3A_273 = arith.addf %add3A_258, %mul3A_272 : vector<16xf32>
      %mul3A_274 = arith.mulf %get3A_264, %get3A_264 : vector<16xf32>
      %add3A_275 = arith.addf %add3A_273, %mul3A_274 : vector<16xf32>
      %mul3A_276 = arith.mulf %get3A_267, %get3A_267 : vector<16xf32>
      %add3A_277 = arith.addf %add3A_275, %mul3A_276 : vector<16xf32>
      %get3A_278 = arith.index_cast %scan3A_28 : i32 to index
      %get3A_279 = arith.constant 208 : index
      %get3A_280 = tpu.vector_load %arg12[%get3A_278, %get3A_279] {strides = array<i32>} : memref<128x256xf32, #tpu.memory_space<vmem>>, vector<16xf32>,
      %get3A_281 = arith.index_cast %scan3A_28 : i32 to index
      %get3A_282 = arith.constant 208 : index
      %get3A_283 = tpu.vector_load %arg13[%get3A_281, %get3A_282] {strides = array<i32>} : memref<128x256xf32, #tpu.memory_space<vmem>>, vector<16xf32>,
      %get3A_284 = arith.index_cast %scan3A_28 : i32 to index
      %get3A_285 = arith.constant 208 : index
      %get3A_286 = tpu.vector_load %arg14[%get3A_284, %get3A_285] {strides = array<i32>} : memref<128x256xf32, #tpu.memory_space<vmem>>, vector<16xf32>,
      %mul3A_287 = arith.mulf %get3A_280, %get3A_283 : vector<16xf32>
      %add3A_288 = arith.addf %add3A_269, %mul3A_287 : vector<16xf32>
      %mul3A_289 = arith.mulf %get3A_280, %get3A_286 : vector<16xf32>
      %add3A_290 = arith.addf %add3A_271, %mul3A_289 : vector<16xf32>
      %mul3A_291 = arith.mulf %get3A_280, %get3A_280 : vector<16xf32>
      %add3A_292 = arith.addf %add3A_277, %mul3A_291 : vector<16xf32>
      %mul3A_293 = arith.mulf %get3A_283, %get3A_283 : vector<16xf32>
      %add3A_294 = arith.addf %add3A_292, %mul3A_293 : vector<16xf32>
      %mul3A_295 = arith.mulf %get3A_286, %get3A_286 : vector<16xf32>
      %add3A_296 = arith.addf %add3A_294, %mul3A_295 : vector<16xf32>
      %get3A_297 = arith.index_cast %scan3A_28 : i32 to index
      %get3A_298 = arith.constant 224 : index
      %get3A_299 = tpu.vector_load %arg12[%get3A_297, %get3A_298] {strides = array<i32>} : memref<128x256xf32, #tpu.memory_space<vmem>>, vector<16xf32>,
      %get3A_300 = arith.index_cast %scan3A_28 : i32 to index
      %get3A_301 = arith.constant 224 : index
      %get3A_302 = tpu.vector_load %arg13[%get3A_300, %get3A_301] {strides = array<i32>} : memref<128x256xf32, #tpu.memory_space<vmem>>, vector<16xf32>,
      %get3A_303 = arith.index_cast %scan3A_28 : i32 to index
      %get3A_304 = arith.constant 224 : index
      %get3A_305 = tpu.vector_load %arg14[%get3A_303, %get3A_304] {strides = array<i32>} : memref<128x256xf32, #tpu.memory_space<vmem>>, vector<16xf32>,
      %mul3A_306 = arith.mulf %get3A_299, %get3A_302 : vector<16xf32>
      %add3A_307 = arith.addf %add3A_288, %mul3A_306 : vector<16xf32>
      %mul3A_308 = arith.mulf %get3A_299, %get3A_305 : vector<16xf32>
      %add3A_309 = arith.addf %add3A_290, %mul3A_308 : vector<16xf32>
      %mul3A_310 = arith.mulf %get3A_299, %get3A_299 : vector<16xf32>
      %add3A_311 = arith.addf %add3A_296, %mul3A_310 : vector<16xf32>
      %mul3A_312 = arith.mulf %get3A_302, %get3A_302 : vector<16xf32>
      %add3A_313 = arith.addf %add3A_311, %mul3A_312 : vector<16xf32>
      %mul3A_314 = arith.mulf %get3A_305, %get3A_305 : vector<16xf32>
      %add3A_315 = arith.addf %add3A_313, %mul3A_314 : vector<16xf32>
      %get3A_316 = arith.index_cast %scan3A_28 : i32 to index
      %get3A_317 = arith.constant 240 : index
      %get3A_318 = tpu.vector_load %arg12[%get3A_316, %get3A_317] {strides = array<i32>} : memref<128x256xf32, #tpu.memory_space<vmem>>, vector<16xf32>,
      %get3A_319 = arith.index_cast %scan3A_28 : i32 to index
      %get3A_320 = arith.constant 240 : index
      %get3A_321 = tpu.vector_load %arg13[%get3A_319, %get3A_320] {strides = array<i32>} : memref<128x256xf32, #tpu.memory_space<vmem>>, vector<16xf32>,
      %get3A_322 = arith.index_cast %scan3A_28 : i32 to index
      %get3A_323 = arith.constant 240 : index
      %get3A_324 = tpu.vector_load %arg14[%get3A_322, %get3A_323] {strides = array<i32>} : memref<128x256xf32, #tpu.memory_space<vmem>>, vector<16xf32>,
      %mul3A_325 = arith.mulf %get3A_318, %get3A_321 : vector<16xf32>
      %add3A_326 = arith.addf %add3A_307, %mul3A_325 : vector<16xf32>
      %mul3A_327 = arith.mulf %get3A_318, %get3A_324 : vector<16xf32>
      %add3A_328 = arith.addf %add3A_309, %mul3A_327 : vector<16xf32>
      %mul3A_329 = arith.mulf %get3A_318, %get3A_318 : vector<16xf32>
      %add3A_330 = arith.addf %add3A_315, %mul3A_329 : vector<16xf32>
      %mul3A_331 = arith.mulf %get3A_321, %get3A_321 : vector<16xf32>
      %add3A_332 = arith.addf %add3A_330, %mul3A_331 : vector<16xf32>
      %mul3A_333 = arith.mulf %get3A_324, %get3A_324 : vector<16xf32>
      %add3A_334 = arith.addf %add3A_332, %mul3A_333 : vector<16xf32>
      %reduce_sum3A = arith.constant true
      %reduce_sum3A_335 = vector.broadcast %reduce_sum3A : i1 to vector<16xi1>
      %reduce_sum3A_336 = tpu.scan <sum>, %add3A_326 masked %reduce_sum3A_335 : vector<16xf32>, vector<16xi1> -> vector<16xf32>
      %reduce_sum3A_337 = vector.extract %reduce_sum3A_336[15] : f32 from vector<16xf32>
      %reduce_sum3A_338 = arith.constant true
      %reduce_sum3A_339 = vector.broadcast %reduce_sum3A_338 : i1 to vector<16xi1>
      %reduce_sum3A_340 = tpu.scan <sum>, %add3A_328 masked %reduce_sum3A_339 : vector<16xf32>, vector<16xi1> -> vector<16xf32>
      %reduce_sum3A_341 = vector.extract %reduce_sum3A_340[15] : f32 from vector<16xf32>
      %and3A = arith.constant 15 : i32
      %and3A_342 = arith.andi %scan3A_28, %and3A : i32
      %eq3A = vector.broadcast %and3A_342 : i32 to vector<16xi32>
      %eq3A_343 = arith.cmpi eq, %iota3A, %eq3A : vector<16xi32>
      %broadcast_in_dim3A_344 = vector.broadcast %reduce_sum3A_337 : f32 to vector<16xf32>
      %select_n3A = arith.select %eq3A_343, %broadcast_in_dim3A_344, %scan3A_30 : vector<16xi1>, vector<16xf32>
      %eq3A_345 = vector.broadcast %and3A_342 : i32 to vector<16xi32>
      %eq3A_346 = arith.cmpi eq, %iota3A, %eq3A_345 : vector<16xi32>
      %broadcast_in_dim3A_347 = vector.broadcast %reduce_sum3A_341 : f32 to vector<16xf32>
      %select_n3A_348 = arith.select %eq3A_346, %broadcast_in_dim3A_347, %scan3A_31 : vector<16xi1>, vector<16xf32>
      %eq3A_349 = arith.constant 15 : i32
      %eq3A_350 = arith.cmpi eq, %and3A_342, %eq3A_349 : i32
      %convert_element_type3A = arith.extui %eq3A_350 : i1 to i32
      %cond3A = arith.constant 0 : i32
      %cond3A_351 = arith.cmpi ne, %convert_element_type3A, %cond3A : i32
      scf.if %cond3A_351 {
        %sub3A = arith.constant 15 : i32
        %sub3A_352 = arith.subi %scan3A_28, %sub3A : i32
        %swap3A_353 = arith.index_cast %sub3A_352 : i32 to index
        %swap3A_354 = tpu.vector_load %arg15[%swap3A_353] {strides = array<i32>} : memref<128xf32, #tpu.memory_space<vmem>>, vector<16xf32>,
        tpu.vector_store %arg15[%swap3A_353], %select_n3A {strides = array<i32>} : memref<128xf32, #tpu.memory_space<vmem>>, vector<16xf32>,
        %swap3A_355 = arith.index_cast %sub3A_352 : i32 to index
        %swap3A_356 = tpu.vector_load %arg16[%swap3A_355] {strides = array<i32>} : memref<128xf32, #tpu.memory_space<vmem>>, vector<16xf32>,
        tpu.vector_store %arg16[%swap3A_355], %select_n3A_348 {strides = array<i32>} : memref<128xf32, #tpu.memory_space<vmem>>, vector<16xf32>,
      } else {
      }
      scf.yield %add3A_334, %select_n3A, %select_n3A_348 : vector<16xf32>, vector<16xf32>, vector<16xf32>
    }
    %scan3A_24 = arith.constant 128 : i32
    %swap3A = arith.constant 0 : index
    %swap3A_25 = tpu.vector_load %arg17[%swap3A] {strides = array<i32>} : memref<16xf32, #tpu.memory_space<vmem>>, vector<16xf32>,
    tpu.vector_store %arg17[%swap3A], %scan3A_23#0 {strides = array<i32>} : memref<16xf32, #tpu.memory_space<vmem>>, vector<16xf32>,
    "tpu.region"() ({
      %run_scoped3A = tpu.sem_alloc : memref<!tpu.dma_semaphore, #tpu.memory_space<semaphore_mem>>
      %dma_start3A_28 = tpu.memref_slice %arg6[%mul3A_2] : memref<4096xf32, #tpu.memory_space<hbm>> -> memref<128xf32, #tpu.memory_space<hbm>>
      %dma_start3A_29 = tpu.memref_slice %arg6[%mul3A_2] : memref<4096xf32, #tpu.memory_space<hbm>> -> memref<128xf32, #tpu.memory_space<hbm>>
      tpu.enqueue_dma source(%arg15 : memref<128xf32, #tpu.memory_space<vmem>>) target(%dma_start3A_29 : memref<128xf32, #tpu.memory_space<hbm>>) target_semaphore(%run_scoped3A : memref<!tpu.dma_semaphore, #tpu.memory_space<semaphore_mem>>)
      %dma_wait3A_30 = tpu.memref_slice %arg6[%mul3A_2] : memref<4096xf32, #tpu.memory_space<hbm>> -> memref<128xf32, #tpu.memory_space<hbm>>
      %dma_wait3A_31 = tpu.memref_slice %arg6[%mul3A_2] : memref<4096xf32, #tpu.memory_space<hbm>> -> memref<128xf32, #tpu.memory_space<hbm>>
      tpu.wait_dma2 semaphore(%run_scoped3A : memref<!tpu.dma_semaphore, #tpu.memory_space<semaphore_mem>>) src(%arg15 : memref<128xf32, #tpu.memory_space<vmem>>) dst(%dma_wait3A_31 : memref<128xf32, #tpu.memory_space<hbm>>)
      tpu.yield
    }) : () -> ()
    "tpu.region"() ({
      %run_scoped3A = tpu.sem_alloc : memref<!tpu.dma_semaphore, #tpu.memory_space<semaphore_mem>>
      %dma_start3A_28 = tpu.memref_slice %arg7[%mul3A_2] : memref<4096xf32, #tpu.memory_space<hbm>> -> memref<128xf32, #tpu.memory_space<hbm>>
      %dma_start3A_29 = tpu.memref_slice %arg7[%mul3A_2] : memref<4096xf32, #tpu.memory_space<hbm>> -> memref<128xf32, #tpu.memory_space<hbm>>
      tpu.enqueue_dma source(%arg16 : memref<128xf32, #tpu.memory_space<vmem>>) target(%dma_start3A_29 : memref<128xf32, #tpu.memory_space<hbm>>) target_semaphore(%run_scoped3A : memref<!tpu.dma_semaphore, #tpu.memory_space<semaphore_mem>>)
      %dma_wait3A_30 = tpu.memref_slice %arg7[%mul3A_2] : memref<4096xf32, #tpu.memory_space<hbm>> -> memref<128xf32, #tpu.memory_space<hbm>>
      %dma_wait3A_31 = tpu.memref_slice %arg7[%mul3A_2] : memref<4096xf32, #tpu.memory_space<hbm>> -> memref<128xf32, #tpu.memory_space<hbm>>
      tpu.wait_dma2 semaphore(%run_scoped3A : memref<!tpu.dma_semaphore, #tpu.memory_space<semaphore_mem>>) src(%arg16 : memref<128xf32, #tpu.memory_space<vmem>>) dst(%dma_wait3A_31 : memref<128xf32, #tpu.memory_space<hbm>>)
      tpu.yield
    }) : () -> ()
    %mul3A_26 = arith.constant 16 : i32
    %mul3A_27 = arith.muli %add3A, %mul3A_26 : i32
    "tpu.region"() ({
      %run_scoped3A = tpu.sem_alloc : memref<!tpu.dma_semaphore, #tpu.memory_space<semaphore_mem>>
      %dma_start3A_28 = tpu.memref_slice %arg8[%mul3A_27] : memref<512xf32, #tpu.memory_space<hbm>> -> memref<16xf32, #tpu.memory_space<hbm>>
      %dma_start3A_29 = tpu.memref_slice %arg8[%mul3A_27] : memref<512xf32, #tpu.memory_space<hbm>> -> memref<16xf32, #tpu.memory_space<hbm>>
      tpu.enqueue_dma source(%arg17 : memref<16xf32, #tpu.memory_space<vmem>>) target(%dma_start3A_29 : memref<16xf32, #tpu.memory_space<hbm>>) target_semaphore(%run_scoped3A : memref<!tpu.dma_semaphore, #tpu.memory_space<semaphore_mem>>)
      %dma_wait3A_30 = tpu.memref_slice %arg8[%mul3A_27] : memref<512xf32, #tpu.memory_space<hbm>> -> memref<16xf32, #tpu.memory_space<hbm>>
      %dma_wait3A_31 = tpu.memref_slice %arg8[%mul3A_27] : memref<512xf32, #tpu.memory_space<hbm>> -> memref<16xf32, #tpu.memory_space<hbm>>
      tpu.wait_dma2 semaphore(%run_scoped3A : memref<!tpu.dma_semaphore, #tpu.memory_space<semaphore_mem>>) src(%arg17 : memref<16xf32, #tpu.memory_space<vmem>>) dst(%dma_wait3A_31 : memref<16xf32, #tpu.memory_space<hbm>>)
      tpu.yield
    }) : () -> ()
    return
  }
}

module attributes {stable_mosaic.version = 14 : i64} {
  func.func @_emb_block(%arg0: i32, %arg1: memref<2000x256xf32, #tpu.memory_space<vmem>>, %arg2: memref<256x256xf32, #tpu.memory_space<vmem>>, %arg3: memref<2000x256xf32, #tpu.memory_space<vmem>>, %arg4: memref<2000x256xf32, #tpu.memory_space<vmem>>) attributes {dimension_semantics = [#tpu.dimension_semantics<arbitrary>], iteration_bounds = array<i64: 5>, scalar_prefetch = 0 : i64, scratch_operands = 0 : i64, tpu.core_type = #tpu.core_type<tc>, window_params = [{transform_indices = @transform_0, window_bounds = array<i64: 2000, 256>}, {pipeline_mode = #tpu.pipeline_mode<synchronous>, transform_indices = @transform_1, window_bounds = array<i64: 256, 256>}, {transform_indices = @transform_2, window_bounds = array<i64: 2000, 256>}, {transform_indices = @transform_3, window_bounds = array<i64: 2000, 256>}]} {
    %get3A = arith.constant 0 : index
    %get3A_0 = arith.constant 0 : index
    %get3A_1 = vector.load %arg1[%get3A, %get3A_0] : memref<2000x256xf32, #tpu.memory_space<vmem>>, vector<2000x256xf32>
    %get3A_2 = arith.constant 0 : index
    %get3A_3 = arith.constant 0 : index
    %get3A_4 = vector.load %arg2[%get3A_2, %get3A_3] : memref<256x256xf32, #tpu.memory_space<vmem>>, vector<256x256xf32>
    %dot_general3A = arith.constant dense<0.000000e+00> : vector<2000x256xf32>
    %dot_general3A_5 = tpu.matmul %get3A_1, %get3A_4, %dot_general3A {dimension_numbers = #tpu.dot_dimension_numbers<[1], [0], [0], [1], [0, 0, 1, 1], [], []>, transpose_lhs_hint = false} : vector<2000x256xf32>, vector<256x256xf32>, vector<2000x256xf32> -> vector<2000x256xf32>
    %get3A_6 = arith.constant 0 : index
    %get3A_7 = arith.constant 0 : index
    %get3A_8 = vector.load %arg3[%get3A_6, %get3A_7] : memref<2000x256xf32, #tpu.memory_space<vmem>>, vector<2000x256xf32>
    %add3A = arith.addf %dot_general3A_5, %get3A_8 : vector<2000x256xf32>
    %ge3A = arith.constant 0.000000e+00 : f32
    %ge3A_9 = vector.broadcast %ge3A : f32 to vector<2000x256xf32>
    %ge3A_10 = arith.cmpf oge, %add3A, %ge3A_9 : vector<2000x256xf32>
    %mul3A = arith.constant 2.000000e-01 : f32
    %mul3A_11 = vector.broadcast %mul3A : f32 to vector<2000x256xf32>
    %mul3A_12 = arith.mulf %mul3A_11, %add3A : vector<2000x256xf32>
    %select_n3A = arith.select %ge3A_10, %add3A, %mul3A_12 : vector<2000x256xi1>, vector<2000x256xf32>
    %mul3A_13 = arith.mulf %select_n3A, %select_n3A : vector<2000x256xf32>
    %reduce_sum3A = arith.constant dense<0.000000e+00> : vector<2000xf32>
    %reduce_sum3A_14 = vector.multi_reduction <add>, %mul3A_13, %reduce_sum3A [1] : vector<2000x256xf32> to vector<2000xf32>
    %broadcast_in_dim3A = vector.shape_cast %reduce_sum3A_14 : vector<2000xf32> to vector<2000x1xf32>
    %sqrt3A = math.sqrt %broadcast_in_dim3A : vector<2000x1xf32>
    %max3A = arith.constant 9.99999996E-13 : f32
    %max3A_15 = vector.broadcast %max3A : f32 to vector<2000x1xf32>
    %max3A_16 = arith.maximumf %sqrt3A, %max3A_15 : vector<2000x1xf32>
    %div3A = vector.broadcast %max3A_16 : vector<2000x1xf32> to vector<2000x256xf32>
    %div3A_17 = arith.divf %select_n3A, %div3A : vector<2000x256xf32>
    %swap3A = arith.constant 0 : index
    %swap3A_18 = arith.constant 0 : index
    %swap3A_19 = vector.load %arg4[%swap3A, %swap3A_18] : memref<2000x256xf32, #tpu.memory_space<vmem>>, vector<2000x256xf32>
    tpu.vector_store %arg4[%swap3A, %swap3A_18], %div3A_17 {strides = array<i32>} : memref<2000x256xf32, #tpu.memory_space<vmem>>, vector<2000x256xf32>,
    return
  }
  func.func @transform_0(%arg0: i32) -> (i32, i32) {
    %c0_i32 = arith.constant 0 : i32
    %c0_i32_0 = arith.constant 0 : i32
    return %arg0, %c0_i32 : i32, i32
  }
  func.func @transform_1(%arg0: i32) -> (i32, i32) {
    %c0_i32 = arith.constant 0 : i32
    %c0_i32_0 = arith.constant 0 : i32
    %c0_i32_1 = arith.constant 0 : i32
    return %c0_i32, %c0_i32_0 : i32, i32
  }
  func.func @transform_2(%arg0: i32) -> (i32, i32) {
    %c0_i32 = arith.constant 0 : i32
    %c0_i32_0 = arith.constant 0 : i32
    return %arg0, %c0_i32 : i32, i32
  }
  func.func @transform_3(%arg0: i32) -> (i32, i32) {
    %c0_i32 = arith.constant 0 : i32
    %c0_i32_0 = arith.constant 0 : i32
    return %arg0, %c0_i32 : i32, i32
  }
}

module attributes {stable_mosaic.version = 14 : i64} {
  func.func @_loss_block(%arg0: memref<32x128xf32, #tpu.memory_space<vmem>>, %arg1: memref<32x128xf32, #tpu.memory_space<vmem>>, %arg2: memref<4x128xf32, #tpu.memory_space<vmem>>, %arg3: memref<1x1xf32, #tpu.memory_space<vmem>>) attributes {dimension_semantics = [], scalar_prefetch = 0 : i64, scratch_operands = 0 : i64, tpu.core_type = #tpu.core_type<tc>} {
    %get3A = arith.constant 0 : index
    %get3A_0 = arith.constant 0 : index
    %get3A_1 = vector.load %arg0[%get3A, %get3A_0] : memref<32x128xf32, #tpu.memory_space<vmem>>, vector<32x128xf32>
    %get3A_2 = arith.constant 0 : index
    %get3A_3 = arith.constant 0 : index
    %get3A_4 = vector.load %arg1[%get3A_2, %get3A_3] : memref<32x128xf32, #tpu.memory_space<vmem>>, vector<32x128xf32>
    %sub3A = arith.subf %get3A_1, %get3A_4 : vector<32x128xf32>
    %neg3A = arith.constant 0.000000e+00 : f32
    %neg3A_5 = vector.broadcast %neg3A : f32 to vector<32x128xf32>
    %neg3A_6 = arith.subf %neg3A_5, %sub3A : vector<32x128xf32>
    %max3A = arith.constant 0.000000e+00 : f32
    %max3A_7 = vector.broadcast %max3A : f32 to vector<32x128xf32>
    %max3A_8 = arith.maximumf %neg3A_6, %max3A_7 : vector<32x128xf32>
    %abs3A = math.absf %neg3A_6 : vector<32x128xf32>
    %neg3A_9 = arith.constant 0.000000e+00 : f32
    %neg3A_10 = vector.broadcast %neg3A_9 : f32 to vector<32x128xf32>
    %neg3A_11 = arith.subf %neg3A_10, %abs3A : vector<32x128xf32>
    %exp3A = math.exp %neg3A_11 : vector<32x128xf32>
    %log1p3A = math.log1p %exp3A : vector<32x128xf32>
    %add3A = arith.addf %max3A_8, %log1p3A : vector<32x128xf32>
    %reduce_sum3A = vector.shape_cast %add3A : vector<32x128xf32> to vector<1x32x128xf32>
    %reduce_sum3A_12 = arith.constant dense<0.000000e+00> : vector<1xf32>
    %reduce_sum3A_13 = vector.multi_reduction <add>, %reduce_sum3A, %reduce_sum3A_12 [1, 2] : vector<1x32x128xf32> to vector<1xf32>
    %reduce_sum3A_14 = vector.shape_cast %reduce_sum3A_13 : vector<1xf32> to vector<1x1x1xf32>
    %reduce_sum3A_15 = vector.extract %reduce_sum3A_14[0, 0, 0] : f32 from vector<1x1x1xf32>
    %mul3A = arith.constant 2.44140625E-4 : f32
    %mul3A_16 = arith.mulf %reduce_sum3A_15, %mul3A : f32
    %get3A_17 = arith.constant 0 : index
    %get3A_18 = arith.constant 0 : index
    %get3A_19 = vector.load %arg2[%get3A_17, %get3A_18] : memref<4x128xf32, #tpu.memory_space<vmem>>, vector<4x128xf32>
    %reduce_sum3A_20 = vector.shape_cast %get3A_19 : vector<4x128xf32> to vector<1x4x128xf32>
    %reduce_sum3A_21 = arith.constant dense<0.000000e+00> : vector<1xf32>
    %reduce_sum3A_22 = vector.multi_reduction <add>, %reduce_sum3A_20, %reduce_sum3A_21 [1, 2] : vector<1x4x128xf32> to vector<1xf32>
    %reduce_sum3A_23 = vector.shape_cast %reduce_sum3A_22 : vector<1xf32> to vector<1x1x1xf32>
    %reduce_sum3A_24 = vector.extract %reduce_sum3A_23[0, 0, 0] : f32 from vector<1x1x1xf32>
    %mul3A_25 = arith.constant 5.000000e-01 : f32
    %mul3A_26 = arith.mulf %reduce_sum3A_24, %mul3A_25 : f32
    %mul3A_27 = arith.constant 9.99999974E-5 : f32
    %mul3A_28 = arith.mulf %mul3A_27, %mul3A_26 : f32
    %mul3A_29 = arith.constant 2.44140625E-4 : f32
    %mul3A_30 = arith.mulf %mul3A_28, %mul3A_29 : f32
    %add3A_31 = arith.addf %mul3A_16, %mul3A_30 : f32
    %broadcast_in_dim3A = vector.broadcast %add3A_31 : f32 to vector<1x1xf32>
    %swap3A = arith.constant 0 : index
    %swap3A_32 = arith.constant 0 : index
    %swap3A_33 = vector.load %arg3[%swap3A, %swap3A_32] : memref<1x1xf32, #tpu.memory_space<vmem>>, vector<1x1xf32>
    tpu.vector_store %arg3[%swap3A, %swap3A_32], %broadcast_in_dim3A {strides = array<i32>} : memref<1x1xf32, #tpu.memory_space<vmem>>, vector<1x1xf32>,
    return
  }
}

</mosaic_0001>

<sc_bundles>
// kernel: kernel.6.cloned.1.call-start
scs
__scs_entry_jumppad:
0x0: {  	(pc) =	sbr.rel $0x88, $3  }
0x1: {  	(tag) =	ssettag $0x0;
	lr =	simm.s32 $0x1  }
0x2: {  	[smem:$0x3F97] =	sst lr;
	_ =	strace $0xD0000000  }
0x3: {  	_ = 	snop  }
0x4: {  	_ = 	snop  }
0x5: {  	_ = 	snop  }
0x6: {  	_ = 	snop  }
0x7: {  	_ = 	snop  }
__scs_overlays_trampoline_lowered:
0x8: {  	[smem:$0x3FA6] =	sst s0  }
0x9: {  	[smem:$0x3FA7] =	sst s1  }
0xa: {  	[smem:$0x3FA8] =	sst s2  }
0xb: {  	[smem:$0x3FA9] =	sst s3  }
0xc: {  	[smem:$0x3FAA] =	sst s4  }
0xd: {  	[smem:$0x3FAB] =	sst s5  }
0xe: {  	[smem:$0x3FAC] =	sst s6  }
0xf: {  	[smem:$0x3FAD] =	sst s7  }
0x10: {  	[smem:$0x3FAE] =	sst s8  }
0x11: {  	[smem:$0x3FAF] =	sst s9;
	s0 =	simm.s32 @!p0 $0x0  }
0x12: {  	s1 =	sld [smem:$0x3F95];
	s0 =	simm.s32 @p0 $0x1  }
0x13: {  	[smem:$0x3FB0] =	sst s0;
	s0 =	simm.s32 @!p1 $0x0  }
0x14: {  	s2 =	sld [smem:$0x3F94];
	s0 =	simm.s32 @p1 $0x1  }
0x15: {  	[smem:$0x3FB1] =	sst s0;
	s0 =	simm.s32 @!p2 $0x0  }
0x16: {  	s3 =	sld [smem:$0x3FDB];
	s0 =	simm.s32 @p2 $0x1  }
0x17: {  	s4 =	simm.s32 $0x1BF5;
	[smem:$0x3FB3] =	sst s0  }
0x18: {  	s0 =	sld [smem:$0x3F96];
	_ =	swait.ge [sflag:s4], $0x0  }
0x19: {  	s7 =	sld [smem:$0x3F97]  }
0x1a: {  	s8 =	sadd.s32 $0xFFFFE003, lr  }
0x1b: {  	s9 =	sadd.s32 $0xFFFFFEF7, lr;
	s5 =	simm.s32 $0xFFFFFFFF;
	p2 =	slt.u32 s8, $0xFFFFF086  }
0x1c: {  	p1 =	slt.u32 s9, $0xF7A;
	s5 =	simm.s32 @!p2 $0x0  }
0x1d: {  	s5 =	simm.s32 @p1 $0x1;
	p0 =	seq.s32 s7, s2  }
0x1e: {  	s7 =	smul.u32 @!p0 $0xF7A, s2;
	p2 =	seq.s32 @!p0 s5, $0x0  }
0x1f: {  	s9 =	smul.u32 $0xF7A, s1;
	s8 =	simm.s32 @!p0 $0x1BF5;
	p2 =	por !p2, p0  }
0x20: {  	[sflag:s8] =	ssyncset.s32 @!p0 $0xFFFFF086;
	s6 =	sadd.s32 @!p0 s3, s7;
	s7 =	simm.s32 @!p0 $0x108  }
0x21: {  	s3 =	sadd.s32 s3, s9;
	s6 =	sadd.s32 @!p0 $0x88, s6;
	s7 =	simm.s32 @p2 $0x1082  }
0x22: {  	[simem:s7], [sflag:s8] =	dma.local @!p0 [hbm:s6], $0xF7A  }
0x23: {  	s9 =	sor.u32 $0xD0000000, s2;
	s6 =	simm.s32 $0x108;
	_ =	swait.ge @!p0 [sflag:s8], $0x0  }
0x24: {  	s3 =	sadd.s32 $0x88, s3;
	s6 =	simm.s32 @!p1 $0x1082;
	[sflag:s4] =	ssyncset.s32 $0xFFFFF086  }
0x25: {  	[simem:s6], [sflag:s4] =	dma.local [hbm:s3], $0xF7A  }
0x26: {  	[smem:$0x3F97] =	sst s1;
	(tag) =	ssettag s2;
	_ =	strace s9  }
0x27: {  	s1 =	sld [smem:$0x3FA7]  }
0x28: {  	s2 =	sld [smem:$0x3FA8]  }
0x29: {  	s4 =	sld [smem:$0x3FAA]  }
0x2a: {  	p0 =	seq.s32 s5, $0x0;
	s5 =	sld [smem:$0x3FAB]  }
0x2b: {  	s6 =	sld [smem:$0x3FAC]  }
0x2c: {  	s7 =	sld [smem:$0x3FAD]  }
0x2d: {  	s3 =	simm.s32 $0x108;
	s8 =	sld [smem:$0x3FAE]  }
0x2e: {  	s3 =	simm.s32 @!p0 $0x1082;
	s9 =	sld [smem:$0x3FAF]  }
0x2f: {  	lr =	sadd.s32 s0, s3;
	s0 =	sld [smem:$0x3FA6]  }
0x30: {  	s3 =	sld [smem:$0x3FA9]  }
0x31: {  	[smem:$0x3FB2] =	sst s10  }
0x32: {  	s10 =	sld [smem:$0x3FB0];
	_ =	sdelay $0x3  }
0x33: {  	p0 =	seq.s32 s10, $0x1;
	s10 =	sld [smem:$0x3FB2];
	_ =	sdelay $0x3  }
0x34: {  	[smem:$0x3FB2] =	sst s10  }
0x35: {  	s10 =	sld [smem:$0x3FB1];
	_ =	sdelay $0x3  }
0x36: {  	p1 =	seq.s32 s10, $0x1;
	s10 =	sld [smem:$0x3FB2];
	_ =	sdelay $0x3  }
0x37: {  	[smem:$0x3FB2] =	sst s10  }
0x38: {  	s10 =	sld [smem:$0x3FB3]  }
0x39: {  	_ = 	snop;
	(pc) =	sbr.ind lr, $3  }
0x3a: {  	_ = 	snop  }
0x3b: {  	_ = 	snop  }
0x3c: {  	p2 =	seq.s32 s10, $0x1;
	s10 =	sld [smem:$0x3FB2]  }
0x3d: {  	_ =	shalt  }
0x3e: {  	_ =	shalt  }
0x3f: {  	_ =	shalt  }
0x40: {  	_ =	shalt  }
0x41: {  	_ =	shalt  }
0x42: {  	_ =	shalt  }
0x43: {  	_ =	shalt  }
0x44: {  	_ =	shalt  }
0x45: {  	_ =	shalt  }
0x46: {  	_ =	shalt  }
0x47: {  	_ =	shalt  }
0x48: {  	_ =	shalt  }
0x49: {  	_ =	shalt  }
0x4a: {  	_ =	shalt  }
0x4b: {  	_ =	shalt  }
0x4c: {  	_ =	shalt  }
0x4d: {  	_ =	shalt  }
0x4e: {  	_ =	shalt  }
0x4f: {  	_ =	shalt  }
0x50: {  	_ =	shalt  }
0x51: {  	_ =	shalt  }
0x52: {  	_ =	shalt  }
0x53: {  	_ =	shalt  }
0x54: {  	_ =	shalt  }
0x55: {  	_ =	shalt  }
0x56: {  	_ =	shalt  }
0x57: {  	_ =	shalt  }
0x58: {  	_ =	shalt  }
0x59: {  	_ =	shalt  }
0x5a: {  	_ =	shalt  }
0x5b: {  	_ =	shalt  }
0x5c: {  	_ =	shalt  }
0x5d: {  	_ =	shalt  }
0x5e: {  	_ =	shalt  }
0x5f: {  	_ =	shalt  }
0x60: {  	_ =	shalt  }
0x61: {  	_ =	shalt  }
0x62: {  	_ =	shalt  }
0x63: {  	_ =	shalt  }
0x64: {  	_ =	shalt  }
0x65: {  	_ =	shalt  }
0x66: {  	_ =	shalt  }
0x67: {  	_ =	shalt  }
0x68: {  	_ =	shalt  }
0x69: {  	_ =	shalt  }
0x6a: {  	_ =	shalt  }
0x6b: {  	_ =	shalt  }
0x6c: {  	_ =	shalt  }
0x6d: {  	_ =	shalt  }
0x6e: {  	_ =	shalt  }
0x6f: {  	_ =	shalt  }
0x70: {  	_ =	shalt  }
0x71: {  	_ =	shalt  }
0x72: {  	_ =	shalt  }
0x73: {  	_ =	shalt  }
0x74: {  	_ =	shalt  }
0x75: {  	_ =	shalt  }
0x76: {  	_ =	shalt  }
0x77: {  	_ =	shalt  }
0x78: {  	_ =	shalt  }
0x79: {  	_ =	shalt  }
0x7a: {  	_ =	shalt  }
0x7b: {  	_ =	shalt  }
0x7c: {  	_ =	shalt  }
0x7d: {  	_ =	shalt  }
0x7e: {  	_ =	shalt  }
0x7f: {  	_ =	shalt  }
0x80: {  	_ =	shalt  }
0x81: {  	_ =	shalt  }
0x82: {  	_ =	shalt  }
0x83: {  	_ =	shalt  }
0x84: {  	_ =	shalt  }
0x85: {  	_ =	shalt  }
0x86: {  	_ =	shalt  }
0x87: {  	_ =	shalt  }
.Lfunc_end0:
.L_simem_size_0:
called_computation_lowered:
.L_overlay_start_0:
0x88: {  	s2 =	sld [smem:$0x3FD9]  }
0x89: {  	s3 =	sld [smem:$0x3FFE];
	_ =	sdelay $0x1  }
0x8a: {  	s1 =	srdreg.scid  }
0x8b: {  	s0 =	sand.u32 $0x1, s1  }
0x8c: {  	s14 =	sshll.u32 s0, $0xA;
	s2 =	sadd.s32 s3, s2  }
0x8d: {  	s2 =	sadd.s32 s2, s14  }
0x8e: {  	[smem:$0x3FBE] =	sst s2  }
0x8f: {  	_ = 	snop  }
0x90: {  	s2 =	sld [smem:$0x3FD0];
	_ =	sdelay $0x1  }
0x91: {  	s15 =	sld [smem:$0x3FC6]  }
0x92: {  	s5 =	simm.s32 $0xA;
	s6 =	simm.s32 $0x10;
	s4 =	sld [smem:$0x3FC5]  }
0x93: {  	[smem:s6], [sflag:s5] =	dma.local [hbm:s2], $0x1  }
0x94: {  	_ =	swait.eq [sflag:s5], $0x1  }
0x95: {  	[sflag:s5] =	ssyncset.done $0x0  }
0x96: {  	[sflag:s5] =	ssyncadd.s32 $0xFFFFFFFF  }
0x97: {  	s16 =	sld [smem:$0x11];
	(tm) =	ssettm $0x1  }
0x98: {  	s17 =	sld [smem:$0x3FFB];
	_ =	sdelay $0x3  }
0x99: {  	_ =	strace s17  }
0x9a: {  	s5 =	sld [smem:$0x3FFC];
	_ =	sdelay $0x3  }
0x9b: {  	_ =	strace s5  }
0x9c: {  	s5 =	sld [smem:$0x3FFD];
	_ =	sdelay $0x3  }
0x9d: {  	_ =	strace s5  }
0x9e: {  	_ =	strace $0x8FFFFFFF  }
0x9f: {  	s18 =	sld [smem:$0x3FDB];
	_ =	sdelay $0x1  }
0xa0: {  	s19 =	simm.s32 $_scs_section_size  }
0xa1: {  	s7 =	simm.s32 $_size__tile_overlayer_lowered;
	s8 =	simm.s32 $_tile_overlayer_lowered  }
0xa2: {  	s22 =	simm.s32 $0x1BFF;
	s21 =	sshll.u32 s8, $0x1;
	s5 =	sadd.s32 s19, s18  }
0xa3: {  	s9 =	simm.s32 $0x0;
	s20 =	sshll.u32 s7, $0x1;
	s7 =	sadd.s32 s21, s5  }
0xa4: {  	[timem:s9], [sflag:s22] =	dma.local [hbm:s7], s20  }
0xa5: {  	_ =	swait.ge [sflag:s22], s20  }
0xa6: {  	s6 =	ssub.s32 $0x0, s20;
	[sflag:s22] =	ssyncset.done $0x0  }
0xa7: {  	[sflag:s22] =	ssyncadd.s32 s6;
	_ =	sdelay $0x1  }
0xa8: {  	s23 =	simm.s32 $0x1B8B  }
0xa9: {  	_ =	swait.ge [sflag:s23], $0x1  }
0xaa: {  	[sflag:s23] =	ssyncset.done $0x0  }
0xab: {  	s25 =	simm.s32 $0x1B8E;
	s24 =	sld [smem:$0x3FFE];
	[sflag:s23] =	ssyncadd.s32 $0xFFFFFFFF  }
0xac: {  	s26 =	simm.s32 $execute0_lowered;
	[smem:$0x3FD2] =	sst s25  }
0xad: {  	s7 =	sshll.u32 s26, $0x1;
	_ =	strace $0x80000046;
	[dreg:$0x1] =	wrdreg $0xFFFFFFFF  }
0xae: {  	s28 =	simm.s32 $_size_execute0_lowered;
	s5 =	sadd.s32 s5, s7;
	[dreg:$0x0] =	wrdreg $0x0  }
0xaf: {  	s7 =	sshll.u32 s28, $0x1;
	[dreg:$0x2] =	wrdreg s5  }
0xb0: {  	[dreg:$0x3] =	wrdreg s7  }
0xb1: {  	[dreg:$0x4] =	wrdreg $0xC0  }
0xb2: {  	_ =	task [dreg:s9], $0x5FFFF  }
0xb3: {  	[dreg:$0x1] =	wrdreg $0xFFFFFFFF  }
0xb4: {  	[dreg:$0x0] =	wrdreg $0x60  }
0xb5: {  	[dreg:$0x2] =	wrdreg s24  }
0xb6: {  	[dreg:$0x3] =	wrdreg s16  }
0xb7: {  	[dreg:$0x4] =	wrdreg s15  }
0xb8: {  	[dreg:$0x5] =	wrdreg s4  }
0xb9: {  	[dreg:$0x6] =	wrdreg $0x9  }
0xba: {  	_ =	task.clear_ibuf [dreg:s9], $0x7FFFF;
	_ =	strace $0x90000046  }
0xbb: {  	s29 =	simm.s32 $0x9;
	_ =	strace $0x80000048  }
0xbc: {  	_ =	swait.ge [sflag:s29], $0x1  }
0xbd: {  	[sflag:s29] =	ssyncadd.s32 $0xFFFFFFFF  }
0xbe: {  	_ =	strace $0x90000048  }
0xbf: {  	_ =	sfence  }
0xc0: {  	s30 =	sld [smem:$0x0];
	_ =	sdelay $0x2  }
0xc1: {  	s31 =	sshll.u32 s1, $0xD;
	s1 =	sshrl.u32 s1, $0x2  }
0xc2: {  	s3 =	sand.u32 $0x4000, s31;
	s1 =	sadd.s32 s1, s30  }
0xc3: {  	s0 =	sor.u32 s3, s0;
	s1 =	sshll.u32 s1, $0x11  }
0xc4: {  	s0 =	sor.u32 s1, s0  }
0xc5: {  	s0 =	sadd.s32 $0x8F2B, s0  }
0xc6: {  	[sflag:s0] =	ssyncadd.remote.s32 $0x1  }
0xc7: {  	_ =	sfence.sel $0xFFFF  }
0xc8: {  	[dreg:$0x0] =	wrdreg $0xFFFFFFFF;
	(pc) =	sbr.abs _section_cstart, $3  }
0xc9: {  	[dreg:$0x1] =	wrdreg $0xFFFFFFFF  }
0xca: {  	_ =	task.clear_ibuf [dreg:s9], $0x2FFFF;
	_ =	strace $0x9FFFFFFF  }
0xcb: {  	(tm) =	ssettm $0x7FFFFFFF  }
tec
execute0_lowered:
.L_overlay_start_1:
0x0: {  	(tag) =	ssettag $0x1  }
0x1: {  	s6 =	rddreg [dreg:$0x0]  }
0x2: {  	s1 =	rddreg [dreg:$0x1]  }
0x3: {  	s2 =	rddreg [dreg:$0x2]  }
0x4: {  	s3 =	rddreg [dreg:$0x3];
	s4 =	srdreg.scid  }
0x5: {  	s0 =	rddreg [dreg:$0x4];
	s5 =	simm.s32 $0x0;
	s7 =	sand.u32 $0x1, s4  }
0x6: {  	s16 =	simm.s32 $0x11A80;
	s4 =	stileid.u32;
	s8 =	sshll.u32 s7, $0x4  }
0x7: {  	s17 =	simm.s32 $0x0;
	[smem:$0x7FF] =	sst s5;
	s8 =	sor.u32 s4, s8  }
0x8: {  	s11 =	sadd.s32 $0x4E4800, s6;
	s14 =	sadd.s32 $0x2800, s6;
	s9 =	smul.u32 $0x1388, s8  }
0x9: {  	s7 =	ssub.s32 $0x2, s7;
	s10 =	smul.u32 $0x1400, s8;
	s8 =	sor.u32 $0x20, s8  }
0xa: {  	_ =	strace $0x80000047;
	s12 =	sshrl.u32 s7, $0x1;
	s13 =	smul.u32 $0x1388, s8  }
0xb: {  	s12 =	ssub.s32 s7, s12;
	s15 =	smul.u32 $0x1400, s8;
	s6 =	sadd.s32 s11, s9  }
0xc: {  	s7 =	sadd.s32 s14, s10;
	s10 =	smax.u32 s12, $0x1;
	s12 =	simm.s32 $0x2  }
0xd: {  	s8 =	sadd.s32 s11, s13;
	s9 =	sadd.s32 s14, s15;
	s11 =	simm.s32 $0x7E00  }
0xe: {  	v0 =	vimm.f32 $0.0e+00;
	s13 =	simm.s32 $0x1F80;
	s14 =	simm.s32 $0x3F00;
	s15 =	simm.s32 $0x1  }
.LBB2_1:
0xf: {  	[tilespmem:s11], [sflag:$0x2] =	stream.linear.gather [hbm4b:s6+s5], $0x9C40, $0x38;
	[tilespmem:$0x1BA80] =	vst v63  }
0x10: {  	_ =	swait.ge [sflag:s12], $0x9C40  }
0x11: {  	[sflag:s12] =	ssyncset.done $0x0  }
0x12: {  	s18 =	simm.s32 $0x0;
	[sflag:s12] =	ssyncadd.s32 $0xFFFF63C0  }
.LBB2_2:
0x13: {  	p0 =	sne.s32 s18, $0x27FC0  }
.Ltmp0:
0x14: {  	_ = 	snop;
	(pc) =	sbr.rel @p0 .LBB2_2-.Ltmp0, $3  }
0x15: {  	_ =	sdelay $0x1  }
0x16: {  	s19 =	sshra.s32 s18, $0x2  }
0x17: {  	s18 =	sadd.s32 $0x40, s18;
	[tilespmem:s19+$0x11A80] =	vst v0  }
0x18: {  	s18 =	simm.s32 $0x0  }
.LBB2_4:
0x19: {  	s19 =	smul.u32 $0x3E8, s18;
	_ =	sdelay $0x1  }
0x1a: {  	s20 =	sadd.s32 s1, s19  }
0x1b: {  	[tilespmem:s5], [sflag:$0x1] =	stream.linear.gather [hbm4b:s20+s5], $0x1F40, $0x38;
	[tilespmem:$0x1BA80] =	vst v63  }
0x1c: {  	s29 =	sadd.s32 s2, s19  }
0x1d: {  	[tilespmem:s13], [sflag:$0x1] =	stream.linear.gather [hbm4b:s29+s5], $0x1F40, $0x38;
	[tilespmem:$0x1BA80] =	vst v63  }
0x1e: {  	s19 =	sadd.s32 s3, s19  }
0x1f: {  	[tilespmem:s14], [sflag:$0x1] =	stream.linear.gather [hbm4b:s19+s5], $0x1F40, $0x38;
	[tilespmem:$0x1BA80] =	vst v63  }
0x20: {  	_ =	swait.ge [sflag:s15], $0x1F40  }
0x21: {  	[sflag:s15] =	ssyncset.done $0x0  }
0x22: {  	[sflag:s15] =	ssyncadd.s32 $0xFFFFE0C0  }
0x23: {  	_ =	swait.ge [sflag:s15], $0x1F40  }
0x24: {  	[sflag:s15] =	ssyncset.done $0x0  }
0x25: {  	[sflag:s15] =	ssyncadd.s32 $0xFFFFE0C0  }
0x26: {  	_ =	swait.ge [sflag:s15], $0x1F40  }
0x27: {  	[sflag:s15] =	ssyncset.done $0x0  }
0x28: {  	s30 =	simm.s32 $0x1FA0;
	[sflag:s15] =	ssyncadd.s32 $0xFFFFE0C0  }
0x29: {  	s31 =	simm.s32 $0x3F20;
	v0 =	vld [tilespmem:s30+$0x10]  }
0x2a: {  	v1 =	vld [tilespmem:s31+$0x10]  }
0x2b: {  	v2 =	vld [tilespmem:s31+$0xFFFFFFE0]  }
0x2c: {  	v3 =	vld [tilespmem:s30+$0xFFFFFFF0]  }
0x2d: {  	v4 =	vld [tilespmem:s31+$0xFFFFFFF0]  }
0x2e: {  	v5 =	vld [tilespmem:s30+$0x0]  }
0x2f: {  	v6 =	vld [tilespmem:s31+$0x0]  }
0x30: {  	s22 =	simm.s32 $0x1FE0;
	v7 =	vld [tilespmem:s30+$0xFFFFFFE0]  }
0x31: {  	s19 =	simm.s32 $0x3F60;
	v8 =	vld [tilespmem:s22+$0x10]  }
0x32: {  	v9 =	vld [tilespmem:s19+$0x10];
	v1 =	vmul.f32 v1, v0  }
0x33: {  	v3 =	vmul.f32 v4, v3;
	v0 =	vld [tilespmem:s19+$0xFFFFFFE0]  }
0x34: {  	v5 =	vmul.f32 v6, v5;
	v4 =	vmul.f32 $1.111111160e+00, v1;
	v1 =	vld [tilespmem:s22+$0xFFFFFFF0]  }
0x35: {  	s20 =	simm.s32 $0x5EA0;
	v10 =	vmul.f32 v2, v7;
	v6 =	vmul.f32 $1.111111160e+00, v3;
	v3 =	vld [tilespmem:s19+$0xFFFFFFF0]  }
0x36: {  	v2 =	vld [tilespmem:s22+$0x0];
	v11 =	vmul.f32 $1.111111160e+00, v5;
	[tilespmem:s20+$0x10] =	vst v4  }
0x37: {  	v7 =	vmul.f32 v9, v8;
	[tilespmem:s20+$0xFFFFFFF0] =	vst v6;
	v4 =	vld [tilespmem:s19+$0x0];
	v6 =	vmul.f32 $1.111111160e+00, v10  }
0x38: {  	s21 =	simm.s32 $0x4;
	v5 =	vld [tilespmem:s22+$0xFFFFFFE0];
	s22 =	simm.s32 $0x2020;
	[tilespmem:s20+$0x0] =	vst v11  }
.LBB2_5:
0x39: {  	v8 =	vld [tilespmem:s22+$0x10];
	v7 =	vmul.f32 $1.111111160e+00, v7;
	s19 =	sadd.s32 $0x40, s19;
	[tilespmem:s20+$0xFFFFFFE0] =	vst v6  }
0x3a: {  	s21 =	sadd.s32 $0x4, s21;
	s20 =	sadd.s32 $0x40, s20;
	v6 =	vld [tilespmem:s19+$0x10];
	v3 =	vmul.f32 v3, v1  }
0x3b: {  	p0 =	slt.u32 s21, $0x1F0;
	v9 =	vld [tilespmem:s19+$0xFFFFFFE0];
	[tilespmem:s20+$0x10] =	vst v7  }
.Ltmp1:
0x3c: {  	v1 =	vld [tilespmem:s22+$0xFFFFFFF0];
	v7 =	vmul.f32 $1.111111160e+00, v3;
	v4 =	vmul.f32 v4, v2;
	(pc) =	sbr.rel @p0 .LBB2_5-.Ltmp1, $4  }
0x3d: {  	v3 =	vld [tilespmem:s19+$0xFFFFFFF0];
	v11 =	vmul.f32 v0, v5  }
0x3e: {  	v2 =	vld [tilespmem:s22+$0x0];
	[tilespmem:s20+$0xFFFFFFF0] =	vst v7;
	v10 =	vmul.f32 $1.111111160e+00, v4  }
0x3f: {  	v4 =	vld [tilespmem:s19+$0x0];
	v7 =	vmul.f32 v6, v8;
	v6 =	vmul.f32 $1.111111160e+00, v11  }
0x40: {  	v5 =	vld [tilespmem:s22+$0xFFFFFFE0];
	s22 =	sadd.s32 $0x40, s22;
	[tilespmem:s20+$0x0] =	vst v10;
	v0 =	vmov v9  }
0x41: {  	_ =	sdelay $0x1  }
0x42: {  	v1 =	vmul.f32 v3, v1  }
0x43: {  	v3 =	vmul.f32 $1.111111160e+00, v7;
	v2 =	vmul.f32 v4, v2  }
0x44: {  	[tilespmem:s20+$0xFFFFFFE0] =	vst v6;
	s19 =	sadd.s32 $0x40, s20;
	v1 =	vmul.f32 $1.111111160e+00, v1;
	v0 =	vmul.f32 v0, v5  }
0x45: {  	[tilespmem:s19+$0x10] =	vst v3;
	v2 =	vmul.f32 $1.111111160e+00, v2  }
0x46: {  	[tilespmem:s19+$0xFFFFFFF0] =	vst v1;
	v0 =	vmul.f32 $1.111111160e+00, v0  }
0x47: {  	[tilespmem:s19+$0x0] =	vst v2  }
0x48: {  	s31 =	simm.s32 $0x30;
	[tilespmem:s19+$0xFFFFFFE0] =	vst v0  }
0x49: {  	v0 =	vld [tilespmem:s31+$0x20]  }
0x4a: {  	v1 =	vld [tilespmem:s31+$0xFFFFFFD0]  }
0x4b: {  	v2 =	vld [tilespmem:s31+$0xFFFFFFE0]  }
0x4c: {  	v11 =	vld [tilespmem:s31+$0xFFFFFFF0]  }
0x4d: {  	v16 =	vld [tilespmem:s31+$0x0]  }
0x4e: {  	v17 =	vld [tilespmem:s31+$0x10];
	v18 =	vand.u32 $0xFFFF, v0  }
0x4f: {  	s19 =	simm.s32 $0x5EB0;
	v13 =	vand.u32 $0xFFFF, v1  }
0x50: {  	v12 =	vld [tilespmem:s19+$0x20];
	v8 =	vand.u32 $0xFFFF, v2  }
0x51: {  	v10 =	vld [tilespmem:s19+$0xFFFFFFD0];
	v7 =	vand.u32 $0xFFFF, v11  }
0x52: {  	v5 =	vand.u32 $0xFFFF, v16;
	v9 =	vshrl.u32 v1, $0x10;
	v1 =	vld [tilespmem:s19+$0x0]  }
0x53: {  	v6 =	vand.u32 $0xFFFF, v17;
	v3 =	vld.idx.msk [tilespmem:v18+s11+$0x0], $0xffff  }
0x54: {  	v15 =	vld.idx.msk [tilespmem:v13+s11+$0x0], $0xffff  }
0x55: {  	v14 =	vshrl.u32 v0, $0x10;
	v19 =	vld.idx.msk [tilespmem:v8+s11+$0x0], $0xffff  }
0x56: {  	v20 =	vld.idx.msk [tilespmem:v7+s11+$0x0], $0xffff  }
0x57: {  	v0 =	vld.idx.msk [tilespmem:v5+s11+$0x0], $0xffff  }
0x58: {  	v4 =	vadd.s32 $0x1, v18;
	v21 =	vld.idx.msk [tilespmem:v6+s11+$0x0], $0xffff;
	v3 =	vmul.f32 v3, v12  }
0x59: {  	v16 =	vshrl.u32 v16, $0x10;
	v25 =	vmul.f32 v15, v10;
	v15 =	vshrl.u32 v2, $0x10;
	v2 =	vld [tilespmem:s19+$0x10]  }
0x5a: {  	v23 =	vadd.s32 $0x1, v13;
	[tilespmem:v14+s16+$0x0] =	vst.idx.add.f32.msk $0xffff, v3  }
0x5b: {  	v3 =	vld [tilespmem:s19+$0xFFFFFFF0]  }
0x5c: {  	v56 =	vadd.s32 $0x1, v5;
	v0 =	vmul.f32 v0, v1;
	[tilespmem:v9+s16+$0x0] =	vst.idx.add.f32.msk $0xffff, v25  }
0x5d: {  	v17 =	vshrl.u32 v17, $0x10;
	v22 =	vld.idx.msk [tilespmem:v4+s11+$0x0], $0xffff  }
0x5e: {  	v11 =	vshrl.u32 v11, $0x10;
	[tilespmem:v16+s16+$0x0] =	vst.idx.add.f32.msk $0xffff, v0  }
0x5f: {  	v24 =	vadd.s32 $0x1, v14;
	v23 =	vld.idx.msk [tilespmem:v23+s11+$0x0], $0xffff  }
0x60: {  	v53 =	vadd.s32 $0x1, v7;
	v4 =	vld [tilespmem:s19+$0xFFFFFFE0];
	v54 =	vmul.f32 v21, v2  }
0x61: {  	v0 =	vadd.s32 $0x1, v9;
	v21 =	vld.idx.msk [tilespmem:v56+s11+$0x0], $0xffff;
	v20 =	vmul.f32 v20, v3  }
0x62: {  	v26 =	vadd.s32 $0x2, v18;
	[tilespmem:v17+s16+$0x0] =	vst.idx.add.f32.msk $0xffff, v54;
	v22 =	vmul.f32 v22, v12  }
0x63: {  	[tilespmem:v11+s16+$0x0] =	vst.idx.add.f32.msk $0xffff, v20  }
0x64: {  	v52 =	vadd.s32 $0x1, v8;
	v23 =	vmul.f32 v23, v10;
	[tilespmem:v24+s16+$0x0] =	vst.idx.add.f32.msk $0xffff, v22  }
0x65: {  	v58 =	vadd.s32 $0x1, v6;
	v25 =	vld.idx.msk [tilespmem:v53+s11+$0x0], $0xffff  }
0x66: {  	v19 =	vmul.f32 v19, v4;
	[tilespmem:v0+s16+$0x0] =	vst.idx.add.f32.msk $0xffff, v23;
	v0 =	vadd.s32 $0x1, v16  }
0x67: {  	v34 =	vadd.s32 $0x2, v5;
	v24 =	vld.idx.msk [tilespmem:v26+s11+$0x0], $0xffff  }
0x68: {  	v59 =	vadd.s32 $0x1, v11;
	[tilespmem:v15+s16+$0x0] =	vst.idx.add.f32.msk $0xffff, v19  }
0x69: {  	v55 =	vadd.s32 $0x2, v14;
	v21 =	vmul.f32 v21, v1;
	v22 =	vld.idx.msk [tilespmem:v52+s11+$0x0], $0xffff  }
0x6a: {  	v57 =	vadd.s32 $0x3, v18;
	v26 =	vld.idx.msk [tilespmem:v58+s11+$0x0], $0xffff  }
0x6b: {  	v27 =	vadd.s32 $0x1, v15;
	v25 =	vmul.f32 v25, v3;
	[tilespmem:v0+s16+$0x0] =	vst.idx.add.f32.msk $0xffff, v21  }
0x6c: {  	v60 =	vadd.s32 $0x2, v13;
	v24 =	vmul.f32 v24, v12;
	v23 =	vld.idx.msk [tilespmem:v34+s11+$0x0], $0xffff  }
0x6d: {  	v30 =	vadd.s32 $0x1, v17;
	[tilespmem:v59+s16+$0x0] =	vst.idx.add.f32.msk $0xffff, v25  }
0x6e: {  	v31 =	vadd.s32 $0x2, v7;
	v22 =	vmul.f32 v22, v4;
	[tilespmem:v55+s16+$0x0] =	vst.idx.add.f32.msk $0xffff, v24  }
0x6f: {  	v61 =	vadd.s32 $0x2, v8;
	v19 =	vld.idx.msk [tilespmem:v57+s11+$0x0], $0xffff  }
0x70: {  	v35 =	vadd.s32 $0x2, v6;
	v26 =	vmul.f32 v26, v2;
	[tilespmem:v27+s16+$0x0] =	vst.idx.add.f32.msk $0xffff, v22  }
0x71: {  	v62 =	vadd.s32 $0x3, v14;
	v24 =	vld.idx.msk [tilespmem:v60+s11+$0x0], $0xffff  }
0x72: {  	v63 =	vadd.s32 $0x4, v18;
	[tilespmem:v30+s16+$0x0] =	vst.idx.add.f32.msk $0xffff, v26  }
0x73: {  	v41 =	vadd.s32 $0x2, v16;
	v36 =	vld.idx.msk [tilespmem:v31+s11+$0x0], $0xffff  }
0x74: {  	v46 =	vadd.s32 $0x3, v5;
	v33 =	vld.idx.msk [tilespmem:v61+s11+$0x0], $0xffff;
	v0 =	vmul.f32 v19, v12  }
0x75: {  	v32 =	vadd.s32 $0x2, v9;
	v42 =	vld.idx.msk [tilespmem:v35+s11+$0x0], $0xffff  }
0x76: {  	v39 =	vadd.s32 $0x3, v13;
	v23 =	vmul.f32 v23, v1;
	[tilespmem:v62+s16+$0x0] =	vst.idx.add.f32.msk $0xffff, v0  }
0x77: {  	v0 =	vadd.s32 $0x2, v15;
	v22 =	vld.idx.msk [tilespmem:v63+s11+$0x0], $0xffff  }
0x78: {  	v40 =	vadd.s32 $0x2, v11;
	v24 =	vmul.f32 v24, v10;
	[tilespmem:v41+s16+$0x0] =	vst.idx.add.f32.msk $0xffff, v23  }
0x79: {  	v37 =	vadd.s32 $0x4, v14;
	v53 =	vld.idx.msk [tilespmem:v46+s11+$0x0], $0xffff  }
0x7a: {  	v38 =	vadd.s32 $0x5, v18;
	v21 =	vmul.f32 v33, v4;
	[tilespmem:v32+s16+$0x0] =	vst.idx.add.f32.msk $0xffff, v24  }
0x7b: {  	v44 =	vadd.s32 $0x3, v7;
	v20 =	vmul.f32 v36, v3;
	v19 =	vld.idx.msk [tilespmem:v39+s11+$0x0], $0xffff  }
0x7c: {  	v43 =	vadd.s32 $0x3, v8;
	[tilespmem:v0+s16+$0x0] =	vst.idx.add.f32.msk $0xffff, v21;
	v0 =	vmul.f32 v22, v12  }
0x7d: {  	v56 =	vadd.s32 $0x3, v16;
	[tilespmem:v40+s16+$0x0] =	vst.idx.add.f32.msk $0xffff, v20  }
0x7e: {  	v47 =	vadd.s32 $0x3, v9;
	[tilespmem:v37+s16+$0x0] =	vst.idx.add.f32.msk $0xffff, v0  }
0x7f: {  	v0 =	vadd.s32 $0x2, v17;
	v25 =	vld.idx.msk [tilespmem:v38+s11+$0x0], $0xffff  }
0x80: {  	v49 =	vadd.s32 $0x3, v6;
	v51 =	vld.idx.msk [tilespmem:v44+s11+$0x0], $0xffff;
	v20 =	vmul.f32 v53, v1  }
0x81: {  	v45 =	vadd.s32 $0x5, v14;
	v19 =	vmul.f32 v19, v10;
	v48 =	vld.idx.msk [tilespmem:v43+s11+$0x0], $0xffff  }
0x82: {  	v63 =	vadd.s32 $0x4, v5;
	[tilespmem:v56+s16+$0x0] =	vst.idx.add.f32.msk $0xffff, v20;
	v22 =	vmul.f32 v42, v2  }
0x83: {  	v50 =	vadd.s32 $0x3, v15;
	[tilespmem:v47+s16+$0x0] =	vst.idx.add.f32.msk $0xffff, v19  }
0x84: {  	v52 =	vadd.s32 $0x6, v18;
	[tilespmem:v0+s16+$0x0] =	vst.idx.add.f32.msk $0xffff, v22;
	v0 =	vmul.f32 v25, v12  }
0x85: {  	v58 =	vadd.s32 $0x4, v8;
	v57 =	vld.idx.msk [tilespmem:v49+s11+$0x0], $0xffff  }
0x86: {  	v55 =	vmul.f32 v48, v4;
	[tilespmem:v45+s16+$0x0] =	vst.idx.add.f32.msk $0xffff, v0;
	v0 =	vadd.s32 $0x4, v13  }
0x87: {  	v59 =	vadd.s32 $0x3, v17;
	v38 =	vld.idx.msk [tilespmem:v63+s11+$0x0], $0xffff  }
0x88: {  	v32 =	vadd.s32 $0x4, v6;
	[tilespmem:v50+s16+$0x0] =	vst.idx.add.f32.msk $0xffff, v55  }
0x89: {  	v54 =	vadd.s32 $0x3, v11;
	v60 =	vld.idx.msk [tilespmem:v52+s11+$0x0], $0xffff  }
0x8a: {  	v61 =	vadd.s32 $0x4, v7;
	v31 =	vld.idx.msk [tilespmem:v58+s11+$0x0], $0xffff;
	v23 =	vmul.f32 v57, v2  }
0x8b: {  	v62 =	vadd.s32 $0x6, v14;
	v0 =	vld.idx.msk [tilespmem:v0+s11+$0x0], $0xffff  }
0x8c: {  	v18 =	vadd.s32 $0x7, v18;
	v25 =	vmul.f32 v51, v3;
	[tilespmem:v59+s16+$0x0] =	vst.idx.add.f32.msk $0xffff, v23  }
0x8d: {  	v30 =	vadd.s32 $0x4, v9;
	v41 =	vld.idx.msk [tilespmem:v32+s11+$0x0], $0xffff  }
0x8e: {  	v36 =	vadd.s32 $0x5, v13;
	[tilespmem:v54+s16+$0x0] =	vst.idx.add.f32.msk $0xffff, v25;
	v33 =	vmul.f32 v60, v12  }
0x8f: {  	v45 =	vadd.s32 $0x4, v17;
	v35 =	vld.idx.msk [tilespmem:v61+s11+$0x0], $0xffff  }
0x90: {  	v34 =	vadd.s32 $0x4, v15;
	[tilespmem:v62+s16+$0x0] =	vst.idx.add.f32.msk $0xffff, v33;
	v0 =	vmul.f32 v0, v10  }
0x91: {  	v47 =	vadd.s32 $0x5, v6;
	v18 =	vld.idx.msk [tilespmem:v18+s11+$0x0], $0xffff  }
0x92: {  	v37 =	vadd.s32 $0x4, v11;
	v21 =	vmul.f32 v41, v2;
	[tilespmem:v30+s16+$0x0] =	vst.idx.add.f32.msk $0xffff, v0  }
0x93: {  	v39 =	vadd.s32 $0x5, v8;
	v0 =	vmul.f32 v31, v4;
	v44 =	vld.idx.msk [tilespmem:v36+s11+$0x0], $0xffff  }
0x94: {  	v42 =	vadd.s32 $0x4, v16;
	[tilespmem:v45+s16+$0x0] =	vst.idx.add.f32.msk $0xffff, v21  }
0x95: {  	v43 =	vadd.s32 $0x5, v5;
	[tilespmem:v34+s16+$0x0] =	vst.idx.add.f32.msk $0xffff, v0;
	v0 =	vmul.f32 v35, v3  }
0x96: {  	v40 =	vadd.s32 $0x5, v7;
	v51 =	vld.idx.msk [tilespmem:v47+s11+$0x0], $0xffff  }
0x97: {  	v24 =	vmul.f32 v38, v1;
	[tilespmem:v37+s16+$0x0] =	vst.idx.add.f32.msk $0xffff, v0;
	v0 =	vadd.s32 $0x5, v9  }
0x98: {  	v14 =	vadd.s32 $0x7, v14;
	v46 =	vld.idx.msk [tilespmem:v39+s11+$0x0], $0xffff  }
0x99: {  	v53 =	vadd.s32 $0x5, v17;
	[tilespmem:v42+s16+$0x0] =	vst.idx.add.f32.msk $0xffff, v24  }
0x9a: {  	v48 =	vadd.s32 $0x5, v15;
	v22 =	vld.idx.msk [tilespmem:v43+s11+$0x0], $0xffff;
	v23 =	vmul.f32 v44, v10  }
0x9b: {  	v50 =	vadd.s32 $0x6, v13;
	v12 =	vmul.f32 v18, v12;
	v20 =	vld.idx.msk [tilespmem:v40+s11+$0x0], $0xffff  }
0x9c: {  	v56 =	vmul.f32 v51, v2;
	[tilespmem:v0+s16+$0x0] =	vst.idx.add.f32.msk $0xffff, v23;
	v0 =	vadd.s32 $0x5, v16  }
0x9d: {  	v52 =	vadd.s32 $0x6, v8;
	[tilespmem:v14+s16+$0x0] =	vst.idx.add.f32.msk $0xffff, v12;
	v19 =	vmul.f32 v46, v4  }
0x9e: {  	v49 =	vadd.s32 $0x5, v11;
	[tilespmem:v53+s16+$0x0] =	vst.idx.add.f32.msk $0xffff, v56  }
0x9f: {  	v54 =	vadd.s32 $0x6, v7;
	v22 =	vmul.f32 v22, v1;
	[tilespmem:v48+s16+$0x0] =	vst.idx.add.f32.msk $0xffff, v19  }
0xa0: {  	v55 =	vadd.s32 $0x6, v5;
	v21 =	vld.idx.msk [tilespmem:v50+s11+$0x0], $0xffff  }
0xa1: {  	v20 =	vmul.f32 v20, v3;
	[tilespmem:v0+s16+$0x0] =	vst.idx.add.f32.msk $0xffff, v22;
	v0 =	vadd.s32 $0x6, v6  }
0xa2: {  	v57 =	vadd.s32 $0x6, v9;
	v19 =	vld.idx.msk [tilespmem:v52+s11+$0x0], $0xffff  }
0xa3: {  	v13 =	vadd.s32 $0x7, v13;
	[tilespmem:v49+s16+$0x0] =	vst.idx.add.f32.msk $0xffff, v20  }
0xa4: {  	v58 =	vadd.s32 $0x6, v15;
	v20 =	vld.idx.msk [tilespmem:v54+s11+$0x0], $0xffff  }
0xa5: {  	v8 =	vadd.s32 $0x7, v8;
	v21 =	vmul.f32 v21, v10;
	v59 =	vld.idx.msk [tilespmem:v55+s11+$0x0], $0xffff  }
0xa6: {  	v60 =	vadd.s32 $0x6, v11;
	v0 =	vld.idx.msk [tilespmem:v0+s11+$0x0], $0xffff  }
0xa7: {  	v61 =	vadd.s32 $0x6, v16;
	v19 =	vmul.f32 v19, v4;
	[tilespmem:v57+s16+$0x0] =	vst.idx.add.f32.msk $0xffff, v21  }
0xa8: {  	v62 =	vadd.s32 $0x6, v17;
	v13 =	vld.idx.msk [tilespmem:v13+s11+$0x0], $0xffff  }
0xa9: {  	p0 =	por $0x1, $0x1;
	v63 =	vadd.s32 $0x7, v7;
	v12 =	vmul.f32 v20, v3;
	[tilespmem:v58+s16+$0x0] =	vst.idx.add.f32.msk $0xffff, v19  }
.Ltmp2:
0xaa: {  	v14 =	vadd.s32 $0x7, v5;
	v5 =	vld.idx.msk [tilespmem:v8+s11+$0x0], $0xffff;
	v7 =	vmul.f32 v59, v1;
	(pc) =	sbr.rel @!p0 .LBB2_8-.Ltmp2, $4  }
0xab: {  	[tilespmem:v60+s16+$0x0] =	vst.idx.add.f32.msk $0xffff, v12;
	v0 =	vmul.f32 v0, v2  }
0xac: {  	v47 =	vadd.s32 $0x7, v11;
	[tilespmem:v61+s16+$0x0] =	vst.idx.add.f32.msk $0xffff, v7  }
0xad: {  	v11 =	vadd.s32 $0x7, v17;
	v12 =	vadd.s32 $0x7, v9;
	[tilespmem:v62+s16+$0x0] =	vst.idx.add.f32.msk $0xffff, v0;
	v0 =	vmul.f32 v13, v10  }
0xae: {  	s21 =	simm.s32 $0x0;
	s20 =	simm.s32 $0x0;
	s22 =	simm.s32 $0x90;
	v13 =	vadd.s32 $0x7, v6;
	v10 =	vadd.s32 $0x7, v15;
	v15 =	vadd.s32 $0x7, v16;
	v6 =	vld.idx.msk [tilespmem:v63+s11+$0x0], $0xffff  }
.LBB2_7:
0xaf: {  	v8 =	vld [tilespmem:s22+$0x20]  }
0xb0: {  	[tilespmem:$0x1FFC0] =	vst v11;
	v11 =	vld [tilespmem:s22+$0xFFFFFFF0]  }
0xb1: {  	[tilespmem:$0x1FF20] =	vst v15;
	v15 =	vld [tilespmem:s22+$0x0]  }
0xb2: {  	v16 =	vld [tilespmem:s22+$0x10]  }
0xb3: {  	v17 =	vld [tilespmem:s22+$0xFFFFFFD0]  }
0xb4: {  	v44 =	vld.idx.msk [tilespmem:v14+s11+$0x0], $0xffff  }
0xb5: {  	v27 =	vld.idx.msk [tilespmem:v13+s11+$0x0], $0xffff  }
0xb6: {  	s19 =	sadd.s32 $0x60, s19;
	[tilespmem:v12+s16+$0x0] =	vst.idx.add.f32.msk $0xffff, v0  }
0xb7: {  	v39 =	vld [tilespmem:s19+$0x0];
	v9 =	vand.u32 $0xFFFF, v8  }
0xb8: {  	v4 =	vmul.f32 v5, v4;
	v5 =	vld [tilespmem:s22+$0xFFFFFFE0]  }
0xb9: {  	v42 =	vld [tilespmem:s19+$0x10];
	v14 =	vand.u32 $0xFFFF, v11;
	v18 =	vshrl.u32 v11, $0x10  }
0xba: {  	v35 =	vmul.f32 v6, v3;
	v13 =	vand.u32 $0xFFFF, v15;
	[tilespmem:v10+s16+$0x0] =	vst.idx.add.f32.msk $0xffff, v4;
	v0 =	vadd.s32 $0x3, v18  }
0xbb: {  	v19 =	vshrl.u32 v15, $0x10;
	v33 =	vand.u32 $0xFFFF, v17;
	v11 =	vld [tilespmem:s19+$0x20];
	v7 =	vadd.s32 $0x4, v18;
	[tilespmem:$0x1FE60] =	vst v0  }
0xbc: {  	v12 =	vand.u32 $0xFFFF, v16;
	v22 =	vshrl.u32 v16, $0x10;
	[tilespmem:$0x1FED0] =	vst v7;
	v7 =	vadd.s32 $0x4, v19;
	v3 =	vld.idx.msk [tilespmem:v9+s11+$0x0], $0xffff  }
0xbd: {  	v15 =	vshrl.u32 v8, $0x10;
	v8 =	vld [tilespmem:s19+$0xFFFFFFD0];
	[tilespmem:$0x1FEE0] =	vst v7;
	v7 =	vadd.s32 $0x4, v22;
	v38 =	vand.u32 $0xFFFF, v5  }
0xbe: {  	[tilespmem:$0x1FEF0] =	vst v7;
	v45 =	vld.idx.msk [tilespmem:v14+s11+$0x0], $0xffff;
	v0 =	vadd.s32 $0x4, v38  }
0xbf: {  	v34 =	vld.idx.msk [tilespmem:v13+s11+$0x0], $0xffff;
	[tilespmem:$0x1FE70] =	vst v0;
	v0 =	vadd.s32 $0x4, v14  }
0xc0: {  	v4 =	vadd.s32 $0x1, v9;
	v41 =	vld.idx.msk [tilespmem:v33+s11+$0x0], $0xffff;
	[tilespmem:$0x1FE80] =	vst v0;
	v0 =	vadd.s32 $0x4, v13  }
0xc1: {  	v36 =	vld.idx.msk [tilespmem:v12+s11+$0x0], $0xffff;
	[tilespmem:$0x1FE90] =	vst v0;
	v0 =	vadd.s32 $0x4, v12;
	v3 =	vmul.f32 v3, v11  }
0xc2: {  	v10 =	vshrl.u32 v17, $0x10;
	v43 =	vld.idx.msk [tilespmem:v38+s11+$0x0], $0xffff;
	[tilespmem:$0x1FEA0] =	vst v0  }
0xc3: {  	v53 =	vshrl.u32 v5, $0x10;
	v0 =	vadd.s32 $0x4, v10;
	[tilespmem:v15+s16+$0x0] =	vst.idx.add.f32.msk $0xffff, v3  }
0xc4: {  	[tilespmem:$0x1FEB0] =	vst v0;
	v0 =	vadd.s32 $0x4, v53;
	v3 =	vld [tilespmem:s19+$0xFFFFFFF0]  }
0xc5: {  	v37 =	vadd.s32 $0x1, v33;
	v51 =	vmul.f32 v41, v8;
	v41 =	vadd.s32 $0x5, v14;
	[tilespmem:$0x1FEC0] =	vst v0;
	v50 =	vld.idx.msk [tilespmem:v4+s11+$0x0], $0xffff  }
0xc6: {  	[tilespmem:$0x1FF00] =	vst v41;
	v4 =	vld [tilespmem:s19+$0xFFFFFFE0]  }
0xc7: {  	v40 =	vadd.s32 $0x1, v15;
	[tilespmem:v47+s16+$0x0] =	vst.idx.add.f32.msk $0xffff, v35;
	v47 =	vmul.f32 v34, v39  }
0xc8: {  	[tilespmem:v10+s16+$0x0] =	vst.idx.add.f32.msk $0xffff, v51  }
0xc9: {  	v0 =	vadd.s32 $0x2, v9;
	[tilespmem:v19+s16+$0x0] =	vst.idx.add.f32.msk $0xffff, v47;
	v47 =	vadd.s32 $0x6, v22;
	v45 =	vmul.f32 v45, v3  }
0xca: {  	v37 =	vld.idx.msk [tilespmem:v37+s11+$0x0], $0xffff;
	[tilespmem:$0x1FFE0] =	vst v47;
	v7 =	vmul.f32 v50, v11  }
0xcb: {  	v31 =	vadd.s32 $0x1, v14;
	v43 =	vmul.f32 v43, v4;
	[tilespmem:v18+s16+$0x0] =	vst.idx.add.f32.msk $0xffff, v45  }
0xcc: {  	v63 =	vadd.s32 $0x1, v13;
	v28 =	vadd.s32 $0x1, v12;
	v26 =	vadd.s32 $0x1, v18;
	[tilespmem:v40+s16+$0x0] =	vst.idx.add.f32.msk $0xffff, v7  }
0xcd: {  	v23 =	vadd.s32 $0x1, v19;
	v29 =	vadd.s32 $0x1, v10;
	v7 =	vadd.s32 $0x5, v53;
	[tilespmem:v53+s16+$0x0] =	vst.idx.add.f32.msk $0xffff, v43  }
0xce: {  	v32 =	vadd.s32 $0x1, v38;
	v45 =	vadd.s32 $0x6, v14;
	[tilespmem:$0x1FF10] =	vst v7;
	v7 =	vmul.f32 v36, v42;
	v36 =	vld.idx.msk [tilespmem:v0+s11+$0x0], $0xffff  }
0xcf: {  	v46 =	vadd.s32 $0x1, v22;
	v30 =	vadd.s32 $0x2, v33;
	v16 =	vadd.s32 $0x2, v14;
	[tilespmem:$0x1FF60] =	vst v45  }
0xd0: {  	v37 =	vmul.f32 v37, v8;
	v40 =	vadd.s32 $0x2, v15;
	[tilespmem:v22+s16+$0x0] =	vst.idx.add.f32.msk $0xffff, v7;
	v7 =	vadd.s32 $0x6, v12  }
0xd1: {  	v17 =	vadd.s32 $0x2, v13;
	v21 =	vadd.s32 $0x2, v12;
	v31 =	vld.idx.msk [tilespmem:v31+s11+$0x0], $0xffff;
	[tilespmem:$0x1FF80] =	vst v7;
	v7 =	vadd.s32 $0x3, v9  }
0xd2: {  	v61 =	vadd.s32 $0x2, v18;
	v59 =	vadd.s32 $0x3, v14;
	v14 =	vadd.s32 $0x7, v14;
	[tilespmem:v29+s16+$0x0] =	vst.idx.add.f32.msk $0xffff, v37  }
0xd3: {  	v60 =	vadd.s32 $0x2, v19;
	[tilespmem:$0x1FFF0] =	vst v14;
	v0 =	vadd.s32 $0x5, v18;
	v32 =	vld.idx.msk [tilespmem:v32+s11+$0x0], $0xffff;
	v47 =	vmul.f32 v36, v11  }
0xd4: {  	v20 =	vadd.s32 $0x3, v33;
	v62 =	vadd.s32 $0x2, v22;
	v57 =	vadd.s32 $0x3, v13;
	[tilespmem:$0x1FF30] =	vst v0;
	v36 =	vld.idx.msk [tilespmem:v63+s11+$0x0], $0xffff  }
0xd5: {  	v55 =	vadd.s32 $0x4, v33;
	v24 =	vadd.s32 $0x1, v53;
	v0 =	vadd.s32 $0x5, v19;
	[tilespmem:v40+s16+$0x0] =	vst.idx.add.f32.msk $0xffff, v47  }
0xd6: {  	v25 =	vadd.s32 $0x2, v38;
	v51 =	vadd.s32 $0x5, v33;
	[tilespmem:$0x1FF40] =	vst v0;
	v0 =	vadd.s32 $0x5, v22;
	v7 =	vld.idx.msk [tilespmem:v7+s11+$0x0], $0xffff  }
0xd7: {  	[tilespmem:$0x1FF50] =	vst v0;
	v0 =	vadd.s32 $0x6, v33;
	v33 =	vadd.s32 $0x7, v33;
	v63 =	vmul.f32 v44, v1  }
0xd8: {  	[tilespmem:$0x1FFB0] =	vst v33;
	v44 =	vmul.f32 v27, v2;
	v1 =	vmovc v39;
	v39 =	vmul.f32 v32, v4;
	v32 =	vadd.s32 $0x3, v15  }
0xd9: {  	v2 =	vmovc v42;
	v42 =	vmul.f32 v31, v3;
	v40 =	vld.idx.msk [tilespmem:v30+s11+$0x0], $0xffff;
	v33 =	vmul.f32 v36, v1;
	v36 =	vadd.s32 $0x4, v9  }
0xda: {  	v56 =	vadd.s32 $0x3, v12;
	v49 =	vadd.s32 $0x3, v19;
	v48 =	vadd.s32 $0x3, v22;
	[tilespmem:v24+s16+$0x0] =	vst.idx.add.f32.msk $0xffff, v39  }
0xdb: {  	v6 =	vadd.s32 $0x2, v10;
	v45 =	vadd.s32 $0x6, v13;
	[tilespmem:v26+s16+$0x0] =	vst.idx.add.f32.msk $0xffff, v42;
	v7 =	vmul.f32 v7, v11  }
0xdc: {  	v54 =	vadd.s32 $0x3, v10;
	v5 =	vadd.s32 $0x2, v53;
	v52 =	vadd.s32 $0x3, v53;
	[tilespmem:$0x1FF70] =	vst v45;
	v37 =	vld.idx.msk [tilespmem:v25+s11+$0x0], $0xffff  }
0xdd: {  	v41 =	vadd.s32 $0x5, v12;
	v34 =	vadd.s32 $0x5, v13;
	v45 =	vadd.s32 $0x6, v10;
	[tilespmem:v32+s16+$0x0] =	vst.idx.add.f32.msk $0xffff, v7  }
0xde: {  	v35 =	vadd.s32 $0x5, v10;
	v14 =	vadd.s32 $0x7, v13;
	[tilespmem:$0x1FF90] =	vst v45;
	v45 =	vadd.s32 $0x6, v53;
	v39 =	vld.idx.msk [tilespmem:v36+s11+$0x0], $0xffff  }
0xdf: {  	v13 =	vadd.s32 $0x7, v12;
	[tilespmem:$0x1FFA0] =	vst v45;
	v45 =	vadd.s32 $0x6, v18;
	v12 =	vadd.s32 $0x7, v10;
	v16 =	vld.idx.msk [tilespmem:v16+s11+$0x0], $0xffff  }
0xe0: {  	v10 =	vadd.s32 $0x7, v53;
	[tilespmem:v23+s16+$0x0] =	vst.idx.add.f32.msk $0xffff, v33;
	v7 =	vmul.f32 v40, v8;
	v40 =	vadd.s32 $0x4, v15  }
0xe1: {  	v53 =	vadd.s32 $0x7, v22;
	v42 =	vadd.s32 $0x5, v9;
	v17 =	vld.idx.msk [tilespmem:v17+s11+$0x0], $0xffff;
	v22 =	vmul.f32 v37, v4  }
0xe2: {  	[tilespmem:$0x1FFD0] =	vst v45;
	v45 =	vadd.s32 $0x6, v19;
	v47 =	vadd.s32 $0x7, v18;
	v18 =	vadd.s32 $0x7, v19;
	v19 =	vld.idx.msk [tilespmem:v28+s11+$0x0], $0xffff  }
0xe3: {  	[tilespmem:v5+s16+$0x0] =	vst.idx.add.f32.msk $0xffff, v22;
	v5 =	vmul.f32 v39, v11  }
0xe4: {  	[tilespmem:v6+s16+$0x0] =	vst.idx.add.f32.msk $0xffff, v7  }
0xe5: {  	[tilespmem:v40+s16+$0x0] =	vst.idx.add.f32.msk $0xffff, v5  }
0xe6: {  	v7 =	vmul.f32 v16, v3;
	v5 =	vmul.f32 v17, v1;
	v16 =	vld.idx.msk [tilespmem:v42+s11+$0x0], $0xffff;
	_ =	sdelay $0x1  }
0xe7: {  	[tilespmem:v60+s16+$0x0] =	vst.idx.add.f32.msk $0xffff, v5;
	v5 =	vadd.s32 $0x5, v15  }
0xe8: {  	v19 =	vmul.f32 v19, v2;
	v17 =	vadd.s32 $0x6, v9;
	_ =	sdelay $0x1  }
0xe9: {  	[tilespmem:v46+s16+$0x0] =	vst.idx.add.f32.msk $0xffff, v19;
	v16 =	vmul.f32 v16, v11  }
0xea: {  	v21 =	vld.idx.msk [tilespmem:v21+s11+$0x0], $0xffff  }
0xeb: {  	[tilespmem:v5+s16+$0x0] =	vst.idx.add.f32.msk $0xffff, v16  }
0xec: {  	v5 =	vld.idx.msk [tilespmem:v17+s11+$0x0], $0xffff  }
0xed: {  	v6 =	vld.idx.msk [tilespmem:v20+s11+$0x0], $0xffff  }
0xee: {  	[tilespmem:v61+s16+$0x0] =	vst.idx.add.f32.msk $0xffff, v7;
	v17 =	vadd.s32 $0x6, v15  }
0xef: {  	v7 =	vmul.f32 v21, v2;
	v46 =	vld.idx.msk [tilespmem:v59+s11+$0x0], $0xffff;
	v9 =	vadd.s32 $0x7, v9  }
0xf0: {  	v60 =	vld [tilespmem:$0x1FE60]  }
0xf1: {  	v58 =	vadd.s32 $0x3, v38;
	[tilespmem:v62+s16+$0x0] =	vst.idx.add.f32.msk $0xffff, v7;
	v5 =	vmul.f32 v5, v11  }
0xf2: {  	v59 =	vld.idx.msk [tilespmem:v56+s11+$0x0], $0xffff  }
0xf3: {  	[tilespmem:v17+s16+$0x0] =	vst.idx.add.f32.msk $0xffff, v5  }
0xf4: {  	v5 =	vld.idx.msk [tilespmem:v9+s11+$0x0], $0xffff  }
0xf5: {  	v6 =	vmul.f32 v6, v8;
	v9 =	vld [tilespmem:$0x1FE80]  }
0xf6: {  	v7 =	vld.idx.msk [tilespmem:v58+s11+$0x0], $0xffff;
	v16 =	vmul.f32 v46, v3;
	v15 =	vadd.s32 $0x7, v15  }
0xf7: {  	[tilespmem:v54+s16+$0x0] =	vst.idx.add.f32.msk $0xffff, v6  }
0xf8: {  	[tilespmem:v60+s16+$0x0] =	vst.idx.add.f32.msk $0xffff, v16;
	v16 =	vmul.f32 v59, v2  }
0xf9: {  	v58 =	vld.idx.msk [tilespmem:v57+s11+$0x0], $0xffff;
	v5 =	vmul.f32 v5, v11  }
0xfa: {  	[tilespmem:v48+s16+$0x0] =	vst.idx.add.f32.msk $0xffff, v16  }
0xfb: {  	[tilespmem:v15+s16+$0x0] =	vst.idx.add.f32.msk $0xffff, v5  }
0xfc: {  	v5 =	vld [tilespmem:$0x1FED0]  }
0xfd: {  	v9 =	vld.idx.msk [tilespmem:v9+s11+$0x0], $0xffff  }
0xfe: {  	v6 =	vmul.f32 v7, v4;
	v16 =	vld [tilespmem:$0x1FE90]  }
0xff: {  	v61 =	vld [tilespmem:$0x1FEB0]  }
0x100: {  	[tilespmem:v52+s16+$0x0] =	vst.idx.add.f32.msk $0xffff, v6;
	v6 =	vmul.f32 v58, v1  }
0x101: {  	v7 =	vld.idx.msk [tilespmem:v55+s11+$0x0], $0xffff  }
0x102: {  	[tilespmem:v49+s16+$0x0] =	vst.idx.add.f32.msk $0xffff, v6;
	v9 =	vmul.f32 v9, v3  }
0x103: {  	v6 =	vld [tilespmem:$0x1FE70]  }
0x104: {  	[tilespmem:v5+s16+$0x0] =	vst.idx.add.f32.msk $0xffff, v9  }
0x105: {  	v9 =	vld [tilespmem:$0x1FEE0]  }
0x106: {  	v16 =	vld.idx.msk [tilespmem:v16+s11+$0x0], $0xffff  }
0x107: {  	v7 =	vmul.f32 v7, v8;
	v17 =	vld [tilespmem:$0x1FEA0];
	_ =	sdelay $0x1  }
0x108: {  	[tilespmem:v61+s16+$0x0] =	vst.idx.add.f32.msk $0xffff, v7  }
0x109: {  	v7 =	vld.idx.msk [tilespmem:v51+s11+$0x0], $0xffff  }
0x10a: {  	v62 =	vld [tilespmem:$0x1FEC0];
	v11 =	vmul.f32 v16, v1  }
0x10b: {  	v6 =	vld.idx.msk [tilespmem:v6+s11+$0x0], $0xffff  }
0x10c: {  	[tilespmem:v9+s16+$0x0] =	vst.idx.add.f32.msk $0xffff, v11  }
0x10d: {  	v9 =	vld [tilespmem:$0x1FEF0]  }
0x10e: {  	v50 =	vadd.s32 $0x5, v38;
	v7 =	vmul.f32 v7, v8;
	v17 =	vld.idx.msk [tilespmem:v17+s11+$0x0], $0xffff;
	_ =	sdelay $0x1  }
0x10f: {  	[tilespmem:v35+s16+$0x0] =	vst.idx.add.f32.msk $0xffff, v7;
	v6 =	vmul.f32 v6, v4  }
0x110: {  	v7 =	vld [tilespmem:$0x1FF10]  }
0x111: {  	[tilespmem:v62+s16+$0x0] =	vst.idx.add.f32.msk $0xffff, v6  }
0x112: {  	v6 =	vld.idx.msk [tilespmem:v50+s11+$0x0], $0xffff;
	v5 =	vmul.f32 v17, v2;
	_ =	sdelay $0x1  }
0x113: {  	[tilespmem:v9+s16+$0x0] =	vst.idx.add.f32.msk $0xffff, v5  }
0x114: {  	v9 =	vld.idx.msk [tilespmem:v34+s11+$0x0], $0xffff;
	_ =	sdelay $0x1  }
0x115: {  	v6 =	vmul.f32 v6, v4;
	_ =	sdelay $0x1  }
0x116: {  	[tilespmem:v7+s16+$0x0] =	vst.idx.add.f32.msk $0xffff, v6  }
0x117: {  	v7 =	vmul.f32 v9, v1;
	v9 =	vld [tilespmem:$0x1FF20];
	_ =	sdelay $0x1  }
0x118: {  	v5 =	vld [tilespmem:$0x1FF00];
	_ =	sdelay $0x5  }
0x119: {  	[tilespmem:v9+s16+$0x0] =	vst.idx.add.f32.msk $0xffff, v63  }
0x11a: {  	v9 =	vld [tilespmem:$0x1FF30]  }
0x11b: {  	v5 =	vld.idx.msk [tilespmem:v5+s11+$0x0], $0xffff;
	_ =	sdelay $0x4  }
0x11c: {  	v5 =	vmul.f32 v5, v3;
	_ =	sdelay $0x1  }
0x11d: {  	[tilespmem:v9+s16+$0x0] =	vst.idx.add.f32.msk $0xffff, v5  }
0x11e: {  	v9 =	vld [tilespmem:$0x1FF40];
	_ =	sdelay $0x7  }
0x11f: {  	[tilespmem:v9+s16+$0x0] =	vst.idx.add.f32.msk $0xffff, v7  }
0x120: {  	v7 =	vld [tilespmem:$0x1FF50]  }
0x121: {  	v11 =	vld.idx.msk [tilespmem:v41+s11+$0x0], $0xffff;
	_ =	sdelay $0x4  }
0x122: {  	v5 =	vmul.f32 v11, v2;
	_ =	sdelay $0x1  }
0x123: {  	v43 =	vadd.s32 $0x6, v38;
	[tilespmem:v7+s16+$0x0] =	vst.idx.add.f32.msk $0xffff, v5  }
0x124: {  	v5 =	vld [tilespmem:$0x1FF60];
	_ =	sdelay $0x3  }
0x125: {  	v6 =	vld.idx.msk [tilespmem:v43+s11+$0x0], $0xffff;
	_ =	sdelay $0x3  }
0x126: {  	v7 =	vld.idx.msk [tilespmem:v5+s11+$0x0], $0xffff  }
0x127: {  	v5 =	vmul.f32 v6, v4;
	v6 =	vld [tilespmem:$0x1FF70];
	_ =	sdelay $0x1  }
0x128: {  	v11 =	vld [tilespmem:$0x1FF90]  }
0x129: {  	v0 =	vld.idx.msk [tilespmem:v0+s11+$0x0], $0xffff;
	_ =	sdelay $0x4  }
0x12a: {  	v0 =	vmul.f32 v0, v8;
	v6 =	vld.idx.msk [tilespmem:v6+s11+$0x0], $0xffff  }
0x12b: {  	v9 =	vld [tilespmem:$0x1FF80]  }
0x12c: {  	[tilespmem:v11+s16+$0x0] =	vst.idx.add.f32.msk $0xffff, v0  }
0x12d: {  	v0 =	vld [tilespmem:$0x1FFA0];
	_ =	sdelay $0x1  }
0x12e: {  	v16 =	vld [tilespmem:$0x1FFD0];
	v6 =	vmul.f32 v6, v1  }
0x12f: {  	v11 =	vld [tilespmem:$0x1FFC0]  }
0x130: {  	[tilespmem:v45+s16+$0x0] =	vst.idx.add.f32.msk $0xffff, v6  }
0x131: {  	v6 =	vld [tilespmem:$0x1FFE0]  }
0x132: {  	v9 =	vld.idx.msk [tilespmem:v9+s11+$0x0], $0xffff;
	_ =	sdelay $0x1  }
0x133: {  	[tilespmem:v0+s16+$0x0] =	vst.idx.add.f32.msk $0xffff, v5  }
0x134: {  	v0 =	vld [tilespmem:$0x1FFB0];
	v7 =	vmul.f32 v7, v3;
	_ =	sdelay $0x1  }
0x135: {  	[tilespmem:v16+s16+$0x0] =	vst.idx.add.f32.msk $0xffff, v7;
	v7 =	vmul.f32 v9, v2  }
0x136: {  	[tilespmem:v11+s16+$0x0] =	vst.idx.add.f32.msk $0xffff, v44  }
0x137: {  	[tilespmem:v6+s16+$0x0] =	vst.idx.add.f32.msk $0xffff, v7  }
0x138: {  	v6 =	vld [tilespmem:$0x1FFF0];
	_ =	sdelay $0x1  }
0x139: {  	s21 =	sadd.s32 $0x6, s21;
	v38 =	vadd.s32 $0x7, v38  }
0x13a: {  	p0 =	slt.u32 s21, $0x1EC;
	v0 =	vld.idx.msk [tilespmem:v0+s11+$0x0], $0xffff  }
.Ltmp3:
0x13b: {  	_ = 	snop;
	(pc) =	sbr.rel @p0 .LBB2_7-.Ltmp3, $3  }
0x13c: {  	_ =	sdelay $0x1  }
0x13d: {  	v5 =	vld.idx.msk [tilespmem:v38+s11+$0x0], $0xffff  }
0x13e: {  	s22 =	sadd.s32 $0x60, s22;
	v15 =	vmov v18;
	v11 =	vmov v53;
	v0 =	vmul.f32 v0, v8;
	v6 =	vld.idx.msk [tilespmem:v6+s11+$0x0], $0xffff  }
.LBB2_8:
0x13f: {  	_ =	sdelay $0x3  }
0x140: {  	v7 =	vld.idx.msk [tilespmem:v14+s11+$0x0], $0xffff  }
0x141: {  	v8 =	vld.idx.msk [tilespmem:v13+s11+$0x0], $0xffff;
	_ =	sdelay $0x1  }
0x142: {  	v4 =	vmul.f32 v5, v4  }
0x143: {  	[tilespmem:v12+s16+$0x0] =	vst.idx.add.f32.msk $0xffff, v0;
	v3 =	vmul.f32 v6, v3  }
0x144: {  	[tilespmem:v10+s16+$0x0] =	vst.idx.add.f32.msk $0xffff, v4;
	v62 =	vmul.f32 v7, v1  }
0x145: {  	v63 =	vmul.f32 v8, v2;
	[tilespmem:v47+s16+$0x0] =	vst.idx.add.f32.msk $0xffff, v3  }
0x146: {  	[tilespmem:v15+s16+$0x0] =	vst.idx.add.f32.msk $0xffff, v62  }
0x147: {  	[tilespmem:v11+s16+$0x0] =	vst.idx.add.f32.msk $0xffff, v63  }
.LBB2_9:
0x148: {  	s19 =	sshra.s32 s20, $0x2  }
0x149: {  	v0 =	vld [tilespmem:s19+$0x1F20];
	_ =	sdelay $0x4  }
0x14a: {  	v1 =	vand.u32 $0xFFFF, v0;
	_ =	sdelay $0x3  }
0x14b: {  	v2 =	vld [tilespmem:s19+$0x7DA0]  }
0x14c: {  	v3 =	vld.idx.msk [tilespmem:v1+s11+$0x0], $0xffff;
	_ =	sdelay $0x1  }
0x14d: {  	v0 =	vshrl.u32 v0, $0x10  }
0x14e: {  	v4 =	vadd.s32 $0x1, v1;
	_ =	sdelay $0x1  }
0x14f: {  	v3 =	vmul.f32 v3, v2;
	_ =	sdelay $0x1  }
0x150: {  	[tilespmem:v0+s16+$0x0] =	vst.idx.add.f32.msk $0xffff, v3  }
0x151: {  	v3 =	vld.idx.msk [tilespmem:v4+s11+$0x0], $0xffff;
	_ =	sdelay $0x1  }
0x152: {  	v54 =	vadd.s32 $0x1, v0  }
0x153: {  	v5 =	vadd.s32 $0x2, v1;
	_ =	sdelay $0x1  }
0x154: {  	v3 =	vmul.f32 v3, v2;
	_ =	sdelay $0x1  }
0x155: {  	[tilespmem:v54+s16+$0x0] =	vst.idx.add.f32.msk $0xffff, v3  }
0x156: {  	v3 =	vld.idx.msk [tilespmem:v5+s11+$0x0], $0xffff;
	_ =	sdelay $0x1  }
0x157: {  	v55 =	vadd.s32 $0x2, v0  }
0x158: {  	v56 =	vadd.s32 $0x3, v1;
	_ =	sdelay $0x1  }
0x159: {  	v3 =	vmul.f32 v3, v2;
	_ =	sdelay $0x1  }
0x15a: {  	[tilespmem:v55+s16+$0x0] =	vst.idx.add.f32.msk $0xffff, v3  }
0x15b: {  	v3 =	vld.idx.msk [tilespmem:v56+s11+$0x0], $0xffff;
	_ =	sdelay $0x1  }
0x15c: {  	v57 =	vadd.s32 $0x3, v0  }
0x15d: {  	v58 =	vadd.s32 $0x4, v1;
	_ =	sdelay $0x1  }
0x15e: {  	v3 =	vmul.f32 v3, v2;
	_ =	sdelay $0x1  }
0x15f: {  	[tilespmem:v57+s16+$0x0] =	vst.idx.add.f32.msk $0xffff, v3  }
0x160: {  	v3 =	vld.idx.msk [tilespmem:v58+s11+$0x0], $0xffff;
	_ =	sdelay $0x1  }
0x161: {  	v59 =	vadd.s32 $0x4, v0  }
0x162: {  	v60 =	vadd.s32 $0x5, v1;
	_ =	sdelay $0x1  }
0x163: {  	v3 =	vmul.f32 v3, v2;
	_ =	sdelay $0x1  }
0x164: {  	[tilespmem:v59+s16+$0x0] =	vst.idx.add.f32.msk $0xffff, v3  }
0x165: {  	v3 =	vld.idx.msk [tilespmem:v60+s11+$0x0], $0xffff;
	_ =	sdelay $0x1  }
0x166: {  	v61 =	vadd.s32 $0x5, v0  }
0x167: {  	v62 =	vadd.s32 $0x6, v1;
	_ =	sdelay $0x1  }
0x168: {  	v3 =	vmul.f32 v3, v2;
	_ =	sdelay $0x1  }
0x169: {  	[tilespmem:v61+s16+$0x0] =	vst.idx.add.f32.msk $0xffff, v3  }
0x16a: {  	v3 =	vld.idx.msk [tilespmem:v62+s11+$0x0], $0xffff;
	_ =	sdelay $0x1  }
0x16b: {  	v63 =	vadd.s32 $0x6, v0  }
0x16c: {  	v1 =	vadd.s32 $0x7, v1;
	_ =	sdelay $0x1  }
0x16d: {  	v3 =	vmul.f32 v3, v2;
	_ =	sdelay $0x1  }
0x16e: {  	[tilespmem:v63+s16+$0x0] =	vst.idx.add.f32.msk $0xffff, v3  }
0x16f: {  	v1 =	vld.idx.msk [tilespmem:v1+s11+$0x0], $0xffff;
	_ =	sdelay $0x1  }
0x170: {  	p0 =	sne.s32 s20, $0x40;
	v0 =	vadd.s32 $0x7, v0  }
.Ltmp4:
0x171: {  	_ = 	snop;
	(pc) =	sbr.rel @p0 .LBB2_9-.Ltmp4, $3  }
0x172: {  	_ = 	snop  }
0x173: {  	v1 =	vmul.f32 v1, v2;
	_ =	sdelay $0x1  }
0x174: {  	s20 =	sadd.s32 $0x40, s20;
	[tilespmem:v0+s16+$0x0] =	vst.idx.add.f32.msk $0xffff, v1  }
0x175: {  	s18 =	sadd.s32 $0x1, s18  }
0x176: {  	p0 =	sne.s32 s18, $0x14  }
.Ltmp5:
0x177: {  	_ = 	snop;
	(pc) =	sbr.rel @p0 .LBB2_4-.Ltmp5, $1  }
0x178: {  	_ =	sdelay $0x3  }
0x179: {  	s18 =	simm.s32 $0x0  }
0x17a: {  	[hbm4b:s7+s18] =	stream.linear.scatter [tilespmem:s16], [sflag:$0x2], $0xA000, $0x38;
	[tilespmem:$0x1BA80] =	vst v63  }
0x17b: {  	_ =	swait.ge [sflag:s12], $0xA000  }
0x17c: {  	[sflag:s12] =	ssyncset.done $0x0  }
0x17d: {  	[sflag:s12] =	ssyncadd.s32 $0xFFFF6000  }
0x17e: {  	[tilespmem:s11], [sflag:$0x2] =	stream.linear.gather [hbm4b:s8+s18], $0x9C40, $0x38;
	[tilespmem:$0x1BA80] =	vst v63  }
0x17f: {  	_ =	swait.ge [sflag:s12], $0x9C40  }
0x180: {  	[sflag:s12] =	ssyncset.done $0x0  }
0x181: {  	s19 =	simm.s32 $0x40;
	s20 =	simm.s32 $0x0;
	v0 =	vimm.f32 $0.0e+00;
	[sflag:s12] =	ssyncadd.s32 $0xFFFF63C0  }
.LBB2_12:
0x182: {  	p0 =	sne.s32 s19, $0x27FC0;
	[tilespmem:s20+$0x11A80] =	vst v0;
	s20 =	smov.u32 s19;
	s19 =	sadd.s32 $0x40, s19  }
.Ltmp6:
0x183: {  	(pc) =	sbr.rel @p0 .LBB2_12-.Ltmp6, $2  }
0x184: {  	_ =	sdelay $0x2  }
0x185: {  	s20 =	sshra.s32 s20, $0x2  }
0x186: {  	[tilespmem:s20+$0x11A80] =	vst v0  }
.LBB2_14:
0x187: {  	s19 =	smul.u32 $0x1F40, s18;
	_ =	sdelay $0x1  }
0x188: {  	s19 =	sshrl.u32 s19, $0x3  }
0x189: {  	s20 =	sadd.s32 s1, s19  }
0x18a: {  	s20 =	sadd.s32 $0x4E20, s20  }
0x18b: {  	[tilespmem:s5], [sflag:$0x1] =	stream.linear.gather [hbm4b:s20+s5], $0x1F40, $0x38;
	[tilespmem:$0x1BA80] =	vst v63  }
0x18c: {  	s29 =	sadd.s32 s2, s19  }
0x18d: {  	[tilespmem:s13], [sflag:$0x1] =	stream.linear.gather [hbm4b:s29+s5], $0x1F40, $0x38;
	[tilespmem:$0x1BA80] =	vst v63  }
0x18e: {  	s19 =	sadd.s32 s3, s19  }
0x18f: {  	[tilespmem:s14], [sflag:$0x1] =	stream.linear.gather [hbm4b:s19+s5], $0x1F40, $0x38;
	[tilespmem:$0x1BA80] =	vst v63  }
0x190: {  	_ =	swait.ge [sflag:s15], $0x1F40  }
0x191: {  	[sflag:s15] =	ssyncset.done $0x0  }
0x192: {  	[sflag:s15] =	ssyncadd.s32 $0xFFFFE0C0  }
0x193: {  	_ =	swait.ge [sflag:s15], $0x1F40  }
0x194: {  	[sflag:s15] =	ssyncset.done $0x0  }
0x195: {  	[sflag:s15] =	ssyncadd.s32 $0xFFFFE0C0  }
0x196: {  	_ =	swait.ge [sflag:s15], $0x1F40  }
0x197: {  	[sflag:s15] =	ssyncset.done $0x0  }
0x198: {  	s30 =	simm.s32 $0x1FA0;
	[sflag:s15] =	ssyncadd.s32 $0xFFFFE0C0  }
0x199: {  	s31 =	simm.s32 $0x3F20;
	v0 =	vld [tilespmem:s30+$0x10]  }
0x19a: {  	v1 =	vld [tilespmem:s31+$0x10]  }
0x19b: {  	v2 =	vld [tilespmem:s31+$0xFFFFFFE0]  }
0x19c: {  	v3 =	vld [tilespmem:s30+$0xFFFFFFF0]  }
0x19d: {  	v4 =	vld [tilespmem:s31+$0xFFFFFFF0]  }
0x19e: {  	v5 =	vld [tilespmem:s30+$0x0]  }
0x19f: {  	v6 =	vld [tilespmem:s31+$0x0]  }
0x1a0: {  	s22 =	simm.s32 $0x1FE0;
	v7 =	vld [tilespmem:s30+$0xFFFFFFE0]  }
0x1a1: {  	s19 =	simm.s32 $0x3F60;
	v8 =	vld [tilespmem:s22+$0x10]  }
0x1a2: {  	v9 =	vld [tilespmem:s19+$0x10];
	v1 =	vmul.f32 v1, v0  }
0x1a3: {  	v3 =	vmul.f32 v4, v3;
	v0 =	vld [tilespmem:s19+$0xFFFFFFE0]  }
0x1a4: {  	v5 =	vmul.f32 v6, v5;
	v4 =	vmul.f32 $1.111111160e+00, v1;
	v1 =	vld [tilespmem:s22+$0xFFFFFFF0]  }
0x1a5: {  	s20 =	simm.s32 $0x5EA0;
	v10 =	vmul.f32 v2, v7;
	v6 =	vmul.f32 $1.111111160e+00, v3;
	v3 =	vld [tilespmem:s19+$0xFFFFFFF0]  }
0x1a6: {  	v2 =	vld [tilespmem:s22+$0x0];
	v11 =	vmul.f32 $1.111111160e+00, v5;
	[tilespmem:s20+$0x10] =	vst v4  }
0x1a7: {  	v7 =	vmul.f32 v9, v8;
	[tilespmem:s20+$0xFFFFFFF0] =	vst v6;
	v4 =	vld [tilespmem:s19+$0x0];
	v6 =	vmul.f32 $1.111111160e+00, v10  }
0x1a8: {  	s21 =	simm.s32 $0x4;
	v5 =	vld [tilespmem:s22+$0xFFFFFFE0];
	s22 =	simm.s32 $0x2020;
	[tilespmem:s20+$0x0] =	vst v11  }
.LBB2_15:
0x1a9: {  	v8 =	vld [tilespmem:s22+$0x10];
	v7 =	vmul.f32 $1.111111160e+00, v7;
	s19 =	sadd.s32 $0x40, s19;
	[tilespmem:s20+$0xFFFFFFE0] =	vst v6  }
0x1aa: {  	s21 =	sadd.s32 $0x4, s21;
	s20 =	sadd.s32 $0x40, s20;
	v6 =	vld [tilespmem:s19+$0x10];
	v3 =	vmul.f32 v3, v1  }
0x1ab: {  	p0 =	slt.u32 s21, $0x1F0;
	v9 =	vld [tilespmem:s19+$0xFFFFFFE0];
	[tilespmem:s20+$0x10] =	vst v7  }
.Ltmp7:
0x1ac: {  	v1 =	vld [tilespmem:s22+$0xFFFFFFF0];
	v7 =	vmul.f32 $1.111111160e+00, v3;
	v4 =	vmul.f32 v4, v2;
	(pc) =	sbr.rel @p0 .LBB2_15-.Ltmp7, $4  }
0x1ad: {  	v3 =	vld [tilespmem:s19+$0xFFFFFFF0];
	v11 =	vmul.f32 v0, v5  }
0x1ae: {  	v2 =	vld [tilespmem:s22+$0x0];
	[tilespmem:s20+$0xFFFFFFF0] =	vst v7;
	v10 =	vmul.f32 $1.111111160e+00, v4  }
0x1af: {  	v4 =	vld [tilespmem:s19+$0x0];
	v7 =	vmul.f32 v6, v8;
	v6 =	vmul.f32 $1.111111160e+00, v11  }
0x1b0: {  	v5 =	vld [tilespmem:s22+$0xFFFFFFE0];
	s22 =	sadd.s32 $0x40, s22;
	[tilespmem:s20+$0x0] =	vst v10;
	v0 =	vmov v9  }
0x1b1: {  	_ =	sdelay $0x1  }
0x1b2: {  	v1 =	vmul.f32 v3, v1  }
0x1b3: {  	v3 =	vmul.f32 $1.111111160e+00, v7;
	v2 =	vmul.f32 v4, v2  }
0x1b4: {  	[tilespmem:s20+$0xFFFFFFE0] =	vst v6;
	s19 =	sadd.s32 $0x40, s20;
	v1 =	vmul.f32 $1.111111160e+00, v1;
	v0 =	vmul.f32 v0, v5  }
0x1b5: {  	[tilespmem:s19+$0x10] =	vst v3;
	v2 =	vmul.f32 $1.111111160e+00, v2  }
0x1b6: {  	[tilespmem:s19+$0xFFFFFFF0] =	vst v1;
	v0 =	vmul.f32 $1.111111160e+00, v0  }
0x1b7: {  	[tilespmem:s19+$0x0] =	vst v2  }
0x1b8: {  	s31 =	simm.s32 $0x30;
	[tilespmem:s19+$0xFFFFFFE0] =	vst v0  }
0x1b9: {  	v0 =	vld [tilespmem:s31+$0x20]  }
0x1ba: {  	v1 =	vld [tilespmem:s31+$0xFFFFFFD0]  }
0x1bb: {  	v2 =	vld [tilespmem:s31+$0xFFFFFFE0]  }
0x1bc: {  	v11 =	vld [tilespmem:s31+$0xFFFFFFF0]  }
0x1bd: {  	v16 =	vld [tilespmem:s31+$0x0]  }
0x1be: {  	v17 =	vld [tilespmem:s31+$0x10];
	v18 =	vand.u32 $0xFFFF, v0  }
0x1bf: {  	s19 =	simm.s32 $0x5EB0;
	v13 =	vand.u32 $0xFFFF, v1  }
0x1c0: {  	v12 =	vld [tilespmem:s19+$0x20];
	v8 =	vand.u32 $0xFFFF, v2  }
0x1c1: {  	v10 =	vld [tilespmem:s19+$0xFFFFFFD0];
	v7 =	vand.u32 $0xFFFF, v11  }
0x1c2: {  	v5 =	vand.u32 $0xFFFF, v16;
	v9 =	vshrl.u32 v1, $0x10;
	v1 =	vld [tilespmem:s19+$0x0]  }
0x1c3: {  	v6 =	vand.u32 $0xFFFF, v17;
	v3 =	vld.idx.msk [tilespmem:v18+s11+$0x0], $0xffff  }
0x1c4: {  	v15 =	vld.idx.msk [tilespmem:v13+s11+$0x0], $0xffff  }
0x1c5: {  	v14 =	vshrl.u32 v0, $0x10;
	v19 =	vld.idx.msk [tilespmem:v8+s11+$0x0], $0xffff  }
0x1c6: {  	v20 =	vld.idx.msk [tilespmem:v7+s11+$0x0], $0xffff  }
0x1c7: {  	v4 =	vadd.s32 $0x1, v18;
	v0 =	vld.idx.msk [tilespmem:v5+s11+$0x0], $0xffff  }
0x1c8: {  	v21 =	vld.idx.msk [tilespmem:v6+s11+$0x0], $0xffff;
	v3 =	vmul.f32 v3, v12  }
0x1c9: {  	v25 =	vmul.f32 v15, v10;
	v15 =	vshrl.u32 v2, $0x10;
	v2 =	vld [tilespmem:s19+$0x10]  }
0x1ca: {  	v23 =	vadd.s32 $0x1, v13;
	[tilespmem:v14+s16+$0x0] =	vst.idx.add.f32.msk $0xffff, v3  }
0x1cb: {  	v16 =	vshrl.u32 v16, $0x10;
	v3 =	vld [tilespmem:s19+$0xFFFFFFF0]  }
0x1cc: {  	v55 =	vadd.s32 $0x1, v5;
	v22 =	vld.idx.msk [tilespmem:v4+s11+$0x0], $0xffff  }
0x1cd: {  	v11 =	vshrl.u32 v11, $0x10;
	v4 =	vld [tilespmem:s19+$0xFFFFFFE0]  }
0x1ce: {  	v24 =	vadd.s32 $0x1, v14;
	v0 =	vmul.f32 v0, v1;
	[tilespmem:v9+s16+$0x0] =	vst.idx.add.f32.msk $0xffff, v25  }
0x1cf: {  	v23 =	vld.idx.msk [tilespmem:v23+s11+$0x0], $0xffff  }
0x1d0: {  	v52 =	vadd.s32 $0x1, v7;
	[tilespmem:v16+s16+$0x0] =	vst.idx.add.f32.msk $0xffff, v0;
	v20 =	vmul.f32 v20, v3  }
0x1d1: {  	v0 =	vadd.s32 $0x1, v9;
	v53 =	vmul.f32 v21, v2;
	v21 =	vld.idx.msk [tilespmem:v55+s11+$0x0], $0xffff;
	v22 =	vmul.f32 v22, v12  }
0x1d2: {  	v26 =	vadd.s32 $0x2, v18;
	v19 =	vmul.f32 v19, v4;
	[tilespmem:v11+s16+$0x0] =	vst.idx.add.f32.msk $0xffff, v20  }
0x1d3: {  	v51 =	vadd.s32 $0x1, v8;
	[tilespmem:v24+s16+$0x0] =	vst.idx.add.f32.msk $0xffff, v22  }
0x1d4: {  	v17 =	vshrl.u32 v17, $0x10;
	v23 =	vmul.f32 v23, v10;
	[tilespmem:v15+s16+$0x0] =	vst.idx.add.f32.msk $0xffff, v19  }
0x1d5: {  	v57 =	vadd.s32 $0x1, v6;
	v25 =	vld.idx.msk [tilespmem:v52+s11+$0x0], $0xffff  }
0x1d6: {  	[tilespmem:v0+s16+$0x0] =	vst.idx.add.f32.msk $0xffff, v23;
	v0 =	vadd.s32 $0x1, v16  }
0x1d7: {  	v33 =	vadd.s32 $0x2, v5;
	v24 =	vld.idx.msk [tilespmem:v26+s11+$0x0], $0xffff  }
0x1d8: {  	v58 =	vadd.s32 $0x1, v11;
	v22 =	vld.idx.msk [tilespmem:v51+s11+$0x0], $0xffff  }
0x1d9: {  	v54 =	vadd.s32 $0x2, v14;
	[tilespmem:v17+s16+$0x0] =	vst.idx.add.f32.msk $0xffff, v53;
	v21 =	vmul.f32 v21, v1  }
0x1da: {  	v27 =	vadd.s32 $0x1, v15;
	v26 =	vld.idx.msk [tilespmem:v57+s11+$0x0], $0xffff  }
0x1db: {  	v56 =	vadd.s32 $0x3, v18;
	v25 =	vmul.f32 v25, v3;
	[tilespmem:v0+s16+$0x0] =	vst.idx.add.f32.msk $0xffff, v21  }
0x1dc: {  	v59 =	vadd.s32 $0x2, v13;
	v24 =	vmul.f32 v24, v12;
	v23 =	vld.idx.msk [tilespmem:v33+s11+$0x0], $0xffff  }
0x1dd: {  	v63 =	vadd.s32 $0x1, v17;
	v22 =	vmul.f32 v22, v4;
	[tilespmem:v58+s16+$0x0] =	vst.idx.add.f32.msk $0xffff, v25  }
0x1de: {  	v30 =	vadd.s32 $0x2, v7;
	[tilespmem:v54+s16+$0x0] =	vst.idx.add.f32.msk $0xffff, v24  }
0x1df: {  	v60 =	vadd.s32 $0x2, v8;
	[tilespmem:v27+s16+$0x0] =	vst.idx.add.f32.msk $0xffff, v22  }
0x1e0: {  	v34 =	vadd.s32 $0x2, v6;
	v26 =	vmul.f32 v26, v2;
	v19 =	vld.idx.msk [tilespmem:v56+s11+$0x0], $0xffff  }
0x1e1: {  	v40 =	vadd.s32 $0x2, v16;
	v24 =	vld.idx.msk [tilespmem:v59+s11+$0x0], $0xffff  }
0x1e2: {  	v61 =	vadd.s32 $0x3, v14;
	[tilespmem:v63+s16+$0x0] =	vst.idx.add.f32.msk $0xffff, v26  }
0x1e3: {  	v62 =	vadd.s32 $0x4, v18;
	v35 =	vld.idx.msk [tilespmem:v30+s11+$0x0], $0xffff  }
0x1e4: {  	v45 =	vadd.s32 $0x3, v5;
	v32 =	vld.idx.msk [tilespmem:v60+s11+$0x0], $0xffff;
	v23 =	vmul.f32 v23, v1  }
0x1e5: {  	v31 =	vadd.s32 $0x2, v9;
	v41 =	vld.idx.msk [tilespmem:v34+s11+$0x0], $0xffff;
	v0 =	vmul.f32 v19, v12  }
0x1e6: {  	v39 =	vadd.s32 $0x2, v11;
	[tilespmem:v40+s16+$0x0] =	vst.idx.add.f32.msk $0xffff, v23  }
0x1e7: {  	v38 =	vadd.s32 $0x3, v13;
	[tilespmem:v61+s16+$0x0] =	vst.idx.add.f32.msk $0xffff, v0  }
0x1e8: {  	v24 =	vmul.f32 v24, v10;
	v0 =	vadd.s32 $0x2, v15;
	v22 =	vld.idx.msk [tilespmem:v62+s11+$0x0], $0xffff  }
0x1e9: {  	v42 =	vadd.s32 $0x3, v8;
	v20 =	vmul.f32 v35, v3;
	v52 =	vld.idx.msk [tilespmem:v45+s11+$0x0], $0xffff  }
0x1ea: {  	v36 =	vadd.s32 $0x4, v14;
	[tilespmem:v31+s16+$0x0] =	vst.idx.add.f32.msk $0xffff, v24  }
0x1eb: {  	v37 =	vadd.s32 $0x5, v18;
	v21 =	vmul.f32 v32, v4;
	[tilespmem:v39+s16+$0x0] =	vst.idx.add.f32.msk $0xffff, v20  }
0x1ec: {  	v43 =	vadd.s32 $0x3, v7;
	v19 =	vld.idx.msk [tilespmem:v38+s11+$0x0], $0xffff  }
0x1ed: {  	v55 =	vadd.s32 $0x3, v16;
	[tilespmem:v0+s16+$0x0] =	vst.idx.add.f32.msk $0xffff, v21;
	v0 =	vmul.f32 v22, v12  }
0x1ee: {  	v46 =	vadd.s32 $0x3, v9;
	v47 =	vld.idx.msk [tilespmem:v42+s11+$0x0], $0xffff  }
0x1ef: {  	v62 =	vadd.s32 $0x4, v5;
	[tilespmem:v36+s16+$0x0] =	vst.idx.add.f32.msk $0xffff, v0  }
0x1f0: {  	v20 =	vmul.f32 v52, v1;
	v0 =	vadd.s32 $0x2, v17;
	v25 =	vld.idx.msk [tilespmem:v37+s11+$0x0], $0xffff  }
0x1f1: {  	v49 =	vadd.s32 $0x3, v15;
	v50 =	vld.idx.msk [tilespmem:v43+s11+$0x0], $0xffff;
	v19 =	vmul.f32 v19, v10  }
0x1f2: {  	v44 =	vadd.s32 $0x5, v14;
	[tilespmem:v55+s16+$0x0] =	vst.idx.add.f32.msk $0xffff, v20  }
0x1f3: {  	v48 =	vadd.s32 $0x3, v6;
	v22 =	vmul.f32 v41, v2;
	[tilespmem:v46+s16+$0x0] =	vst.idx.add.f32.msk $0xffff, v19  }
0x1f4: {  	v57 =	vadd.s32 $0x4, v8;
	v37 =	vld.idx.msk [tilespmem:v62+s11+$0x0], $0xffff;
	v54 =	vmul.f32 v47, v4  }
0x1f5: {  	v51 =	vadd.s32 $0x6, v18;
	[tilespmem:v0+s16+$0x0] =	vst.idx.add.f32.msk $0xffff, v22;
	v0 =	vmul.f32 v25, v12  }
0x1f6: {  	v53 =	vadd.s32 $0x3, v11;
	[tilespmem:v49+s16+$0x0] =	vst.idx.add.f32.msk $0xffff, v54  }
0x1f7: {  	[tilespmem:v44+s16+$0x0] =	vst.idx.add.f32.msk $0xffff, v0;
	v0 =	vadd.s32 $0x4, v13  }
0x1f8: {  	v41 =	vadd.s32 $0x4, v16;
	v56 =	vld.idx.msk [tilespmem:v48+s11+$0x0], $0xffff  }
0x1f9: {  	v60 =	vadd.s32 $0x4, v7;
	v25 =	vmul.f32 v50, v3;
	v30 =	vld.idx.msk [tilespmem:v57+s11+$0x0], $0xffff  }
0x1fa: {  	v58 =	vadd.s32 $0x3, v17;
	v59 =	vld.idx.msk [tilespmem:v51+s11+$0x0], $0xffff  }
0x1fb: {  	v31 =	vadd.s32 $0x4, v6;
	v24 =	vmul.f32 v37, v1;
	[tilespmem:v53+s16+$0x0] =	vst.idx.add.f32.msk $0xffff, v25  }
0x1fc: {  	v61 =	vadd.s32 $0x6, v14;
	v0 =	vld.idx.msk [tilespmem:v0+s11+$0x0], $0xffff  }
0x1fd: {  	v18 =	vadd.s32 $0x7, v18;
	[tilespmem:v41+s16+$0x0] =	vst.idx.add.f32.msk $0xffff, v24;
	v23 =	vmul.f32 v56, v2  }
0x1fe: {  	v63 =	vadd.s32 $0x4, v9;
	v34 =	vld.idx.msk [tilespmem:v60+s11+$0x0], $0xffff  }
0x1ff: {  	v35 =	vadd.s32 $0x5, v13;
	[tilespmem:v58+s16+$0x0] =	vst.idx.add.f32.msk $0xffff, v23;
	v32 =	vmul.f32 v59, v12  }
0x200: {  	v33 =	vadd.s32 $0x4, v15;
	v40 =	vld.idx.msk [tilespmem:v31+s11+$0x0], $0xffff  }
0x201: {  	v38 =	vadd.s32 $0x5, v8;
	[tilespmem:v61+s16+$0x0] =	vst.idx.add.f32.msk $0xffff, v32;
	v0 =	vmul.f32 v0, v10  }
0x202: {  	v36 =	vadd.s32 $0x4, v11;
	v18 =	vld.idx.msk [tilespmem:v18+s11+$0x0], $0xffff  }
0x203: {  	v42 =	vadd.s32 $0x5, v5;
	[tilespmem:v63+s16+$0x0] =	vst.idx.add.f32.msk $0xffff, v0;
	v0 =	vmul.f32 v30, v4  }
0x204: {  	v44 =	vadd.s32 $0x4, v17;
	v43 =	vld.idx.msk [tilespmem:v35+s11+$0x0], $0xffff  }
0x205: {  	v46 =	vadd.s32 $0x5, v6;
	[tilespmem:v33+s16+$0x0] =	vst.idx.add.f32.msk $0xffff, v0;
	v0 =	vmul.f32 v34, v3  }
0x206: {  	v39 =	vadd.s32 $0x5, v7;
	v45 =	vld.idx.msk [tilespmem:v38+s11+$0x0], $0xffff  }
0x207: {  	v21 =	vmul.f32 v40, v2;
	[tilespmem:v36+s16+$0x0] =	vst.idx.add.f32.msk $0xffff, v0;
	v0 =	vadd.s32 $0x5, v9  }
0x208: {  	v14 =	vadd.s32 $0x7, v14;
	v22 =	vld.idx.msk [tilespmem:v42+s11+$0x0], $0xffff  }
0x209: {  	v47 =	vadd.s32 $0x5, v15;
	[tilespmem:v44+s16+$0x0] =	vst.idx.add.f32.msk $0xffff, v21  }
0x20a: {  	v49 =	vadd.s32 $0x6, v13;
	v50 =	vld.idx.msk [tilespmem:v46+s11+$0x0], $0xffff;
	v23 =	vmul.f32 v43, v10  }
0x20b: {  	v51 =	vadd.s32 $0x6, v8;
	v12 =	vmul.f32 v18, v12;
	v20 =	vld.idx.msk [tilespmem:v39+s11+$0x0], $0xffff  }
0x20c: {  	v19 =	vmul.f32 v45, v4;
	[tilespmem:v0+s16+$0x0] =	vst.idx.add.f32.msk $0xffff, v23;
	v0 =	vadd.s32 $0x5, v16  }
0x20d: {  	v48 =	vadd.s32 $0x5, v11;
	[tilespmem:v14+s16+$0x0] =	vst.idx.add.f32.msk $0xffff, v12  }
0x20e: {  	v53 =	vadd.s32 $0x6, v7;
	[tilespmem:v47+s16+$0x0] =	vst.idx.add.f32.msk $0xffff, v19  }
0x20f: {  	v52 =	vadd.s32 $0x5, v17;
	v22 =	vmul.f32 v22, v1;
	v21 =	vld.idx.msk [tilespmem:v49+s11+$0x0], $0xffff  }
0x210: {  	v54 =	vadd.s32 $0x6, v5;
	v20 =	vmul.f32 v20, v3;
	v19 =	vld.idx.msk [tilespmem:v51+s11+$0x0], $0xffff  }
0x211: {  	[tilespmem:v0+s16+$0x0] =	vst.idx.add.f32.msk $0xffff, v22;
	v0 =	vadd.s32 $0x6, v6  }
0x212: {  	v56 =	vadd.s32 $0x6, v9;
	v55 =	vmul.f32 v50, v2;
	[tilespmem:v48+s16+$0x0] =	vst.idx.add.f32.msk $0xffff, v20  }
0x213: {  	v13 =	vadd.s32 $0x7, v13;
	v20 =	vld.idx.msk [tilespmem:v53+s11+$0x0], $0xffff  }
0x214: {  	v57 =	vadd.s32 $0x6, v15;
	[tilespmem:v52+s16+$0x0] =	vst.idx.add.f32.msk $0xffff, v55  }
0x215: {  	v59 =	vadd.s32 $0x6, v11;
	v21 =	vmul.f32 v21, v10;
	v58 =	vld.idx.msk [tilespmem:v54+s11+$0x0], $0xffff  }
0x216: {  	v63 =	vadd.s32 $0x7, v7;
	v0 =	vld.idx.msk [tilespmem:v0+s11+$0x0], $0xffff  }
0x217: {  	v60 =	vadd.s32 $0x6, v16;
	v19 =	vmul.f32 v19, v4;
	[tilespmem:v56+s16+$0x0] =	vst.idx.add.f32.msk $0xffff, v21  }
0x218: {  	v62 =	vadd.s32 $0x7, v8;
	v61 =	vadd.s32 $0x6, v17;
	v13 =	vld.idx.msk [tilespmem:v13+s11+$0x0], $0xffff;
	v8 =	vmul.f32 v20, v3  }
0x219: {  	p0 =	por $0x1, $0x1;
	[tilespmem:v57+s16+$0x0] =	vst.idx.add.f32.msk $0xffff, v19  }
.Ltmp8:
0x21a: {  	v7 =	vmul.f32 v58, v1;
	[tilespmem:v59+s16+$0x0] =	vst.idx.add.f32.msk $0xffff, v8;
	(pc) =	sbr.rel @!p0 .LBB2_18-.Ltmp8, $4  }
0x21b: {  	v14 =	vadd.s32 $0x7, v5;
	v5 =	vld.idx.msk [tilespmem:v63+s11+$0x0], $0xffff;
	v0 =	vmul.f32 v0, v2  }
0x21c: {  	v12 =	vadd.s32 $0x7, v9;
	[tilespmem:v60+s16+$0x0] =	vst.idx.add.f32.msk $0xffff, v7  }
0x21d: {  	v47 =	vadd.s32 $0x7, v11;
	v11 =	vadd.s32 $0x7, v16;
	v8 =	vmul.f32 v13, v10;
	[tilespmem:v61+s16+$0x0] =	vst.idx.add.f32.msk $0xffff, v0  }
0x21e: {  	s21 =	simm.s32 $0x0;
	s20 =	simm.s32 $0x0;
	s22 =	simm.s32 $0x90;
	v13 =	vadd.s32 $0x7, v6;
	v10 =	vadd.s32 $0x7, v15;
	v15 =	vadd.s32 $0x7, v17;
	v0 =	vld.idx.msk [tilespmem:v62+s11+$0x0], $0xffff  }
.LBB2_17:
0x21f: {  	v6 =	vld [tilespmem:s22+$0x20]  }
0x220: {  	[tilespmem:$0x1FD90] =	vst v11;
	v11 =	vld [tilespmem:s22+$0xFFFFFFF0]  }
0x221: {  	[tilespmem:$0x1FE30] =	vst v15;
	v15 =	vld [tilespmem:s22+$0x0]  }
0x222: {  	v17 =	vld [tilespmem:s22+$0xFFFFFFD0]  }
0x223: {  	v16 =	vld [tilespmem:s22+$0x10]  }
0x224: {  	v4 =	vmul.f32 v0, v4;
	v0 =	vld [tilespmem:s22+$0xFFFFFFE0]  }
0x225: {  	v44 =	vld.idx.msk [tilespmem:v13+s11+$0x0], $0xffff  }
0x226: {  	s19 =	sadd.s32 $0x60, s19;
	[tilespmem:v12+s16+$0x0] =	vst.idx.add.f32.msk $0xffff, v8;
	v9 =	vand.u32 $0xFFFF, v6  }
0x227: {  	v8 =	vld [tilespmem:s19+$0xFFFFFFD0];
	v33 =	vand.u32 $0xFFFF, v17  }
0x228: {  	[tilespmem:v10+s16+$0x0] =	vst.idx.add.f32.msk $0xffff, v4  }
0x229: {  	v38 =	vand.u32 $0xFFFF, v0;
	v53 =	vshrl.u32 v0, $0x10;
	v0 =	vld.idx.msk [tilespmem:v14+s11+$0x0], $0xffff  }
0x22a: {  	v18 =	vshrl.u32 v11, $0x10;
	v13 =	vand.u32 $0xFFFF, v15;
	v14 =	vand.u32 $0xFFFF, v11;
	v11 =	vld [tilespmem:s19+$0x20]  }
0x22b: {  	v35 =	vmul.f32 v5, v3;
	v12 =	vand.u32 $0xFFFF, v16;
	v3 =	vld.idx.msk [tilespmem:v9+s11+$0x0], $0xffff  }
0x22c: {  	v46 =	vadd.s32 $0x4, v18;
	v41 =	vld.idx.msk [tilespmem:v33+s11+$0x0], $0xffff  }
0x22d: {  	v39 =	vld [tilespmem:s19+$0x0];
	v19 =	vshrl.u32 v15, $0x10;
	v15 =	vshrl.u32 v6, $0x10;
	[tilespmem:$0x1FD40] =	vst v46;
	v7 =	vadd.s32 $0x4, v14  }
0x22e: {  	v42 =	vld [tilespmem:s19+$0x10];
	v10 =	vshrl.u32 v17, $0x10;
	[tilespmem:$0x1FCF0] =	vst v7;
	v7 =	vadd.s32 $0x4, v13  }
0x22f: {  	v4 =	vadd.s32 $0x1, v9;
	v34 =	vld.idx.msk [tilespmem:v13+s11+$0x0], $0xffff;
	[tilespmem:$0x1FD00] =	vst v7;
	v7 =	vadd.s32 $0x4, v12  }
0x230: {  	v36 =	vld.idx.msk [tilespmem:v12+s11+$0x0], $0xffff;
	[tilespmem:$0x1FD10] =	vst v7;
	v7 =	vadd.s32 $0x4, v10;
	v3 =	vmul.f32 v3, v11  }
0x231: {  	v43 =	vld.idx.msk [tilespmem:v38+s11+$0x0], $0xffff;
	[tilespmem:$0x1FD20] =	vst v7;
	v51 =	vmul.f32 v41, v8  }
0x232: {  	v22 =	vshrl.u32 v16, $0x10;
	[tilespmem:v15+s16+$0x0] =	vst.idx.add.f32.msk $0xffff, v3  }
0x233: {  	v7 =	vadd.s32 $0x4, v53;
	[tilespmem:v10+s16+$0x0] =	vst.idx.add.f32.msk $0xffff, v51  }
0x234: {  	[tilespmem:$0x1FD30] =	vst v7;
	v3 =	vadd.s32 $0x3, v18;
	v50 =	vld.idx.msk [tilespmem:v4+s11+$0x0], $0xffff  }
0x235: {  	v45 =	vld.idx.msk [tilespmem:v14+s11+$0x0], $0xffff;
	v36 =	vmul.f32 v36, v42;
	[tilespmem:$0x1FCD0] =	vst v3;
	v3 =	vadd.s32 $0x4, v38  }
0x236: {  	v40 =	vadd.s32 $0x1, v15;
	[tilespmem:$0x1FCE0] =	vst v3;
	v3 =	vld [tilespmem:s19+$0xFFFFFFF0]  }
0x237: {  	v7 =	vadd.s32 $0x2, v9;
	[tilespmem:v22+s16+$0x0] =	vst.idx.add.f32.msk $0xffff, v36  }
0x238: {  	v51 =	vadd.s32 $0x4, v19;
	[tilespmem:v47+s16+$0x0] =	vst.idx.add.f32.msk $0xffff, v35;
	v47 =	vmul.f32 v34, v39  }
0x239: {  	v4 =	vld [tilespmem:s19+$0xFFFFFFE0];
	[tilespmem:$0x1FD50] =	vst v51;
	v46 =	vmul.f32 v50, v11  }
0x23a: {  	v37 =	vadd.s32 $0x1, v33;
	[tilespmem:v19+s16+$0x0] =	vst.idx.add.f32.msk $0xffff, v47  }
0x23b: {  	v47 =	vadd.s32 $0x6, v22;
	v45 =	vmul.f32 v45, v3;
	[tilespmem:v40+s16+$0x0] =	vst.idx.add.f32.msk $0xffff, v46  }
0x23c: {  	[tilespmem:$0x1FE50] =	vst v47;
	v40 =	vld.idx.msk [tilespmem:v7+s11+$0x0], $0xffff  }
0x23d: {  	v32 =	vadd.s32 $0x1, v38;
	[tilespmem:v18+s16+$0x0] =	vst.idx.add.f32.msk $0xffff, v45;
	v45 =	vadd.s32 $0x6, v14  }
0x23e: {  	v31 =	vadd.s32 $0x1, v14;
	v43 =	vmul.f32 v43, v4;
	[tilespmem:$0x1FDD0] =	vst v45;
	v45 =	vadd.s32 $0x6, v13  }
0x23f: {  	v37 =	vld.idx.msk [tilespmem:v37+s11+$0x0], $0xffff;
	[tilespmem:$0x1FDE0] =	vst v45;
	v45 =	vadd.s32 $0x2, v15  }
0x240: {  	v36 =	vadd.s32 $0x3, v9;
	[tilespmem:v53+s16+$0x0] =	vst.idx.add.f32.msk $0xffff, v43;
	v7 =	vadd.s32 $0x5, v18  }
0x241: {  	v30 =	vadd.s32 $0x1, v13;
	v29 =	vadd.s32 $0x2, v33;
	[tilespmem:$0x1FDA0] =	vst v7;
	v7 =	vadd.s32 $0x5, v19  }
0x242: {  	v28 =	vadd.s32 $0x1, v10;
	v32 =	vld.idx.msk [tilespmem:v32+s11+$0x0], $0xffff;
	[tilespmem:$0x1FDB0] =	vst v7;
	v7 =	vadd.s32 $0x5, v22;
	v47 =	vmul.f32 v40, v11  }
0x243: {  	v20 =	vadd.s32 $0x3, v33;
	v55 =	vadd.s32 $0x4, v33;
	v24 =	vadd.s32 $0x1, v53;
	v31 =	vld.idx.msk [tilespmem:v31+s11+$0x0], $0xffff;
	[tilespmem:$0x1FDC0] =	vst v7  }
0x244: {  	v51 =	vadd.s32 $0x5, v33;
	v7 =	vadd.s32 $0x6, v33;
	v33 =	vadd.s32 $0x7, v33;
	[tilespmem:v45+s16+$0x0] =	vst.idx.add.f32.msk $0xffff, v47  }
0x245: {  	v27 =	vadd.s32 $0x1, v12;
	v37 =	vmul.f32 v37, v8;
	[tilespmem:$0x1FE20] =	vst v33;
	v33 =	vld.idx.msk [tilespmem:v36+s11+$0x0], $0xffff  }
0x246: {  	v44 =	vmul.f32 v44, v2;
	v25 =	vadd.s32 $0x2, v38;
	v0 =	vmul.f32 v0, v1;
	v30 =	vld.idx.msk [tilespmem:v30+s11+$0x0], $0xffff  }
0x247: {  	v46 =	vadd.s32 $0x5, v53;
	[tilespmem:v28+s16+$0x0] =	vst.idx.add.f32.msk $0xffff, v37;
	v37 =	vmul.f32 v32, v4;
	v45 =	vadd.s32 $0x3, v15  }
0x248: {  	v2 =	vmovc v42;
	v1 =	vmov v39;
	[tilespmem:$0x1FD80] =	vst v46;
	v39 =	vld.idx.msk [tilespmem:v29+s11+$0x0], $0xffff;
	v42 =	vmul.f32 v31, v3;
	v31 =	vadd.s32 $0x4, v9  }
0x249: {  	v46 =	vadd.s32 $0x6, v10;
	[tilespmem:v24+s16+$0x0] =	vst.idx.add.f32.msk $0xffff, v37  }
0x24a: {  	v23 =	vadd.s32 $0x1, v19;
	[tilespmem:$0x1FE00] =	vst v46;
	v46 =	vadd.s32 $0x6, v12;
	v36 =	vld.idx.msk [tilespmem:v27+s11+$0x0], $0xffff;
	v32 =	vmul.f32 v33, v11  }
0x24b: {  	v26 =	vadd.s32 $0x1, v18;
	v17 =	vadd.s32 $0x2, v13;
	[tilespmem:$0x1FDF0] =	vst v46;
	v33 =	vld.idx.msk [tilespmem:v25+s11+$0x0], $0xffff  }
0x24c: {  	v61 =	vadd.s32 $0x2, v18;
	v60 =	vadd.s32 $0x2, v19;
	v46 =	vadd.s32 $0x6, v53;
	[tilespmem:v45+s16+$0x0] =	vst.idx.add.f32.msk $0xffff, v32  }
0x24d: {  	v5 =	vadd.s32 $0x2, v53;
	v30 =	vmul.f32 v30, v1;
	[tilespmem:$0x1FE10] =	vst v46;
	v46 =	vadd.s32 $0x6, v18;
	v24 =	vld.idx.msk [tilespmem:v31+s11+$0x0], $0xffff  }
0x24e: {  	v49 =	vadd.s32 $0x3, v19;
	[tilespmem:$0x1FE40] =	vst v46;
	v46 =	vadd.s32 $0x6, v19;
	v47 =	vadd.s32 $0x7, v18  }
0x24f: {  	[tilespmem:v23+s16+$0x0] =	vst.idx.add.f32.msk $0xffff, v30;
	v18 =	vadd.s32 $0x7, v19;
	v37 =	vadd.s32 $0x4, v15;
	v19 =	vmul.f32 v36, v2  }
0x250: {  	v17 =	vld.idx.msk [tilespmem:v17+s11+$0x0], $0xffff;
	v36 =	vmul.f32 v39, v8;
	v39 =	vadd.s32 $0x5, v9;
	v23 =	vmul.f32 v33, v4  }
0x251: {  	v16 =	vadd.s32 $0x2, v14  }
0x252: {  	[tilespmem:v5+s16+$0x0] =	vst.idx.add.f32.msk $0xffff, v23;
	v5 =	vmul.f32 v24, v11  }
0x253: {  	v63 =	vadd.s32 $0x1, v22;
	[tilespmem:v26+s16+$0x0] =	vst.idx.add.f32.msk $0xffff, v42  }
0x254: {  	v21 =	vadd.s32 $0x2, v12;
	[tilespmem:v37+s16+$0x0] =	vst.idx.add.f32.msk $0xffff, v5  }
0x255: {  	v6 =	vadd.s32 $0x2, v10;
	v5 =	vmul.f32 v17, v1;
	v17 =	vld.idx.msk [tilespmem:v39+s11+$0x0], $0xffff  }
0x256: {  	v16 =	vld.idx.msk [tilespmem:v16+s11+$0x0], $0xffff  }
0x257: {  	[tilespmem:v60+s16+$0x0] =	vst.idx.add.f32.msk $0xffff, v5;
	v5 =	vadd.s32 $0x5, v15  }
0x258: {  	v42 =	vadd.s32 $0x6, v9;
	[tilespmem:v63+s16+$0x0] =	vst.idx.add.f32.msk $0xffff, v19  }
0x259: {  	v21 =	vld.idx.msk [tilespmem:v21+s11+$0x0], $0xffff  }
0x25a: {  	v59 =	vadd.s32 $0x3, v14;
	[tilespmem:v6+s16+$0x0] =	vst.idx.add.f32.msk $0xffff, v36;
	v17 =	vmul.f32 v17, v11  }
0x25b: {  	v62 =	vadd.s32 $0x2, v22;
	v6 =	vld.idx.msk [tilespmem:v20+s11+$0x0], $0xffff  }
0x25c: {  	v16 =	vmul.f32 v16, v3;
	[tilespmem:v5+s16+$0x0] =	vst.idx.add.f32.msk $0xffff, v17  }
0x25d: {  	v58 =	vadd.s32 $0x3, v38;
	v5 =	vld.idx.msk [tilespmem:v42+s11+$0x0], $0xffff  }
0x25e: {  	v56 =	vadd.s32 $0x3, v12;
	[tilespmem:v61+s16+$0x0] =	vst.idx.add.f32.msk $0xffff, v16;
	v16 =	vmul.f32 v21, v2  }
0x25f: {  	v45 =	vld.idx.msk [tilespmem:v59+s11+$0x0], $0xffff;
	v59 =	vadd.s32 $0x6, v15  }
0x260: {  	v9 =	vadd.s32 $0x7, v9;
	[tilespmem:v62+s16+$0x0] =	vst.idx.add.f32.msk $0xffff, v16  }
0x261: {  	v60 =	vld [tilespmem:$0x1FCD0]  }
0x262: {  	v54 =	vadd.s32 $0x3, v10;
	v16 =	vld.idx.msk [tilespmem:v58+s11+$0x0], $0xffff;
	v5 =	vmul.f32 v5, v11  }
0x263: {  	v58 =	vld.idx.msk [tilespmem:v56+s11+$0x0], $0xffff  }
0x264: {  	[tilespmem:v59+s16+$0x0] =	vst.idx.add.f32.msk $0xffff, v5  }
0x265: {  	v57 =	vadd.s32 $0x3, v13;
	v6 =	vmul.f32 v6, v8;
	v5 =	vld.idx.msk [tilespmem:v9+s11+$0x0], $0xffff  }
0x266: {  	v48 =	vadd.s32 $0x3, v22;
	v9 =	vld [tilespmem:$0x1FCF0]  }
0x267: {  	[tilespmem:v54+s16+$0x0] =	vst.idx.add.f32.msk $0xffff, v6;
	v15 =	vadd.s32 $0x7, v15;
	v17 =	vmul.f32 v45, v3  }
0x268: {  	v62 =	vld [tilespmem:$0x1FD20]  }
0x269: {  	[tilespmem:v60+s16+$0x0] =	vst.idx.add.f32.msk $0xffff, v17;
	v17 =	vmul.f32 v58, v2  }
0x26a: {  	v57 =	vld.idx.msk [tilespmem:v57+s11+$0x0], $0xffff;
	v5 =	vmul.f32 v5, v11  }
0x26b: {  	v52 =	vadd.s32 $0x3, v53;
	[tilespmem:v48+s16+$0x0] =	vst.idx.add.f32.msk $0xffff, v17  }
0x26c: {  	[tilespmem:v15+s16+$0x0] =	vst.idx.add.f32.msk $0xffff, v5  }
0x26d: {  	v5 =	vld [tilespmem:$0x1FD40]  }
0x26e: {  	v6 =	vmul.f32 v16, v4;
	v9 =	vld.idx.msk [tilespmem:v9+s11+$0x0], $0xffff  }
0x26f: {  	v17 =	vld [tilespmem:$0x1FD00]  }
0x270: {  	[tilespmem:v52+s16+$0x0] =	vst.idx.add.f32.msk $0xffff, v6;
	v6 =	vmul.f32 v57, v1  }
0x271: {  	v16 =	vld.idx.msk [tilespmem:v55+s11+$0x0], $0xffff  }
0x272: {  	[tilespmem:v49+s16+$0x0] =	vst.idx.add.f32.msk $0xffff, v6  }
0x273: {  	v6 =	vld [tilespmem:$0x1FCE0];
	v9 =	vmul.f32 v9, v3;
	_ =	sdelay $0x1  }
0x274: {  	[tilespmem:v5+s16+$0x0] =	vst.idx.add.f32.msk $0xffff, v9  }
0x275: {  	v9 =	vld [tilespmem:$0x1FD50]  }
0x276: {  	v17 =	vld.idx.msk [tilespmem:v17+s11+$0x0], $0xffff  }
0x277: {  	v61 =	vld [tilespmem:$0x1FD10];
	v16 =	vmul.f32 v16, v8  }
0x278: {  	v63 =	vld [tilespmem:$0x1FD30]  }
0x279: {  	[tilespmem:v62+s16+$0x0] =	vst.idx.add.f32.msk $0xffff, v16  }
0x27a: {  	v6 =	vld.idx.msk [tilespmem:v6+s11+$0x0], $0xffff  }
0x27b: {  	v41 =	vadd.s32 $0x4, v22;
	v16 =	vld.idx.msk [tilespmem:v51+s11+$0x0], $0xffff;
	v11 =	vmul.f32 v17, v1  }
0x27c: {  	[tilespmem:$0x1FD60] =	vst v41  }
0x27d: {  	v35 =	vadd.s32 $0x5, v10;
	[tilespmem:v9+s16+$0x0] =	vst.idx.add.f32.msk $0xffff, v11  }
0x27e: {  	v11 =	vld [tilespmem:$0x1FD60]  }
0x27f: {  	v50 =	vadd.s32 $0x5, v38;
	v19 =	vld.idx.msk [tilespmem:v61+s11+$0x0], $0xffff;
	v6 =	vmul.f32 v6, v4  }
0x280: {  	v9 =	vmul.f32 v16, v8  }
0x281: {  	[tilespmem:v63+s16+$0x0] =	vst.idx.add.f32.msk $0xffff, v6  }
0x282: {  	v34 =	vadd.s32 $0x5, v13;
	[tilespmem:v35+s16+$0x0] =	vst.idx.add.f32.msk $0xffff, v9  }
0x283: {  	v9 =	vld [tilespmem:$0x1FD80]  }
0x284: {  	v6 =	vld.idx.msk [tilespmem:v50+s11+$0x0], $0xffff;
	v5 =	vmul.f32 v19, v2;
	_ =	sdelay $0x1  }
0x285: {  	[tilespmem:v11+s16+$0x0] =	vst.idx.add.f32.msk $0xffff, v5  }
0x286: {  	v11 =	vld.idx.msk [tilespmem:v34+s11+$0x0], $0xffff;
	_ =	sdelay $0x1  }
0x287: {  	v6 =	vmul.f32 v6, v4;
	_ =	sdelay $0x1  }
0x288: {  	[tilespmem:v9+s16+$0x0] =	vst.idx.add.f32.msk $0xffff, v6  }
0x289: {  	v41 =	vadd.s32 $0x5, v14;
	v9 =	vmul.f32 v11, v1;
	v11 =	vld [tilespmem:$0x1FD90]  }
0x28a: {  	[tilespmem:$0x1FD70] =	vst v41  }
0x28b: {  	v5 =	vld [tilespmem:$0x1FD70];
	_ =	sdelay $0x5  }
0x28c: {  	[tilespmem:v11+s16+$0x0] =	vst.idx.add.f32.msk $0xffff, v0  }
0x28d: {  	v0 =	vld [tilespmem:$0x1FDA0]  }
0x28e: {  	v5 =	vld.idx.msk [tilespmem:v5+s11+$0x0], $0xffff;
	_ =	sdelay $0x4  }
0x28f: {  	v5 =	vmul.f32 v5, v3;
	_ =	sdelay $0x1  }
0x290: {  	[tilespmem:v0+s16+$0x0] =	vst.idx.add.f32.msk $0xffff, v5  }
0x291: {  	v5 =	vld [tilespmem:$0x1FDB0];
	_ =	sdelay $0x1  }
0x292: {  	v41 =	vadd.s32 $0x5, v12;
	_ =	sdelay $0x4  }
0x293: {  	v15 =	vld.idx.msk [tilespmem:v41+s11+$0x0], $0xffff  }
0x294: {  	v43 =	vadd.s32 $0x6, v38;
	[tilespmem:v5+s16+$0x0] =	vst.idx.add.f32.msk $0xffff, v9  }
0x295: {  	v5 =	vld [tilespmem:$0x1FDC0];
	_ =	sdelay $0x1  }
0x296: {  	v6 =	vld.idx.msk [tilespmem:v7+s11+$0x0], $0xffff  }
0x297: {  	v0 =	vmul.f32 v15, v2;
	v15 =	vld [tilespmem:$0x1FE00]  }
0x298: {  	v7 =	vld.idx.msk [tilespmem:v43+s11+$0x0], $0xffff;
	_ =	sdelay $0x3  }
0x299: {  	[tilespmem:v5+s16+$0x0] =	vst.idx.add.f32.msk $0xffff, v0  }
0x29a: {  	v0 =	vmul.f32 v6, v8;
	v6 =	vmul.f32 v7, v4;
	v7 =	vld [tilespmem:$0x1FDE0];
	_ =	sdelay $0x1  }
0x29b: {  	[tilespmem:v15+s16+$0x0] =	vst.idx.add.f32.msk $0xffff, v0  }
0x29c: {  	v0 =	vld [tilespmem:$0x1FE10];
	_ =	sdelay $0x2  }
0x29d: {  	v5 =	vld [tilespmem:$0x1FDD0];
	_ =	sdelay $0x1  }
0x29e: {  	v7 =	vld.idx.msk [tilespmem:v7+s11+$0x0], $0xffff  }
0x29f: {  	v9 =	vld [tilespmem:$0x1FDF0]  }
0x2a0: {  	v16 =	vld [tilespmem:$0x1FE40]  }
0x2a1: {  	[tilespmem:v0+s16+$0x0] =	vst.idx.add.f32.msk $0xffff, v6  }
0x2a2: {  	v0 =	vld [tilespmem:$0x1FE20]  }
0x2a3: {  	v15 =	vld [tilespmem:$0x1FE30];
	v7 =	vmul.f32 v7, v1  }
0x2a4: {  	v5 =	vld.idx.msk [tilespmem:v5+s11+$0x0], $0xffff  }
0x2a5: {  	[tilespmem:v46+s16+$0x0] =	vst.idx.add.f32.msk $0xffff, v7  }
0x2a6: {  	v7 =	vld [tilespmem:$0x1FE50]  }
0x2a7: {  	v9 =	vld.idx.msk [tilespmem:v9+s11+$0x0], $0xffff  }
0x2a8: {  	v38 =	vadd.s32 $0x7, v38  }
0x2a9: {  	s21 =	sadd.s32 $0x6, s21  }
0x2aa: {  	p0 =	slt.u32 s21, $0x1EC;
	v40 =	vadd.s32 $0x7, v14;
	v5 =	vmul.f32 v5, v3;
	v6 =	vld.idx.msk [tilespmem:v0+s11+$0x0], $0xffff  }
.Ltmp9:
0x2ab: {  	[tilespmem:v15+s16+$0x0] =	vst.idx.add.f32.msk $0xffff, v44;
	(pc) =	sbr.rel @p0 .LBB2_17-.Ltmp9, $4  }
0x2ac: {  	[tilespmem:v16+s16+$0x0] =	vst.idx.add.f32.msk $0xffff, v5;
	v5 =	vmul.f32 v9, v2  }
0x2ad: {  	v14 =	vadd.s32 $0x7, v13;
	v13 =	vadd.s32 $0x7, v12;
	v0 =	vld.idx.msk [tilespmem:v38+s11+$0x0], $0xffff  }
0x2ae: {  	v12 =	vadd.s32 $0x7, v10;
	v10 =	vadd.s32 $0x7, v53;
	v53 =	vadd.s32 $0x7, v22;
	[tilespmem:v7+s16+$0x0] =	vst.idx.add.f32.msk $0xffff, v5  }
0x2af: {  	s22 =	sadd.s32 $0x60, s22;
	v11 =	vmov v18;
	v15 =	vmov v53;
	v8 =	vmul.f32 v6, v8;
	v5 =	vld.idx.msk [tilespmem:v40+s11+$0x0], $0xffff  }
.LBB2_18:
0x2b0: {  	_ =	sdelay $0x3  }
0x2b1: {  	v6 =	vld.idx.msk [tilespmem:v14+s11+$0x0], $0xffff  }
0x2b2: {  	v7 =	vld.idx.msk [tilespmem:v13+s11+$0x0], $0xffff;
	_ =	sdelay $0x1  }
0x2b3: {  	v0 =	vmul.f32 v0, v4  }
0x2b4: {  	[tilespmem:v12+s16+$0x0] =	vst.idx.add.f32.msk $0xffff, v8;
	v3 =	vmul.f32 v5, v3  }
0x2b5: {  	v62 =	vmul.f32 v6, v1;
	[tilespmem:v10+s16+$0x0] =	vst.idx.add.f32.msk $0xffff, v0  }
0x2b6: {  	v63 =	vmul.f32 v7, v2;
	[tilespmem:v47+s16+$0x0] =	vst.idx.add.f32.msk $0xffff, v3  }
0x2b7: {  	[tilespmem:v11+s16+$0x0] =	vst.idx.add.f32.msk $0xffff, v62  }
0x2b8: {  	[tilespmem:v15+s16+$0x0] =	vst.idx.add.f32.msk $0xffff, v63  }
.LBB2_19:
0x2b9: {  	s19 =	sshra.s32 s20, $0x2  }
0x2ba: {  	v0 =	vld [tilespmem:s19+$0x1F20];
	_ =	sdelay $0x4  }
0x2bb: {  	v1 =	vand.u32 $0xFFFF, v0;
	_ =	sdelay $0x3  }
0x2bc: {  	v2 =	vld [tilespmem:s19+$0x7DA0]  }
0x2bd: {  	v3 =	vld.idx.msk [tilespmem:v1+s11+$0x0], $0xffff;
	_ =	sdelay $0x1  }
0x2be: {  	v0 =	vshrl.u32 v0, $0x10  }
0x2bf: {  	v4 =	vadd.s32 $0x1, v1;
	_ =	sdelay $0x1  }
0x2c0: {  	v3 =	vmul.f32 v3, v2;
	_ =	sdelay $0x1  }
0x2c1: {  	[tilespmem:v0+s16+$0x0] =	vst.idx.add.f32.msk $0xffff, v3  }
0x2c2: {  	v3 =	vld.idx.msk [tilespmem:v4+s11+$0x0], $0xffff;
	_ =	sdelay $0x1  }
0x2c3: {  	v54 =	vadd.s32 $0x1, v0  }
0x2c4: {  	v5 =	vadd.s32 $0x2, v1;
	_ =	sdelay $0x1  }
0x2c5: {  	v3 =	vmul.f32 v3, v2;
	_ =	sdelay $0x1  }
0x2c6: {  	[tilespmem:v54+s16+$0x0] =	vst.idx.add.f32.msk $0xffff, v3  }
0x2c7: {  	v3 =	vld.idx.msk [tilespmem:v5+s11+$0x0], $0xffff;
	_ =	sdelay $0x1  }
0x2c8: {  	v55 =	vadd.s32 $0x2, v0  }
0x2c9: {  	v56 =	vadd.s32 $0x3, v1;
	_ =	sdelay $0x1  }
0x2ca: {  	v3 =	vmul.f32 v3, v2;
	_ =	sdelay $0x1  }
0x2cb: {  	[tilespmem:v55+s16+$0x0] =	vst.idx.add.f32.msk $0xffff, v3  }
0x2cc: {  	v3 =	vld.idx.msk [tilespmem:v56+s11+$0x0], $0xffff;
	_ =	sdelay $0x1  }
0x2cd: {  	v57 =	vadd.s32 $0x3, v0  }
0x2ce: {  	v58 =	vadd.s32 $0x4, v1;
	_ =	sdelay $0x1  }
0x2cf: {  	v3 =	vmul.f32 v3, v2;
	_ =	sdelay $0x1  }
0x2d0: {  	[tilespmem:v57+s16+$0x0] =	vst.idx.add.f32.msk $0xffff, v3  }
0x2d1: {  	v3 =	vld.idx.msk [tilespmem:v58+s11+$0x0], $0xffff;
	_ =	sdelay $0x1  }
0x2d2: {  	v59 =	vadd.s32 $0x4, v0  }
0x2d3: {  	v60 =	vadd.s32 $0x5, v1;
	_ =	sdelay $0x1  }
0x2d4: {  	v3 =	vmul.f32 v3, v2;
	_ =	sdelay $0x1  }
0x2d5: {  	[tilespmem:v59+s16+$0x0] =	vst.idx.add.f32.msk $0xffff, v3  }
0x2d6: {  	v3 =	vld.idx.msk [tilespmem:v60+s11+$0x0], $0xffff;
	_ =	sdelay $0x1  }
0x2d7: {  	v61 =	vadd.s32 $0x5, v0  }
0x2d8: {  	v62 =	vadd.s32 $0x6, v1;
	_ =	sdelay $0x1  }
0x2d9: {  	v3 =	vmul.f32 v3, v2;
	_ =	sdelay $0x1  }
0x2da: {  	[tilespmem:v61+s16+$0x0] =	vst.idx.add.f32.msk $0xffff, v3  }
0x2db: {  	v3 =	vld.idx.msk [tilespmem:v62+s11+$0x0], $0xffff;
	_ =	sdelay $0x1  }
0x2dc: {  	v63 =	vadd.s32 $0x6, v0  }
0x2dd: {  	v1 =	vadd.s32 $0x7, v1;
	_ =	sdelay $0x1  }
0x2de: {  	v3 =	vmul.f32 v3, v2;
	_ =	sdelay $0x1  }
0x2df: {  	[tilespmem:v63+s16+$0x0] =	vst.idx.add.f32.msk $0xffff, v3  }
0x2e0: {  	v1 =	vld.idx.msk [tilespmem:v1+s11+$0x0], $0xffff;
	_ =	sdelay $0x1  }
0x2e1: {  	p0 =	sne.s32 s20, $0x40;
	v0 =	vadd.s32 $0x7, v0  }
.Ltmp10:
0x2e2: {  	_ = 	snop;
	(pc) =	sbr.rel @p0 .LBB2_19-.Ltmp10, $3  }
0x2e3: {  	_ = 	snop  }
0x2e4: {  	v1 =	vmul.f32 v1, v2;
	_ =	sdelay $0x1  }
0x2e5: {  	s20 =	sadd.s32 $0x40, s20;
	[tilespmem:v0+s16+$0x0] =	vst.idx.add.f32.msk $0xffff, v1  }
0x2e6: {  	s18 =	sadd.s32 $0x1, s18  }
0x2e7: {  	p0 =	sne.s32 s18, $0x14  }
.Ltmp11:
0x2e8: {  	_ = 	snop;
	(pc) =	sbr.rel @p0 .LBB2_14-.Ltmp11, $1  }
0x2e9: {  	_ =	sdelay $0x3  }
0x2ea: {  	s17 =	sadd.s32 $0x1, s17  }
0x2eb: {  	p0 =	sne.s32 s17, s10  }
.Ltmp12:
0x2ec: {  	_ = 	snop;
	(pc) =	sbr.rel @p0 .LBB2_1-.Ltmp12, $4  }
0x2ed: {  	[hbm4b:s9+s5] =	stream.linear.scatter [tilespmem:s16], [sflag:$0x2], $0xA000, $0x38;
	[tilespmem:$0x1BA80] =	vst v63  }
0x2ee: {  	_ =	swait.ge [sflag:s12], $0xA000  }
0x2ef: {  	[sflag:s12] =	ssyncset.done $0x0  }
0x2f0: {  	v0 =	vimm.f32 $0.0e+00;
	[sflag:s12] =	ssyncadd.s32 $0xFFFF6000  }
0x2f1: {  	_ =	sfence.sel $0x180000  }
0x2f2: {  	[bflag:$0x0] =	sbarrier.arrive $0xFFFF  }
0x2f3: {  	p0 =	sne.s32 s4, $0x0;
	_ =	strace $0x90000047  }
0x2f4: {  	s0 =	sadd.s32 @!p0 $0x100000, s0;
	[bflag:$0x2] =	sbarrier.arrive $0xFFFF  }
0x2f5: {  	[sflag:s0] =	ssyncadd.tile.s32 @!p0 $0x1;
	_ =	shalt  }
.Lfunc_end2:
_tile_overlayer_lowered:
.L_overlay_start_2:
0x2f6: {  	(tag) =	ssettag $0x2  }
0x2f7: {  	s0 =	rddreg [dreg:$0x0];
	s2 =	stileid.u32  }
0x2f8: {  	s1 =	rddreg [dreg:$0x1];
	p0 =	sne.s32 s2, $0x0  }
0x2f9: {  	s3 =	rddreg [dreg:$0x2];
	[bflag:$0x3] =	sbarrier.arrive $0xFFFF;
	s2 =	simm.s32 @!p0 $0x1C02  }
0x2fa: {  	[timem:s3], [sflag:s2] =	dma.local @!p0 [hbm:s0], s1  }
0x2fb: {  	s0 =	simm.s32 @!p0 $0x2  }
0x2fc: {  	_ =	swait.ge @!p0 [sflag:s0], s1  }
0x2fd: {  	s1 =	ssub.s32 @!p0 $0x0, s1;
	[sflag:s0] =	ssyncset.done @!p0 $0x0  }
0x2fe: {  	[sflag:s0] =	ssyncadd.s32 @!p0 s1  }
0x2ff: {  	[bflag:$0x3] =	sbarrier.arrive $0xFFFF  }
0x300: {  	_ =	shalt  }

// kernel: kernel.9.cloned.1.call-start
scs
__scs_entry_jumppad:
0x0: {  	(pc) =	sbr.rel $0x88, $3  }
0x1: {  	(tag) =	ssettag $0x0;
	lr =	simm.s32 $0x1  }
0x2: {  	[smem:$0x3F97] =	sst lr;
	_ =	strace $0xD0000000  }
0x3: {  	_ = 	snop  }
0x4: {  	_ = 	snop  }
0x5: {  	_ = 	snop  }
0x6: {  	_ = 	snop  }
0x7: {  	_ = 	snop  }
__scs_overlays_trampoline_lowered:
0x8: {  	[smem:$0x3FA6] =	sst s0  }
0x9: {  	[smem:$0x3FA7] =	sst s1  }
0xa: {  	[smem:$0x3FA8] =	sst s2  }
0xb: {  	[smem:$0x3FA9] =	sst s3  }
0xc: {  	[smem:$0x3FAA] =	sst s4  }
0xd: {  	[smem:$0x3FAB] =	sst s5  }
0xe: {  	[smem:$0x3FAC] =	sst s6  }
0xf: {  	[smem:$0x3FAD] =	sst s7  }
0x10: {  	[smem:$0x3FAE] =	sst s8  }
0x11: {  	[smem:$0x3FAF] =	sst s9;
	s0 =	simm.s32 @!p0 $0x0  }
0x12: {  	s1 =	sld [smem:$0x3F95];
	s0 =	simm.s32 @p0 $0x1  }
0x13: {  	[smem:$0x3FB0] =	sst s0;
	s0 =	simm.s32 @!p1 $0x0  }
0x14: {  	s2 =	sld [smem:$0x3F94];
	s0 =	simm.s32 @p1 $0x1  }
0x15: {  	[smem:$0x3FB1] =	sst s0;
	s0 =	simm.s32 @!p2 $0x0  }
0x16: {  	s3 =	sld [smem:$0x3FDB];
	s0 =	simm.s32 @p2 $0x1  }
0x17: {  	s4 =	simm.s32 $0x1BF5;
	[smem:$0x3FB3] =	sst s0  }
0x18: {  	s0 =	sld [smem:$0x3F96];
	_ =	swait.ge [sflag:s4], $0x0  }
0x19: {  	s7 =	sld [smem:$0x3F97]  }
0x1a: {  	s8 =	sadd.s32 $0xFFFFE003, lr  }
0x1b: {  	s9 =	sadd.s32 $0xFFFFFEF7, lr;
	s5 =	simm.s32 $0xFFFFFFFF;
	p2 =	slt.u32 s8, $0xFFFFF086  }
0x1c: {  	p1 =	slt.u32 s9, $0xF7A;
	s5 =	simm.s32 @!p2 $0x0  }
0x1d: {  	s5 =	simm.s32 @p1 $0x1;
	p0 =	seq.s32 s7, s2  }
0x1e: {  	s7 =	smul.u32 @!p0 $0xF7A, s2;
	p2 =	seq.s32 @!p0 s5, $0x0  }
0x1f: {  	s9 =	smul.u32 $0xF7A, s1;
	s8 =	simm.s32 @!p0 $0x1BF5;
	p2 =	por !p2, p0  }
0x20: {  	[sflag:s8] =	ssyncset.s32 @!p0 $0xFFFFF086;
	s6 =	sadd.s32 @!p0 s3, s7;
	s7 =	simm.s32 @!p0 $0x108  }
0x21: {  	s3 =	sadd.s32 s3, s9;
	s6 =	sadd.s32 @!p0 $0x88, s6;
	s7 =	simm.s32 @p2 $0x1082  }
0x22: {  	[simem:s7], [sflag:s8] =	dma.local @!p0 [hbm:s6], $0xF7A  }
0x23: {  	s9 =	sor.u32 $0xD0000000, s2;
	s6 =	simm.s32 $0x108;
	_ =	swait.ge @!p0 [sflag:s8], $0x0  }
0x24: {  	s3 =	sadd.s32 $0x88, s3;
	s6 =	simm.s32 @!p1 $0x1082;
	[sflag:s4] =	ssyncset.s32 $0xFFFFF086  }
0x25: {  	[simem:s6], [sflag:s4] =	dma.local [hbm:s3], $0xF7A  }
0x26: {  	[smem:$0x3F97] =	sst s1;
	(tag) =	ssettag s2;
	_ =	strace s9  }
0x27: {  	s1 =	sld [smem:$0x3FA7]  }
0x28: {  	s2 =	sld [smem:$0x3FA8]  }
0x29: {  	s4 =	sld [smem:$0x3FAA]  }
0x2a: {  	p0 =	seq.s32 s5, $0x0;
	s5 =	sld [smem:$0x3FAB]  }
0x2b: {  	s6 =	sld [smem:$0x3FAC]  }
0x2c: {  	s7 =	sld [smem:$0x3FAD]  }
0x2d: {  	s3 =	simm.s32 $0x108;
	s8 =	sld [smem:$0x3FAE]  }
0x2e: {  	s3 =	simm.s32 @!p0 $0x1082;
	s9 =	sld [smem:$0x3FAF]  }
0x2f: {  	lr =	sadd.s32 s0, s3;
	s0 =	sld [smem:$0x3FA6]  }
0x30: {  	s3 =	sld [smem:$0x3FA9]  }
0x31: {  	[smem:$0x3FB2] =	sst s10  }
0x32: {  	s10 =	sld [smem:$0x3FB0];
	_ =	sdelay $0x3  }
0x33: {  	p0 =	seq.s32 s10, $0x1;
	s10 =	sld [smem:$0x3FB2];
	_ =	sdelay $0x3  }
0x34: {  	[smem:$0x3FB2] =	sst s10  }
0x35: {  	s10 =	sld [smem:$0x3FB1];
	_ =	sdelay $0x3  }
0x36: {  	p1 =	seq.s32 s10, $0x1;
	s10 =	sld [smem:$0x3FB2];
	_ =	sdelay $0x3  }
0x37: {  	[smem:$0x3FB2] =	sst s10  }
0x38: {  	s10 =	sld [smem:$0x3FB3]  }
0x39: {  	_ = 	snop;
	(pc) =	sbr.ind lr, $3  }
0x3a: {  	_ = 	snop  }
0x3b: {  	_ = 	snop  }
0x3c: {  	p2 =	seq.s32 s10, $0x1;
	s10 =	sld [smem:$0x3FB2]  }
0x3d: {  	_ =	shalt  }
0x3e: {  	_ =	shalt  }
0x3f: {  	_ =	shalt  }
0x40: {  	_ =	shalt  }
0x41: {  	_ =	shalt  }
0x42: {  	_ =	shalt  }
0x43: {  	_ =	shalt  }
0x44: {  	_ =	shalt  }
0x45: {  	_ =	shalt  }
0x46: {  	_ =	shalt  }
0x47: {  	_ =	shalt  }
0x48: {  	_ =	shalt  }
0x49: {  	_ =	shalt  }
0x4a: {  	_ =	shalt  }
0x4b: {  	_ =	shalt  }
0x4c: {  	_ =	shalt  }
0x4d: {  	_ =	shalt  }
0x4e: {  	_ =	shalt  }
0x4f: {  	_ =	shalt  }
0x50: {  	_ =	shalt  }
0x51: {  	_ =	shalt  }
0x52: {  	_ =	shalt  }
0x53: {  	_ =	shalt  }
0x54: {  	_ =	shalt  }
0x55: {  	_ =	shalt  }
0x56: {  	_ =	shalt  }
0x57: {  	_ =	shalt  }
0x58: {  	_ =	shalt  }
0x59: {  	_ =	shalt  }
0x5a: {  	_ =	shalt  }
0x5b: {  	_ =	shalt  }
0x5c: {  	_ =	shalt  }
0x5d: {  	_ =	shalt  }
0x5e: {  	_ =	shalt  }
0x5f: {  	_ =	shalt  }
0x60: {  	_ =	shalt  }
0x61: {  	_ =	shalt  }
0x62: {  	_ =	shalt  }
0x63: {  	_ =	shalt  }
0x64: {  	_ =	shalt  }
0x65: {  	_ =	shalt  }
0x66: {  	_ =	shalt  }
0x67: {  	_ =	shalt  }
0x68: {  	_ =	shalt  }
0x69: {  	_ =	shalt  }
0x6a: {  	_ =	shalt  }
0x6b: {  	_ =	shalt  }
0x6c: {  	_ =	shalt  }
0x6d: {  	_ =	shalt  }
0x6e: {  	_ =	shalt  }
0x6f: {  	_ =	shalt  }
0x70: {  	_ =	shalt  }
0x71: {  	_ =	shalt  }
0x72: {  	_ =	shalt  }
0x73: {  	_ =	shalt  }
0x74: {  	_ =	shalt  }
0x75: {  	_ =	shalt  }
0x76: {  	_ =	shalt  }
0x77: {  	_ =	shalt  }
0x78: {  	_ =	shalt  }
0x79: {  	_ =	shalt  }
0x7a: {  	_ =	shalt  }
0x7b: {  	_ =	shalt  }
0x7c: {  	_ =	shalt  }
0x7d: {  	_ =	shalt  }
0x7e: {  	_ =	shalt  }
0x7f: {  	_ =	shalt  }
0x80: {  	_ =	shalt  }
0x81: {  	_ =	shalt  }
0x82: {  	_ =	shalt  }
0x83: {  	_ =	shalt  }
0x84: {  	_ =	shalt  }
0x85: {  	_ =	shalt  }
0x86: {  	_ =	shalt  }
0x87: {  	_ =	shalt  }
.Lfunc_end0:
.L_simem_size_0:
called_computation.1_lowered:
.L_overlay_start_0:
0x88: {  	s2 =	sld [smem:$0x3FD9]  }
0x89: {  	s3 =	sld [smem:$0x3FFE];
	_ =	sdelay $0x1  }
0x8a: {  	s1 =	srdreg.scid  }
0x8b: {  	s0 =	sand.u32 $0x1, s1  }
0x8c: {  	s17 =	sshll.u32 s0, $0xA;
	s2 =	sadd.s32 s3, s2  }
0x8d: {  	s2 =	sadd.s32 s2, s17  }
0x8e: {  	[smem:$0x3FBE] =	sst s2  }
0x8f: {  	_ = 	snop  }
0x90: {  	s2 =	sld [smem:$0x3FC2];
	(tm) =	ssettm $0x1  }
0x91: {  	s18 =	sld [smem:$0x3FFB];
	_ =	sdelay $0x3  }
0x92: {  	_ =	strace s18  }
0x93: {  	s3 =	sld [smem:$0x3FFC];
	_ =	sdelay $0x3  }
0x94: {  	_ =	strace s3  }
0x95: {  	s3 =	sld [smem:$0x3FFD];
	_ =	sdelay $0x3  }
0x96: {  	_ =	strace s3  }
0x97: {  	_ =	strace $0x8FFFFFFF  }
0x98: {  	s19 =	sld [smem:$0x3FDB];
	_ =	sdelay $0x1  }
0x99: {  	s4 =	simm.s32 $_scs_section_size  }
0x9a: {  	s5 =	simm.s32 $_size__tile_overlayer_lowered;
	s6 =	simm.s32 $_tile_overlayer_lowered  }
0x9b: {  	s22 =	simm.s32 $0x1BFF;
	s21 =	sshll.u32 s6, $0x1;
	s3 =	sadd.s32 s4, s19  }
0x9c: {  	s7 =	simm.s32 $0x0;
	s20 =	sshll.u32 s5, $0x1;
	s5 =	sadd.s32 s21, s3  }
0x9d: {  	[timem:s7], [sflag:s22] =	dma.local [hbm:s5], s20  }
0x9e: {  	_ =	swait.ge [sflag:s22], s20  }
0x9f: {  	s4 =	ssub.s32 $0x0, s20;
	[sflag:s22] =	ssyncset.done $0x0  }
0xa0: {  	[sflag:s22] =	ssyncadd.s32 s4;
	_ =	sdelay $0x1  }
0xa1: {  	s23 =	simm.s32 $0x1B8B  }
0xa2: {  	_ =	swait.ge [sflag:s23], $0x1  }
0xa3: {  	[sflag:s23] =	ssyncset.done $0x0  }
0xa4: {  	s25 =	simm.s32 $0x1B8E;
	s24 =	sld [smem:$0x3FFE];
	[sflag:s23] =	ssyncadd.s32 $0xFFFFFFFF  }
0xa5: {  	s26 =	simm.s32 $execute0_lowered;
	[smem:$0x3FD2] =	sst s25  }
0xa6: {  	s5 =	sshll.u32 s26, $0x1;
	_ =	strace $0x80000049;
	[dreg:$0x1] =	wrdreg $0xFFFFFFFF  }
0xa7: {  	s28 =	simm.s32 $_size_execute0_lowered;
	s3 =	sadd.s32 s3, s5;
	[dreg:$0x0] =	wrdreg $0x0  }
0xa8: {  	s5 =	sshll.u32 s28, $0x1;
	[dreg:$0x2] =	wrdreg s3  }
0xa9: {  	[dreg:$0x3] =	wrdreg s5  }
0xaa: {  	[dreg:$0x4] =	wrdreg $0xC0  }
0xab: {  	_ =	task [dreg:s7], $0x5FFFF  }
0xac: {  	[dreg:$0x1] =	wrdreg $0xFFFFFFFF  }
0xad: {  	[dreg:$0x0] =	wrdreg $0x60  }
0xae: {  	[dreg:$0x2] =	wrdreg s24  }
0xaf: {  	[dreg:$0x3] =	wrdreg s2  }
0xb0: {  	[dreg:$0x4] =	wrdreg $0x9  }
0xb1: {  	_ =	task.clear_ibuf [dreg:s7], $0x5FFFF;
	_ =	strace $0x90000049  }
0xb2: {  	s29 =	simm.s32 $0x9;
	_ =	strace $0x8000004B  }
0xb3: {  	_ =	swait.ge [sflag:s29], $0x1  }
0xb4: {  	[sflag:s29] =	ssyncadd.s32 $0xFFFFFFFF  }
0xb5: {  	_ =	strace $0x9000004B  }
0xb6: {  	_ =	sfence  }
0xb7: {  	s30 =	sld [smem:$0x0];
	_ =	sdelay $0x2  }
0xb8: {  	s31 =	sshll.u32 s1, $0xD;
	s1 =	sshrl.u32 s1, $0x2  }
0xb9: {  	s3 =	sand.u32 $0x4000, s31;
	s1 =	sadd.s32 s1, s30  }
0xba: {  	s0 =	sor.u32 s3, s0;
	s1 =	sshll.u32 s1, $0x11  }
0xbb: {  	s0 =	sor.u32 s1, s0  }
0xbc: {  	s0 =	sadd.s32 $0x8F2B, s0  }
0xbd: {  	[sflag:s0] =	ssyncadd.remote.s32 $0x1  }
0xbe: {  	_ =	sfence.sel $0xFFFF  }
0xbf: {  	[dreg:$0x0] =	wrdreg $0xFFFFFFFF;
	(pc) =	sbr.abs _section_cstart, $3  }
0xc0: {  	[dreg:$0x1] =	wrdreg $0xFFFFFFFF  }
0xc1: {  	_ =	task.clear_ibuf [dreg:s7], $0x2FFFF;
	_ =	strace $0x9FFFFFFF  }
0xc2: {  	(tm) =	ssettm $0x7FFFFFFF  }
0xc3: {  	_ =	shalt  }
tec
execute0_lowered:
.L_overlay_start_1:
0x0: {  	(tag) =	ssettag $0x1  }
0x1: {  	s0 =	rddreg [dreg:$0x0]  }
0x2: {  	s1 =	rddreg [dreg:$0x1];
	s2 =	simm.s32 $0x0  }
0x3: {  	s3 =	srdreg.scid;
	s5 =	stileid.u32;
	s11 =	simm.s32 $0x2  }
0x4: {  	s12 =	simm.s32 $0x14180;
	s13 =	simm.s32 $0x14980;
	s14 =	simm.s32 $0x15180  }
0x5: {  	s15 =	simm.s32 $0x15980;
	s16 =	simm.s32 $0x16180;
	s17 =	simm.s32 $0x16980  }
0x6: {  	s18 =	simm.s32 $0x17180;
	s19 =	simm.s32 $0x17980;
	s20 =	simm.s32 $0x1  }
0x7: {  	s21 =	simm.s32 $0x18180;
	s22 =	simm.s32 $0x18200;
	s23 =	simm.s32 $0x18280  }
0x8: {  	s24 =	simm.s32 $0x0;
	s4 =	sand.u32 $0x1, s3;
	s5 =	sshll.u32 s5, $0x1  }
0x9: {  	[smem:$0x7FF] =	sst s2;
	s3 =	sadd.s32 $0x2800, s0;
	s5 =	sor.u32 s4, s5  }
0xa: {  	_ =	strace $0x8000004A;
	s4 =	ssub.s32 $0x2, s4;
	s6 =	sshll.u32 s5, $0x4  }
0xb: {  	s5 =	sshll.u32 s5, $0x1;
	s7 =	sshrl.u32 s4, $0x1;
	s8 =	sadd.s32 s6, s0  }
0xc: {  	v0 =	vlaneseq.u32;
	s0 =	sadd.s32 s5, s0;
	s10 =	ssub.s32 s4, s7;
	s4 =	sadd.s32 s1, s6  }
0xd: {  	vm0 =	vmmov $0xffff;
	v2 =	vshrl.u32 v0, $0x3;
	s5 =	sadd.s32 $0x52A00, s8;
	s6 =	sadd.s32 $0x52800, s8;
	s7 =	sadd.s32 $0x50A00, s8  }
0xe: {  	v1 =	vand.u32 $0x7, v0;
	v3 =	vor.u32 $0x8, v0;
	v2 =	vmul.u32 $0x8, v2;
	s8 =	sadd.s32 $0x50C00, s8;
	s9 =	sadd.s32 $0x50E00, s0;
	s10 =	smax.u32 s10, $0x1  }
.LBB2_1:
0xf: {  	[tilespmem:s2], [sflag:$0x2] =	stream.linear.gather [hbm4b:s4+s2], $0x80, $0x38;
	[tilespmem:$0x18300] =	vst v63  }
0x10: {  	_ =	swait.ge [sflag:s11], $0x80  }
0x11: {  	[sflag:s11] =	ssyncset.done $0x0  }
0x12: {  	s0 =	simm.s32 $0x80;
	[sflag:s11] =	ssyncadd.s32 $0xFFFFFF80  }
0x13: {  	[tilespmem:s0], [sflag:$0x2] =	stream.linear.gather [hbm4b:s5+s2], $0x80, $0x38;
	[tilespmem:$0x18300] =	vst v63  }
0x14: {  	_ =	swait.ge [sflag:s11], $0x80  }
0x15: {  	[sflag:s11] =	ssyncset.done $0x0  }
0x16: {  	s26 =	simm.s32 $0x100;
	[sflag:s11] =	ssyncadd.s32 $0xFFFFFF80  }
0x17: {  	[tilespmem:s26], [sflag:$0x2] =	stream.linear.gather [hbm4b:s6+s2], $0x80, $0x38;
	[tilespmem:$0x18300] =	vst v63  }
0x18: {  	_ =	swait.ge [sflag:s11], $0x80  }
0x19: {  	[sflag:s11] =	ssyncset.done $0x0  }
0x1a: {  	[sflag:s11] =	ssyncadd.s32 $0xFFFFFF80  }
0x1b: {  	v4 =	vld [tilespmem:$0x0];
	_ =	sdelay $0x4  }
0x1c: {  	v5 =	vshll.u32 v4, $0x1  }
0x1d: {  	v4 =	vand.u32 $0x7, v4;
	v5 =	vand.u32 $0xFFFFFFF0, v5  }
0x1e: {  	v4 =	vor.u32 v4, v5  }
0x1f: {  	v5 =	vperm.xlane v4, v1;
	_ =	sdelay $0x1  }
0x20: {  	v4 =	vperm.xlane v4, v3;
	v5 =	vadd.s32 v2, v5;
	_ =	sdelay $0x1  }
0x21: {  	v4 =	vadd.s32 v2, v4;
	_ =	sdelay $0x1  }
0x22: {  	s1 =	simm.s32 $0x180  }
0x23: {  	[tilespmem:s1], [sflag:$0x1] =	stream.indirect_vreg.gather [hbm4b:s3+s2], $0x80, v5, vm0, $0xb8;
	[tilespmem:$0x18300] =	vst v63  }
0x24: {  	s25 =	simm.s32 $0x980  }
0x25: {  	[tilespmem:s25], [sflag:$0x1] =	stream.indirect_vreg.gather [hbm4b:s3+s2], $0x80, v4, vm0, $0xb8;
	[tilespmem:$0x18300] =	vst v63  }
0x26: {  	v4 =	vld [tilespmem:$0x10];
	_ =	sdelay $0x4  }
0x27: {  	v5 =	vshll.u32 v4, $0x1  }
0x28: {  	v4 =	vand.u32 $0x7, v4;
	v5 =	vand.u32 $0xFFFFFFF0, v5  }
0x29: {  	v4 =	vor.u32 v4, v5  }
0x2a: {  	v5 =	vperm.xlane v4, v1;
	_ =	sdelay $0x1  }
0x2b: {  	v4 =	vperm.xlane v4, v3;
	v5 =	vadd.s32 v2, v5;
	_ =	sdelay $0x1  }
0x2c: {  	v4 =	vadd.s32 v2, v4;
	_ =	sdelay $0x1  }
0x2d: {  	s26 =	simm.s32 $0x1180  }
0x2e: {  	[tilespmem:s26], [sflag:$0x1] =	stream.indirect_vreg.gather [hbm4b:s3+s2], $0x80, v5, vm0, $0xb8;
	[tilespmem:$0x18300] =	vst v63  }
0x2f: {  	s1 =	simm.s32 $0x1980  }
0x30: {  	[tilespmem:s1], [sflag:$0x1] =	stream.indirect_vreg.gather [hbm4b:s3+s2], $0x80, v4, vm0, $0xb8;
	[tilespmem:$0x18300] =	vst v63  }
0x31: {  	v4 =	vld [tilespmem:$0x20];
	_ =	sdelay $0x4  }
0x32: {  	v5 =	vshll.u32 v4, $0x1  }
0x33: {  	v4 =	vand.u32 $0x7, v4;
	v5 =	vand.u32 $0xFFFFFFF0, v5  }
0x34: {  	v4 =	vor.u32 v4, v5  }
0x35: {  	v5 =	vperm.xlane v4, v1;
	_ =	sdelay $0x1  }
0x36: {  	v4 =	vperm.xlane v4, v3;
	v5 =	vadd.s32 v2, v5;
	_ =	sdelay $0x1  }
0x37: {  	v4 =	vadd.s32 v2, v4;
	_ =	sdelay $0x1  }
0x38: {  	s25 =	simm.s32 $0x2180  }
0x39: {  	[tilespmem:s25], [sflag:$0x1] =	stream.indirect_vreg.gather [hbm4b:s3+s2], $0x80, v5, vm0, $0xb8;
	[tilespmem:$0x18300] =	vst v63  }
0x3a: {  	s26 =	simm.s32 $0x2980  }
0x3b: {  	[tilespmem:s26], [sflag:$0x1] =	stream.indirect_vreg.gather [hbm4b:s3+s2], $0x80, v4, vm0, $0xb8;
	[tilespmem:$0x18300] =	vst v63  }
0x3c: {  	v4 =	vld [tilespmem:$0x30];
	_ =	sdelay $0x4  }
0x3d: {  	v5 =	vshll.u32 v4, $0x1  }
0x3e: {  	v4 =	vand.u32 $0x7, v4;
	v5 =	vand.u32 $0xFFFFFFF0, v5  }
0x3f: {  	v4 =	vor.u32 v4, v5  }
0x40: {  	v5 =	vperm.xlane v4, v1;
	_ =	sdelay $0x1  }
0x41: {  	v4 =	vperm.xlane v4, v3;
	v5 =	vadd.s32 v2, v5;
	_ =	sdelay $0x1  }
0x42: {  	v4 =	vadd.s32 v2, v4;
	_ =	sdelay $0x1  }
0x43: {  	s1 =	simm.s32 $0x3180  }
0x44: {  	[tilespmem:s1], [sflag:$0x1] =	stream.indirect_vreg.gather [hbm4b:s3+s2], $0x80, v5, vm0, $0xb8;
	[tilespmem:$0x18300] =	vst v63  }
0x45: {  	s25 =	simm.s32 $0x3980  }
0x46: {  	[tilespmem:s25], [sflag:$0x1] =	stream.indirect_vreg.gather [hbm4b:s3+s2], $0x80, v4, vm0, $0xb8;
	[tilespmem:$0x18300] =	vst v63  }
0x47: {  	v4 =	vld [tilespmem:$0x40];
	_ =	sdelay $0x4  }
0x48: {  	v5 =	vshll.u32 v4, $0x1  }
0x49: {  	v4 =	vand.u32 $0x7, v4;
	v5 =	vand.u32 $0xFFFFFFF0, v5  }
0x4a: {  	v4 =	vor.u32 v4, v5  }
0x4b: {  	v5 =	vperm.xlane v4, v1;
	_ =	sdelay $0x1  }
0x4c: {  	v4 =	vperm.xlane v4, v3;
	v5 =	vadd.s32 v2, v5;
	_ =	sdelay $0x1  }
0x4d: {  	v4 =	vadd.s32 v2, v4;
	_ =	sdelay $0x1  }
0x4e: {  	s26 =	simm.s32 $0x4180  }
0x4f: {  	[tilespmem:s26], [sflag:$0x1] =	stream.indirect_vreg.gather [hbm4b:s3+s2], $0x80, v5, vm0, $0xb8;
	[tilespmem:$0x18300] =	vst v63  }
0x50: {  	s1 =	simm.s32 $0x4980  }
0x51: {  	[tilespmem:s1], [sflag:$0x1] =	stream.indirect_vreg.gather [hbm4b:s3+s2], $0x80, v4, vm0, $0xb8;
	[tilespmem:$0x18300] =	vst v63  }
0x52: {  	v4 =	vld [tilespmem:$0x50];
	_ =	sdelay $0x4  }
0x53: {  	v5 =	vshll.u32 v4, $0x1  }
0x54: {  	v4 =	vand.u32 $0x7, v4;
	v5 =	vand.u32 $0xFFFFFFF0, v5  }
0x55: {  	v4 =	vor.u32 v4, v5  }
0x56: {  	v5 =	vperm.xlane v4, v1;
	_ =	sdelay $0x1  }
0x57: {  	v4 =	vperm.xlane v4, v3;
	v5 =	vadd.s32 v2, v5;
	_ =	sdelay $0x1  }
0x58: {  	v4 =	vadd.s32 v2, v4;
	_ =	sdelay $0x1  }
0x59: {  	s25 =	simm.s32 $0x5180  }
0x5a: {  	[tilespmem:s25], [sflag:$0x1] =	stream.indirect_vreg.gather [hbm4b:s3+s2], $0x80, v5, vm0, $0xb8;
	[tilespmem:$0x18300] =	vst v63  }
0x5b: {  	s26 =	simm.s32 $0x5980  }
0x5c: {  	[tilespmem:s26], [sflag:$0x1] =	stream.indirect_vreg.gather [hbm4b:s3+s2], $0x80, v4, vm0, $0xb8;
	[tilespmem:$0x18300] =	vst v63  }
0x5d: {  	v4 =	vld [tilespmem:$0x60];
	_ =	sdelay $0x4  }
0x5e: {  	v5 =	vshll.u32 v4, $0x1  }
0x5f: {  	v4 =	vand.u32 $0x7, v4;
	v5 =	vand.u32 $0xFFFFFFF0, v5  }
0x60: {  	v4 =	vor.u32 v4, v5  }
0x61: {  	v5 =	vperm.xlane v4, v1;
	_ =	sdelay $0x1  }
0x62: {  	v4 =	vperm.xlane v4, v3;
	v5 =	vadd.s32 v2, v5;
	_ =	sdelay $0x1  }
0x63: {  	v4 =	vadd.s32 v2, v4;
	_ =	sdelay $0x1  }
0x64: {  	s1 =	simm.s32 $0x6180  }
0x65: {  	[tilespmem:s1], [sflag:$0x1] =	stream.indirect_vreg.gather [hbm4b:s3+s2], $0x80, v5, vm0, $0xb8;
	[tilespmem:$0x18300] =	vst v63  }
0x66: {  	s25 =	simm.s32 $0x6980  }
0x67: {  	[tilespmem:s25], [sflag:$0x1] =	stream.indirect_vreg.gather [hbm4b:s3+s2], $0x80, v4, vm0, $0xb8;
	[tilespmem:$0x18300] =	vst v63  }
0x68: {  	v4 =	vld [tilespmem:$0x70];
	_ =	sdelay $0x4  }
0x69: {  	v5 =	vshll.u32 v4, $0x1  }
0x6a: {  	v4 =	vand.u32 $0x7, v4;
	v5 =	vand.u32 $0xFFFFFFF0, v5  }
0x6b: {  	v4 =	vor.u32 v4, v5  }
0x6c: {  	v5 =	vperm.xlane v4, v1;
	_ =	sdelay $0x1  }
0x6d: {  	v4 =	vperm.xlane v4, v3;
	v5 =	vadd.s32 v2, v5;
	_ =	sdelay $0x1  }
0x6e: {  	v4 =	vadd.s32 v2, v4;
	_ =	sdelay $0x1  }
0x6f: {  	s26 =	simm.s32 $0x7180  }
0x70: {  	[tilespmem:s26], [sflag:$0x1] =	stream.indirect_vreg.gather [hbm4b:s3+s2], $0x80, v5, vm0, $0xb8;
	[tilespmem:$0x18300] =	vst v63  }
0x71: {  	s1 =	simm.s32 $0x7980  }
0x72: {  	[tilespmem:s1], [sflag:$0x1] =	stream.indirect_vreg.gather [hbm4b:s3+s2], $0x80, v4, vm0, $0xb8;
	[tilespmem:$0x18300] =	vst v63  }
0x73: {  	v4 =	vld [tilespmem:$0x80];
	_ =	sdelay $0x4  }
0x74: {  	v5 =	vshll.u32 v4, $0x1  }
0x75: {  	v4 =	vand.u32 $0x7, v4;
	v5 =	vand.u32 $0xFFFFFFF0, v5  }
0x76: {  	v4 =	vor.u32 v4, v5  }
0x77: {  	v5 =	vperm.xlane v4, v1;
	_ =	sdelay $0x1  }
0x78: {  	v4 =	vperm.xlane v4, v3;
	v5 =	vadd.s32 v2, v5;
	_ =	sdelay $0x1  }
0x79: {  	v4 =	vadd.s32 v2, v4;
	_ =	sdelay $0x1  }
0x7a: {  	s25 =	simm.s32 $0x8180  }
0x7b: {  	[tilespmem:s25], [sflag:$0x1] =	stream.indirect_vreg.gather [hbm4b:s3+s2], $0x80, v5, vm0, $0xb8;
	[tilespmem:$0x18300] =	vst v63  }
0x7c: {  	s26 =	simm.s32 $0x8980  }
0x7d: {  	[tilespmem:s26], [sflag:$0x1] =	stream.indirect_vreg.gather [hbm4b:s3+s2], $0x80, v4, vm0, $0xb8;
	[tilespmem:$0x18300] =	vst v63  }
0x7e: {  	v4 =	vld [tilespmem:$0x90];
	_ =	sdelay $0x4  }
0x7f: {  	v5 =	vshll.u32 v4, $0x1  }
0x80: {  	v4 =	vand.u32 $0x7, v4;
	v5 =	vand.u32 $0xFFFFFFF0, v5  }
0x81: {  	v4 =	vor.u32 v4, v5  }
0x82: {  	v5 =	vperm.xlane v4, v1;
	_ =	sdelay $0x1  }
0x83: {  	v4 =	vperm.xlane v4, v3;
	v5 =	vadd.s32 v2, v5;
	_ =	sdelay $0x1  }
0x84: {  	v4 =	vadd.s32 v2, v4;
	_ =	sdelay $0x1  }
0x85: {  	s1 =	simm.s32 $0x9180  }
0x86: {  	[tilespmem:s1], [sflag:$0x1] =	stream.indirect_vreg.gather [hbm4b:s3+s2], $0x80, v5, vm0, $0xb8;
	[tilespmem:$0x18300] =	vst v63  }
0x87: {  	s25 =	simm.s32 $0x9980  }
0x88: {  	[tilespmem:s25], [sflag:$0x1] =	stream.indirect_vreg.gather [hbm4b:s3+s2], $0x80, v4, vm0, $0xb8;
	[tilespmem:$0x18300] =	vst v63  }
0x89: {  	v4 =	vld [tilespmem:$0xA0];
	_ =	sdelay $0x4  }
0x8a: {  	v5 =	vshll.u32 v4, $0x1  }
0x8b: {  	v4 =	vand.u32 $0x7, v4;
	v5 =	vand.u32 $0xFFFFFFF0, v5  }
0x8c: {  	v4 =	vor.u32 v4, v5  }
0x8d: {  	v5 =	vperm.xlane v4, v1;
	_ =	sdelay $0x1  }
0x8e: {  	v4 =	vperm.xlane v4, v3;
	v5 =	vadd.s32 v2, v5;
	_ =	sdelay $0x1  }
0x8f: {  	v4 =	vadd.s32 v2, v4;
	_ =	sdelay $0x1  }
0x90: {  	s26 =	simm.s32 $0xA180  }
0x91: {  	[tilespmem:s26], [sflag:$0x1] =	stream.indirect_vreg.gather [hbm4b:s3+s2], $0x80, v5, vm0, $0xb8;
	[tilespmem:$0x18300] =	vst v63  }
0x92: {  	s1 =	simm.s32 $0xA980  }
0x93: {  	[tilespmem:s1], [sflag:$0x1] =	stream.indirect_vreg.gather [hbm4b:s3+s2], $0x80, v4, vm0, $0xb8;
	[tilespmem:$0x18300] =	vst v63  }
0x94: {  	v4 =	vld [tilespmem:$0xB0];
	_ =	sdelay $0x4  }
0x95: {  	v5 =	vshll.u32 v4, $0x1  }
0x96: {  	v4 =	vand.u32 $0x7, v4;
	v5 =	vand.u32 $0xFFFFFFF0, v5  }
0x97: {  	v4 =	vor.u32 v4, v5  }
0x98: {  	v5 =	vperm.xlane v4, v1;
	_ =	sdelay $0x1  }
0x99: {  	v4 =	vperm.xlane v4, v3;
	v5 =	vadd.s32 v2, v5;
	_ =	sdelay $0x1  }
0x9a: {  	v4 =	vadd.s32 v2, v4;
	_ =	sdelay $0x1  }
0x9b: {  	s25 =	simm.s32 $0xB180  }
0x9c: {  	[tilespmem:s25], [sflag:$0x1] =	stream.indirect_vreg.gather [hbm4b:s3+s2], $0x80, v5, vm0, $0xb8;
	[tilespmem:$0x18300] =	vst v63  }
0x9d: {  	s26 =	simm.s32 $0xB980  }
0x9e: {  	[tilespmem:s26], [sflag:$0x1] =	stream.indirect_vreg.gather [hbm4b:s3+s2], $0x80, v4, vm0, $0xb8;
	[tilespmem:$0x18300] =	vst v63  }
0x9f: {  	v4 =	vld [tilespmem:$0xC0];
	_ =	sdelay $0x4  }
0xa0: {  	v5 =	vshll.u32 v4, $0x1  }
0xa1: {  	v4 =	vand.u32 $0x7, v4;
	v5 =	vand.u32 $0xFFFFFFF0, v5  }
0xa2: {  	v4 =	vor.u32 v4, v5  }
0xa3: {  	v5 =	vperm.xlane v4, v1;
	_ =	sdelay $0x1  }
0xa4: {  	v4 =	vperm.xlane v4, v3;
	v5 =	vadd.s32 v2, v5;
	_ =	sdelay $0x1  }
0xa5: {  	v4 =	vadd.s32 v2, v4;
	_ =	sdelay $0x1  }
0xa6: {  	s1 =	simm.s32 $0xC180  }
0xa7: {  	[tilespmem:s1], [sflag:$0x1] =	stream.indirect_vreg.gather [hbm4b:s3+s2], $0x80, v5, vm0, $0xb8;
	[tilespmem:$0x18300] =	vst v63  }
0xa8: {  	s25 =	simm.s32 $0xC980  }
0xa9: {  	[tilespmem:s25], [sflag:$0x1] =	stream.indirect_vreg.gather [hbm4b:s3+s2], $0x80, v4, vm0, $0xb8;
	[tilespmem:$0x18300] =	vst v63  }
0xaa: {  	v4 =	vld [tilespmem:$0xD0];
	_ =	sdelay $0x4  }
0xab: {  	v5 =	vshll.u32 v4, $0x1  }
0xac: {  	v4 =	vand.u32 $0x7, v4;
	v5 =	vand.u32 $0xFFFFFFF0, v5  }
0xad: {  	v4 =	vor.u32 v4, v5  }
0xae: {  	v5 =	vperm.xlane v4, v1;
	_ =	sdelay $0x1  }
0xaf: {  	v4 =	vperm.xlane v4, v3;
	v5 =	vadd.s32 v2, v5;
	_ =	sdelay $0x1  }
0xb0: {  	v4 =	vadd.s32 v2, v4;
	_ =	sdelay $0x1  }
0xb1: {  	s26 =	simm.s32 $0xD180  }
0xb2: {  	[tilespmem:s26], [sflag:$0x1] =	stream.indirect_vreg.gather [hbm4b:s3+s2], $0x80, v5, vm0, $0xb8;
	[tilespmem:$0x18300] =	vst v63  }
0xb3: {  	s1 =	simm.s32 $0xD980  }
0xb4: {  	[tilespmem:s1], [sflag:$0x1] =	stream.indirect_vreg.gather [hbm4b:s3+s2], $0x80, v4, vm0, $0xb8;
	[tilespmem:$0x18300] =	vst v63  }
0xb5: {  	v4 =	vld [tilespmem:$0xE0];
	_ =	sdelay $0x4  }
0xb6: {  	v5 =	vshll.u32 v4, $0x1  }
0xb7: {  	v4 =	vand.u32 $0x7, v4;
	v5 =	vand.u32 $0xFFFFFFF0, v5  }
0xb8: {  	v4 =	vor.u32 v4, v5  }
0xb9: {  	v5 =	vperm.xlane v4, v1;
	_ =	sdelay $0x1  }
0xba: {  	v4 =	vperm.xlane v4, v3;
	v5 =	vadd.s32 v2, v5;
	_ =	sdelay $0x1  }
0xbb: {  	v4 =	vadd.s32 v2, v4;
	_ =	sdelay $0x1  }
0xbc: {  	s25 =	simm.s32 $0xE180  }
0xbd: {  	[tilespmem:s25], [sflag:$0x1] =	stream.indirect_vreg.gather [hbm4b:s3+s2], $0x80, v5, vm0, $0xb8;
	[tilespmem:$0x18300] =	vst v63  }
0xbe: {  	s26 =	simm.s32 $0xE980  }
0xbf: {  	[tilespmem:s26], [sflag:$0x1] =	stream.indirect_vreg.gather [hbm4b:s3+s2], $0x80, v4, vm0, $0xb8;
	[tilespmem:$0x18300] =	vst v63  }
0xc0: {  	v4 =	vld [tilespmem:$0xF0];
	_ =	sdelay $0x4  }
0xc1: {  	v5 =	vshll.u32 v4, $0x1  }
0xc2: {  	v4 =	vand.u32 $0x7, v4;
	v5 =	vand.u32 $0xFFFFFFF0, v5  }
0xc3: {  	v4 =	vor.u32 v4, v5  }
0xc4: {  	v5 =	vperm.xlane v4, v1;
	_ =	sdelay $0x1  }
0xc5: {  	v4 =	vperm.xlane v4, v3;
	v5 =	vadd.s32 v2, v5;
	_ =	sdelay $0x1  }
0xc6: {  	v4 =	vadd.s32 v2, v4;
	_ =	sdelay $0x1  }
0xc7: {  	s1 =	simm.s32 $0xF180  }
0xc8: {  	[tilespmem:s1], [sflag:$0x1] =	stream.indirect_vreg.gather [hbm4b:s3+s2], $0x80, v5, vm0, $0xb8;
	[tilespmem:$0x18300] =	vst v63  }
0xc9: {  	s25 =	simm.s32 $0xF980  }
0xca: {  	[tilespmem:s25], [sflag:$0x1] =	stream.indirect_vreg.gather [hbm4b:s3+s2], $0x80, v4, vm0, $0xb8;
	[tilespmem:$0x18300] =	vst v63  }
0xcb: {  	v4 =	vld [tilespmem:$0x100];
	_ =	sdelay $0x4  }
0xcc: {  	v5 =	vshll.u32 v4, $0x1  }
0xcd: {  	v4 =	vand.u32 $0x7, v4;
	v5 =	vand.u32 $0xFFFFFFF0, v5  }
0xce: {  	v4 =	vor.u32 v4, v5  }
0xcf: {  	v5 =	vperm.xlane v4, v1;
	_ =	sdelay $0x1  }
0xd0: {  	v4 =	vperm.xlane v4, v3;
	v5 =	vadd.s32 v2, v5;
	_ =	sdelay $0x1  }
0xd1: {  	v4 =	vadd.s32 v2, v4;
	_ =	sdelay $0x1  }
0xd2: {  	s26 =	simm.s32 $0x10180  }
0xd3: {  	[tilespmem:s26], [sflag:$0x1] =	stream.indirect_vreg.gather [hbm4b:s3+s2], $0x80, v5, vm0, $0xb8;
	[tilespmem:$0x18300] =	vst v63  }
0xd4: {  	s1 =	simm.s32 $0x10980  }
0xd5: {  	[tilespmem:s1], [sflag:$0x1] =	stream.indirect_vreg.gather [hbm4b:s3+s2], $0x80, v4, vm0, $0xb8;
	[tilespmem:$0x18300] =	vst v63  }
0xd6: {  	v4 =	vld [tilespmem:$0x110];
	_ =	sdelay $0x4  }
0xd7: {  	v5 =	vshll.u32 v4, $0x1  }
0xd8: {  	v4 =	vand.u32 $0x7, v4;
	v5 =	vand.u32 $0xFFFFFFF0, v5  }
0xd9: {  	v4 =	vor.u32 v4, v5  }
0xda: {  	v5 =	vperm.xlane v4, v1;
	_ =	sdelay $0x1  }
0xdb: {  	v4 =	vperm.xlane v4, v3;
	v5 =	vadd.s32 v2, v5;
	_ =	sdelay $0x1  }
0xdc: {  	v4 =	vadd.s32 v2, v4;
	_ =	sdelay $0x1  }
0xdd: {  	s25 =	simm.s32 $0x11180  }
0xde: {  	[tilespmem:s25], [sflag:$0x1] =	stream.indirect_vreg.gather [hbm4b:s3+s2], $0x80, v5, vm0, $0xb8;
	[tilespmem:$0x18300] =	vst v63  }
0xdf: {  	s26 =	simm.s32 $0x11980  }
0xe0: {  	[tilespmem:s26], [sflag:$0x1] =	stream.indirect_vreg.gather [hbm4b:s3+s2], $0x80, v4, vm0, $0xb8;
	[tilespmem:$0x18300] =	vst v63  }
0xe1: {  	v4 =	vld [tilespmem:$0x120];
	_ =	sdelay $0x4  }
0xe2: {  	v5 =	vshll.u32 v4, $0x1  }
0xe3: {  	v4 =	vand.u32 $0x7, v4;
	v5 =	vand.u32 $0xFFFFFFF0, v5  }
0xe4: {  	v4 =	vor.u32 v4, v5  }
0xe5: {  	v5 =	vperm.xlane v4, v1;
	_ =	sdelay $0x1  }
0xe6: {  	v4 =	vperm.xlane v4, v3;
	v5 =	vadd.s32 v2, v5;
	_ =	sdelay $0x1  }
0xe7: {  	v4 =	vadd.s32 v2, v4;
	_ =	sdelay $0x1  }
0xe8: {  	s1 =	simm.s32 $0x12180  }
0xe9: {  	[tilespmem:s1], [sflag:$0x1] =	stream.indirect_vreg.gather [hbm4b:s3+s2], $0x80, v5, vm0, $0xb8;
	[tilespmem:$0x18300] =	vst v63  }
0xea: {  	s25 =	simm.s32 $0x12980  }
0xeb: {  	[tilespmem:s25], [sflag:$0x1] =	stream.indirect_vreg.gather [hbm4b:s3+s2], $0x80, v4, vm0, $0xb8;
	[tilespmem:$0x18300] =	vst v63  }
0xec: {  	v4 =	vld [tilespmem:$0x130];
	_ =	sdelay $0x4  }
0xed: {  	v5 =	vshll.u32 v4, $0x1  }
0xee: {  	v4 =	vand.u32 $0x7, v4;
	v5 =	vand.u32 $0xFFFFFFF0, v5  }
0xef: {  	v4 =	vor.u32 v4, v5  }
0xf0: {  	v5 =	vperm.xlane v4, v1;
	_ =	sdelay $0x1  }
0xf1: {  	v4 =	vperm.xlane v4, v3;
	v5 =	vadd.s32 v2, v5;
	_ =	sdelay $0x1  }
0xf2: {  	v4 =	vadd.s32 v2, v4;
	_ =	sdelay $0x1  }
0xf3: {  	s26 =	simm.s32 $0x13180  }
0xf4: {  	[tilespmem:s26], [sflag:$0x1] =	stream.indirect_vreg.gather [hbm4b:s3+s2], $0x80, v5, vm0, $0xb8;
	[tilespmem:$0x18300] =	vst v63  }
0xf5: {  	s1 =	simm.s32 $0x13980  }
0xf6: {  	[tilespmem:s1], [sflag:$0x1] =	stream.indirect_vreg.gather [hbm4b:s3+s2], $0x80, v4, vm0, $0xb8;
	[tilespmem:$0x18300] =	vst v63  }
0xf7: {  	v4 =	vld [tilespmem:$0x140];
	_ =	sdelay $0x4  }
0xf8: {  	v5 =	vshll.u32 v4, $0x1  }
0xf9: {  	v4 =	vand.u32 $0x7, v4;
	v5 =	vand.u32 $0xFFFFFFF0, v5  }
0xfa: {  	v4 =	vor.u32 v4, v5  }
0xfb: {  	v5 =	vperm.xlane v4, v1;
	_ =	sdelay $0x1  }
0xfc: {  	v4 =	vperm.xlane v4, v3;
	v5 =	vadd.s32 v2, v5;
	_ =	sdelay $0x1  }
0xfd: {  	v4 =	vadd.s32 v2, v4;
	_ =	sdelay $0x2  }
0xfe: {  	[tilespmem:s12], [sflag:$0x1] =	stream.indirect_vreg.gather [hbm4b:s3+s2], $0x80, v5, vm0, $0xb8;
	[tilespmem:$0x18300] =	vst v63  }
0xff: {  	_ = 	snop  }
0x100: {  	[tilespmem:s13], [sflag:$0x1] =	stream.indirect_vreg.gather [hbm4b:s3+s2], $0x80, v4, vm0, $0xb8;
	[tilespmem:$0x18300] =	vst v63  }
0x101: {  	v4 =	vld [tilespmem:$0x150];
	_ =	sdelay $0x4  }
0x102: {  	v5 =	vshll.u32 v4, $0x1  }
0x103: {  	v4 =	vand.u32 $0x7, v4;
	v5 =	vand.u32 $0xFFFFFFF0, v5  }
0x104: {  	v4 =	vor.u32 v4, v5  }
0x105: {  	v5 =	vperm.xlane v4, v1;
	_ =	sdelay $0x1  }
0x106: {  	v4 =	vperm.xlane v4, v3;
	v5 =	vadd.s32 v2, v5;
	_ =	sdelay $0x1  }
0x107: {  	v4 =	vadd.s32 v2, v4;
	_ =	sdelay $0x2  }
0x108: {  	[tilespmem:s14], [sflag:$0x1] =	stream.indirect_vreg.gather [hbm4b:s3+s2], $0x80, v5, vm0, $0xb8;
	[tilespmem:$0x18300] =	vst v63  }
0x109: {  	_ = 	snop  }
0x10a: {  	[tilespmem:s15], [sflag:$0x1] =	stream.indirect_vreg.gather [hbm4b:s3+s2], $0x80, v4, vm0, $0xb8;
	[tilespmem:$0x18300] =	vst v63  }
0x10b: {  	v4 =	vld [tilespmem:$0x160];
	_ =	sdelay $0x4  }
0x10c: {  	v5 =	vshll.u32 v4, $0x1  }
0x10d: {  	v4 =	vand.u32 $0x7, v4;
	v5 =	vand.u32 $0xFFFFFFF0, v5  }
0x10e: {  	v4 =	vor.u32 v4, v5  }
0x10f: {  	v5 =	vperm.xlane v4, v1;
	_ =	sdelay $0x1  }
0x110: {  	v4 =	vperm.xlane v4, v3;
	v5 =	vadd.s32 v2, v5;
	_ =	sdelay $0x1  }
0x111: {  	v4 =	vadd.s32 v2, v4;
	_ =	sdelay $0x2  }
0x112: {  	[tilespmem:s16], [sflag:$0x1] =	stream.indirect_vreg.gather [hbm4b:s3+s2], $0x80, v5, vm0, $0xb8;
	[tilespmem:$0x18300] =	vst v63  }
0x113: {  	_ = 	snop  }
0x114: {  	[tilespmem:s17], [sflag:$0x1] =	stream.indirect_vreg.gather [hbm4b:s3+s2], $0x80, v4, vm0, $0xb8;
	[tilespmem:$0x18300] =	vst v63  }
0x115: {  	v4 =	vld [tilespmem:$0x170];
	_ =	sdelay $0x4  }
0x116: {  	v5 =	vshll.u32 v4, $0x1  }
0x117: {  	v4 =	vand.u32 $0x7, v4;
	v5 =	vand.u32 $0xFFFFFFF0, v5  }
0x118: {  	v4 =	vor.u32 v4, v5  }
0x119: {  	v5 =	vperm.xlane v4, v1;
	_ =	sdelay $0x1  }
0x11a: {  	v4 =	vperm.xlane v4, v3;
	v5 =	vadd.s32 v2, v5;
	_ =	sdelay $0x1  }
0x11b: {  	v4 =	vadd.s32 v2, v4;
	_ =	sdelay $0x2  }
0x11c: {  	[tilespmem:s18], [sflag:$0x1] =	stream.indirect_vreg.gather [hbm4b:s3+s2], $0x80, v5, vm0, $0xb8;
	[tilespmem:$0x18300] =	vst v63  }
0x11d: {  	_ = 	snop  }
0x11e: {  	[tilespmem:s19], [sflag:$0x1] =	stream.indirect_vreg.gather [hbm4b:s3+s2], $0x80, v4, vm0, $0xb8;
	[tilespmem:$0x18300] =	vst v63  }
0x11f: {  	_ =	swait.ge [sflag:s20], $0x8000  }
0x120: {  	[sflag:s20] =	ssyncset.done $0x0  }
0x121: {  	[sflag:s20] =	ssyncadd.s32 $0xFFFF8000  }
0x122: {  	_ =	swait.ge [sflag:s20], $0x8000  }
0x123: {  	[sflag:s20] =	ssyncset.done $0x0  }
0x124: {  	[sflag:s20] =	ssyncadd.s32 $0xFFFF8000  }
0x125: {  	_ =	swait.ge [sflag:s20], $0x8000  }
0x126: {  	s25 =	sand.u32 $0x7800, s2;
	s1 =	sand.u32 $0x380, s2;
	[sflag:s20] =	ssyncset.done $0x0  }
0x127: {  	s0 =	sor.u32 s1, s25;
	[sflag:s20] =	ssyncadd.s32 $0xFFFF8000  }
0x128: {  	v4 =	vld [tilespmem:s0+$0x180];
	_ =	sdelay $0x1  }
0x129: {  	v6 =	vld [tilespmem:s0+$0x8180];
	_ =	sdelay $0x1  }
0x12a: {  	v7 =	vld [tilespmem:s0+$0x10180]  }
0x12b: {  	v8 =	vmul.f32 v4, v4  }
0x12c: {  	v5 =	vimm.f32 $0.0e+00;
	v9 =	vld [tilespmem:s0+$0x190]  }
0x12d: {  	v10 =	vmul.f32 v6, v6;
	v8 =	vadd.f32 v8, v5  }
0x12e: {  	v11 =	vld [tilespmem:s0+$0x8190]  }
0x12f: {  	v12 =	vmul.f32 v7, v7;
	v8 =	vadd.f32 v10, v8  }
0x130: {  	v10 =	vld [tilespmem:s0+$0x10190]  }
0x131: {  	v13 =	vmul.f32 v9, v9;
	v8 =	vadd.f32 v12, v8  }
0x132: {  	v12 =	vld [tilespmem:s0+$0x1A0]  }
0x133: {  	v14 =	vmul.f32 v11, v11;
	v8 =	vadd.f32 v13, v8  }
0x134: {  	v13 =	vld [tilespmem:s0+$0x81A0]  }
0x135: {  	v15 =	vmul.f32 v10, v10;
	v8 =	vadd.f32 v14, v8  }
0x136: {  	v14 =	vld [tilespmem:s0+$0x101A0]  }
0x137: {  	v16 =	vmul.f32 v12, v12;
	v8 =	vadd.f32 v15, v8  }
0x138: {  	v15 =	vld [tilespmem:s0+$0x1B0]  }
0x139: {  	v57 =	vmul.f32 v13, v13;
	v8 =	vadd.f32 v16, v8  }
0x13a: {  	v17 =	vld [tilespmem:s0+$0x81B0]  }
0x13b: {  	v18 =	vmul.f32 v14, v14;
	v8 =	vadd.f32 v57, v8  }
0x13c: {  	v58 =	vld [tilespmem:s0+$0x101B0]  }
0x13d: {  	v19 =	vmul.f32 v15, v15;
	v8 =	vadd.f32 v18, v8  }
0x13e: {  	v59 =	vld [tilespmem:s0+$0x1C0]  }
0x13f: {  	v20 =	vmul.f32 v17, v17;
	v8 =	vadd.f32 v19, v8  }
0x140: {  	v60 =	vld [tilespmem:s0+$0x81C0]  }
0x141: {  	v21 =	vmul.f32 v58, v58;
	v8 =	vadd.f32 v20, v8  }
0x142: {  	v61 =	vld [tilespmem:s0+$0x101C0]  }
0x143: {  	v22 =	vmul.f32 v59, v59;
	v8 =	vadd.f32 v21, v8  }
0x144: {  	v62 =	vld [tilespmem:s0+$0x1D0]  }
0x145: {  	v23 =	vmul.f32 v60, v60;
	v8 =	vadd.f32 v22, v8  }
0x146: {  	v63 =	vld [tilespmem:s0+$0x81D0]  }
0x147: {  	v24 =	vmul.f32 v61, v61;
	v8 =	vadd.f32 v23, v8  }
0x148: {  	v32 =	vld [tilespmem:s0+$0x101D0]  }
0x149: {  	v33 =	vld [tilespmem:s0+$0x1E0];
	v25 =	vmul.f32 v62, v62;
	v8 =	vadd.f32 v24, v8;
	_ =	sdelay $0x1  }
0x14a: {  	v34 =	vld [tilespmem:s0+$0x81E0];
	v26 =	vmul.f32 v63, v63;
	v8 =	vadd.f32 v25, v8;
	_ =	sdelay $0x1  }
0x14b: {  	v35 =	vld [tilespmem:s0+$0x101E0];
	v27 =	vmul.f32 v32, v32;
	v8 =	vadd.f32 v26, v8  }
0x14c: {  	v6 =	vmul.f32 v6, v4;
	v28 =	vmul.f32 v33, v33  }
0x14d: {  	v4 =	vmul.f32 v7, v4;
	v7 =	vmul.f32 v11, v9;
	v11 =	vld [tilespmem:s0+$0x1F0];
	v8 =	vadd.f32 v27, v8  }
0x14e: {  	v29 =	vmul.f32 v34, v34  }
0x14f: {  	v37 =	vld [tilespmem:s0+$0x105C0];
	v4 =	vadd.f32 $0.0e+00, v4;
	v9 =	vmul.f32 v10, v9;
	v8 =	vadd.f32 v28, v8  }
0x150: {  	v38 =	vmul.f32 v35, v35;
	v36 =	vadd.f32 $0.0e+00, v6;
	v10 =	vmul.f32 v13, v12;
	v13 =	vld [tilespmem:s0+$0x81F0]  }
0x151: {  	v42 =	vld [tilespmem:s0+$0x590];
	v4 =	vadd.f32 v9, v4;
	v12 =	vmul.f32 v14, v12;
	v8 =	vadd.f32 v29, v8  }
0x152: {  	v7 =	vadd.f32 v7, v36;
	v39 =	vmul.f32 v11, v11;
	v14 =	vld [tilespmem:s0+$0x101F0]  }
0x153: {  	v46 =	vld [tilespmem:s0+$0x105A0];
	v4 =	vadd.f32 v12, v4;
	v12 =	vmul.f32 v58, v15;
	v8 =	vadd.f32 v38, v8  }
0x154: {  	v41 =	vmul.f32 v61, v59;
	v7 =	vadd.f32 v10, v7;
	v9 =	vmul.f32 v17, v15;
	v15 =	vld [tilespmem:s0+$0x580]  }
0x155: {  	v47 =	vld [tilespmem:s0+$0x5A0];
	v40 =	vmul.f32 v13, v13;
	v4 =	vadd.f32 v12, v4;
	v8 =	vadd.f32 v39, v8  }
0x156: {  	v45 =	vmul.f32 v32, v62;
	v7 =	vadd.f32 v9, v7;
	v12 =	vld [tilespmem:s0+$0x8580];
	v19 =	vmul.f32 v60, v59  }
0x157: {  	v10 =	vld [tilespmem:s0+$0x10580];
	v43 =	vmul.f32 v14, v14;
	v4 =	vadd.f32 v41, v4;
	v8 =	vadd.f32 v40, v8  }
0x158: {  	v50 =	vld [tilespmem:s0+$0x105B0];
	v44 =	vmul.f32 v63, v62;
	v49 =	vmul.f32 v35, v33;
	v7 =	vadd.f32 v19, v7  }
0x159: {  	v53 =	vld [tilespmem:s0+$0x8590];
	v48 =	vmul.f32 v15, v15;
	v4 =	vadd.f32 v45, v4;
	v8 =	vadd.f32 v43, v8  }
0x15a: {  	v51 =	vmul.f32 v34, v33;
	v9 =	vld [tilespmem:s0+$0x10590];
	v14 =	vmul.f32 v14, v11;
	v7 =	vadd.f32 v44, v7  }
0x15b: {  	v54 =	vld [tilespmem:s0+$0x5B0];
	v52 =	vmul.f32 v12, v12;
	v4 =	vadd.f32 v49, v4;
	v8 =	vadd.f32 v48, v8  }
0x15c: {  	v56 =	vld [tilespmem:s0+$0x5C0];
	v55 =	vmul.f32 v10, v10;
	v11 =	vmul.f32 v13, v11;
	v7 =	vadd.f32 v51, v7  }
0x15d: {  	v10 =	vmul.f32 v10, v15;
	v4 =	vadd.f32 v14, v4;
	v14 =	vld [tilespmem:s0+$0x85A0];
	v8 =	vadd.f32 v52, v8  }
0x15e: {  	v61 =	vld [tilespmem:s0+$0x5E0];
	v13 =	vmul.f32 v42, v42;
	v7 =	vadd.f32 v11, v7;
	v11 =	vmul.f32 v12, v15  }
0x15f: {  	v62 =	vld [tilespmem:s0+$0x5F0];
	v4 =	vadd.f32 v10, v4;
	v10 =	vmul.f32 v9, v42;
	v8 =	vadd.f32 v55, v8  }
0x160: {  	v15 =	vld [tilespmem:s0+$0x85B0];
	v7 =	vadd.f32 v11, v7;
	v11 =	vmul.f32 v53, v42  }
0x161: {  	v57 =	vld [tilespmem:s0+$0x105D0];
	v12 =	vmul.f32 v53, v53;
	v4 =	vadd.f32 v10, v4;
	v8 =	vadd.f32 v13, v8  }
0x162: {  	v10 =	vmul.f32 v46, v47;
	v7 =	vadd.f32 v11, v7;
	v11 =	vmul.f32 v14, v47;
	v13 =	vld [tilespmem:s0+$0x85C0]  }
0x163: {  	v58 =	vld [tilespmem:s0+$0x5D0];
	v9 =	vmul.f32 v9, v9;
	v8 =	vadd.f32 v12, v8  }
0x164: {  	v60 =	vld [tilespmem:s0+$0x85D0];
	v4 =	vadd.f32 v10, v4;
	v10 =	vmul.f32 v50, v54;
	v7 =	vadd.f32 v11, v7  }
0x165: {  	v59 =	vld [tilespmem:s0+$0x105E0];
	v12 =	vmul.f32 v47, v47;
	v8 =	vadd.f32 v9, v8;
	v9 =	vmul.f32 v15, v54  }
0x166: {  	v11 =	vmul.f32 v14, v14;
	v14 =	vld [tilespmem:s0+$0x85E0];
	v4 =	vadd.f32 v10, v4;
	v10 =	vmul.f32 v37, v56  }
0x167: {  	v6 =	vld [tilespmem:s0+$0x105F0];
	v8 =	vadd.f32 v12, v8;
	v7 =	vadd.f32 v9, v7;
	v9 =	vmul.f32 v13, v56  }
0x168: {  	v63 =	vld [tilespmem:s0+$0x85F0];
	v4 =	vadd.f32 v10, v4;
	v10 =	vmul.f32 v57, v58;
	v12 =	vmul.f32 v46, v46  }
0x169: {  	v8 =	vadd.f32 v11, v8;
	v7 =	vadd.f32 v9, v7;
	v9 =	vmul.f32 v60, v58  }
0x16a: {  	v4 =	vadd.f32 v10, v4;
	v10 =	vmul.f32 v59, v61;
	v11 =	vmul.f32 v54, v54  }
0x16b: {  	v8 =	vadd.f32 v12, v8;
	v7 =	vadd.f32 v9, v7;
	v9 =	vmul.f32 v14, v61  }
0x16c: {  	v4 =	vadd.f32 v10, v4;
	v10 =	vmul.f32 v6, v62;
	v12 =	vmul.f32 v15, v15  }
0x16d: {  	v8 =	vadd.f32 v11, v8;
	v7 =	vadd.f32 v9, v7;
	v9 =	vmul.f32 v63, v62  }
0x16e: {  	v4 =	vadd.f32 v10, v4  }
0x16f: {  	v10 =	vmul.f32 v50, v50;
	v8 =	vadd.f32 v12, v8;
	v7 =	vadd.f32 v9, v7  }
0x170: {  	(xrf2) =	vadd.scan.msk.f32 $0xffff, v4  }
0x171: {  	v4 =	vmul.f32 v56, v56;
	v8 =	vadd.f32 v10, v8;
	(xrf2) =	vadd.scan.msk.f32 $0xffff, v7;
	_ =	sdelay $0x1  }
0x172: {  	v7 =	vmul.f32 v13, v13;
	v4 =	vadd.f32 v4, v8;
	_ =	sdelay $0x1  }
0x173: {  	v8 =	vmul.f32 v37, v37;
	v4 =	vadd.f32 v7, v4  }
0x174: {  	v7 =	vmul.f32 v58, v58  }
0x175: {  	v4 =	vadd.f32 v8, v4;
	v8 =	vmul.f32 v60, v60;
	_ =	sdelay $0x1  }
0x176: {  	v4 =	vadd.f32 v7, v4  }
0x177: {  	v7, _, _ =	vpop (xrf2)  }
0x178: {  	s26 =	sand.u32 $0xF, s2;
	v9 =	vmul.f32 v57, v57;
	v4 =	vadd.f32 v8, v4;
	v8, _, _ =	vpop (xrf2)  }
0x179: {  	v11 =	vmul.f32 v61, v61;
	v10 =	vmov s26;
	v8 =	vbroadcast v8, $0xF  }
0x17a: {  	s30 =	simm.s32 $0x80;
	vm1 =	veq.s32 v10, v0;
	v7 =	vbroadcast v7, $0xF;
	v9 =	vadd.f32 v9, v4  }
0x17b: {  	s31 =	simm.s32 $0x100;
	p0 =	sne.s32 s26, $0xF;
	s25 =	simm.s32 $0x18171;
	v4 =	vsel vm1, v8, v5  }
0x17c: {  	s1 =	sand.u32 $0x380, s30;
	s0 =	sand.u32 $0x7800, s31;
	s26 =	simm.s32 $0x181F1;
	v10 =	vmul.f32 v14, v14;
	v5 =	vsel vm1, v7, v5;
	v9 =	vadd.f32 v11, v9;
	[tilespmem:s25+$0x0] =	vst @!p0 v4  }
0x17d: {  	s29 =	sor.u32 s1, s0;
	[tilespmem:s26+$0x0] =	vst @!p0 v5  }
0x17e: {  	v7 =	vmul.f32 v59, v59;
	v8 =	vld [tilespmem:s29+$0x1C0];
	v9 =	vadd.f32 v10, v9  }
0x17f: {  	v10 =	vld [tilespmem:s29+$0x8180]  }
0x180: {  	v13 =	vmul.f32 v62, v62;
	v11 =	vld [tilespmem:s29+$0x10180];
	v14 =	vadd.f32 v7, v9  }
0x181: {  	v9 =	vld [tilespmem:s29+$0x180]  }
0x182: {  	s28 =	simm.s32 $0x1;
	v6 =	vmul.f32 v6, v6;
	s0 =	simm.s32 $0x2;
	v12 =	vmul.f32 v63, v63;
	v7 =	vld [tilespmem:s29+$0x81C0];
	v13 =	vadd.f32 v13, v14  }
.LBB2_2:
0x183: {  	s25 =	sadd.s32 $0x1, s25  }
0x184: {  	v14 =	vld [tilespmem:s29+$0x101C0];
	s26 =	sadd.s32 $0x1, s26;
	s1 =	smov.u32 s0;
	s0 =	sadd.s32 $0x1, s0  }
0x185: {  	p0 =	sne.s32 s0, $0x80;
	v15 =	vld [tilespmem:s29+$0x190];
	v12 =	vadd.f32 v12, v13  }
0x186: {  	v13 =	vmul.f32 v10, v10  }
0x187: {  	v18 =	vmul.f32 v8, v8;
	v16 =	vmul.f32 v9, v9;
	v17 =	vld [tilespmem:s29+$0x8190];
	v6 =	vadd.f32 v6, v12  }
0x188: {  	v12 =	vmul.f32 v11, v11;
	v19 =	vmul.f32 v7, v8  }
0x189: {  	v11 =	vmul.f32 v11, v9;
	v6 =	vadd.f32 v16, v6;
	v16 =	vld [tilespmem:s29+$0x10190];
	v8 =	vmul.f32 v14, v8  }
0x18a: {  	v9 =	vmul.f32 v10, v9;
	v10 =	vmul.f32 v15, v15  }
0x18b: {  	v6 =	vadd.f32 v13, v6  }
0x18c: {  	v13 =	vmul.f32 v17, v15;
	v17 =	vmul.f32 v17, v17  }
0x18d: {  	v6 =	vadd.f32 v12, v6;
	v12 =	vld [tilespmem:s29+$0x1A0]  }
0x18e: {  	v15 =	vmul.f32 v16, v15;
	v16 =	vmul.f32 v16, v16  }
0x18f: {  	v6 =	vadd.f32 v10, v6;
	v10 =	vld [tilespmem:s29+$0x1B0]  }
0x190: {  	v20 =	vld [tilespmem:s29+$0x81A0]  }
0x191: {  	v6 =	vadd.f32 v17, v6;
	v17 =	vld [tilespmem:s29+$0x101A0]  }
0x192: {  	v21 =	vmul.f32 v12, v12  }
0x193: {  	v6 =	vadd.f32 v16, v6;
	v16 =	vld [tilespmem:s29+$0x81B0]  }
0x194: {  	v9 =	vadd.f32 $0.0e+00, v9  }
0x195: {  	v22 =	vmul.f32 v20, v12;
	v6 =	vadd.f32 v21, v6;
	v20 =	vmul.f32 v20, v20;
	v21 =	vld [tilespmem:s29+$0x101B0]  }
0x196: {  	v11 =	vadd.f32 $0.0e+00, v11;
	v24 =	vmul.f32 v10, v10;
	v23 =	vmul.f32 v17, v17  }
0x197: {  	v9 =	vadd.f32 v13, v9;
	v12 =	vmul.f32 v17, v12;
	v6 =	vadd.f32 v20, v6;
	v13 =	vld [tilespmem:s29+$0x81D0]  }
0x198: {  	v11 =	vadd.f32 v15, v11;
	v15 =	vmul.f32 v16, v10;
	v16 =	vmul.f32 v16, v16;
	v17 =	vld [tilespmem:s29+$0x1D0]  }
0x199: {  	v9 =	vadd.f32 v22, v9;
	v6 =	vadd.f32 v23, v6  }
0x19a: {  	v11 =	vadd.f32 v12, v11;
	v10 =	vmul.f32 v21, v10;
	v12 =	vmul.f32 v21, v21  }
0x19b: {  	v9 =	vadd.f32 v15, v9;
	v6 =	vadd.f32 v24, v6  }
0x19c: {  	v10 =	vadd.f32 v10, v11  }
0x19d: {  	v9 =	vadd.f32 v19, v9;
	v6 =	vadd.f32 v16, v6;
	v11 =	vmul.f32 v13, v17  }
0x19e: {  	v8 =	vadd.f32 v8, v10  }
0x19f: {  	v6 =	vadd.f32 v12, v6;
	v10 =	vadd.f32 v11, v9  }
0x1a0: {  	v9 =	vmul.f32 v7, v7  }
0x1a1: {  	v6 =	vadd.f32 v18, v6;
	v11 =	vld [tilespmem:s29+$0x105F0]  }
0x1a2: {  	v12 =	vmul.f32 v14, v14;
	v7 =	vld [tilespmem:s29+$0x105C0]  }
0x1a3: {  	v6 =	vadd.f32 v9, v6;
	v9 =	vld [tilespmem:s29+$0x101D0]  }
0x1a4: {  	v13 =	vmul.f32 v13, v13;
	v14 =	vmul.f32 v17, v17;
	v15 =	vld [tilespmem:s29+$0x81E0]  }
0x1a5: {  	v12 =	vadd.f32 v12, v6;
	v16 =	vld [tilespmem:s29+$0x1E0]  }
0x1a6: {  	v18 =	vld [tilespmem:s29+$0x101E0];
	v6 =	vmul.f32 v11, v11  }
0x1a7: {  	v12 =	vadd.f32 v14, v12;
	v14 =	vld [tilespmem:s29+$0x10580]  }
0x1a8: {  	v17 =	vmul.f32 v9, v17;
	v9 =	vmul.f32 v9, v9;
	v19 =	vld [tilespmem:s29+$0x101F0]  }
0x1a9: {  	v12 =	vadd.f32 v13, v12;
	v13 =	vld [tilespmem:s29+$0x1F0]  }
0x1aa: {  	v21 =	vmul.f32 v15, v15;
	v20 =	vmul.f32 v16, v16;
	v22 =	vld [tilespmem:s29+$0x580]  }
0x1ab: {  	v9 =	vadd.f32 v9, v12;
	v12 =	vmul.f32 v15, v16;
	v15 =	vmul.f32 v18, v16;
	v16 =	vld [tilespmem:s29+$0x81F0]  }
0x1ac: {  	v8 =	vadd.f32 v17, v8;
	v17 =	vld [tilespmem:s29+$0x10590]  }
0x1ad: {  	v18 =	vmul.f32 v18, v18;
	v9 =	vadd.f32 v20, v9;
	v20 =	vld [tilespmem:s29+$0x590]  }
0x1ae: {  	v8 =	vadd.f32 v15, v8;
	v15 =	vmul.f32 v19, v13;
	v23 =	vmul.f32 v13, v13;
	v24 =	vld [tilespmem:s29+$0x105A0]  }
0x1af: {  	v9 =	vadd.f32 v21, v9;
	v21 =	vmul.f32 v14, v22;
	v25 =	vld [tilespmem:s29+$0x5A0]  }
0x1b0: {  	v8 =	vadd.f32 v15, v8;
	v15 =	vmul.f32 v16, v16;
	v26 =	vld [tilespmem:s29+$0x105B0]  }
0x1b1: {  	v9 =	vadd.f32 v18, v9;
	v18 =	vld [tilespmem:s29+$0x5B0]  }
0x1b2: {  	v19 =	vmul.f32 v19, v19;
	v8 =	vadd.f32 v21, v8;
	v21 =	vmul.f32 v17, v20;
	v27 =	vld [tilespmem:s29+$0x5C0]  }
0x1b3: {  	v9 =	vadd.f32 v23, v9;
	v23 =	vld [tilespmem:s29+$0x8580]  }
0x1b4: {  	v8 =	vadd.f32 v21, v8;
	v21 =	vmul.f32 v24, v25;
	v28 =	vld [tilespmem:s29+$0x105D0]  }
0x1b5: {  	v9 =	vadd.f32 v15, v9;
	v15 =	vld [tilespmem:s29+$0x5D0]  }
0x1b6: {  	v29 =	vmul.f32 v22, v22;
	v21 =	vadd.f32 v21, v8;
	v30 =	vmul.f32 v26, v18;
	v8 =	vld [tilespmem:s29+$0x105E0]  }
0x1b7: {  	v19 =	vadd.f32 v19, v9;
	v31 =	vld [tilespmem:s29+$0x5E0]  }
0x1b8: {  	v32 =	vmul.f32 v23, v23;
	v21 =	vadd.f32 v30, v21;
	v30 =	vmul.f32 v7, v27;
	v9 =	vld [tilespmem:s29+$0x5F0]  }
0x1b9: {  	v19 =	vadd.f32 v29, v19;
	v29 =	vld [tilespmem:s29+$0x8590]  }
0x1ba: {  	v14 =	vmul.f32 v14, v14;
	v21 =	vadd.f32 v30, v21;
	v30 =	vmul.f32 v28, v15  }
0x1bb: {  	v10 =	vadd.f32 v12, v10;
	v12 =	vmul.f32 v16, v13;
	v13 =	vadd.f32 v32, v19  }
0x1bc: {  	v16 =	vmul.f32 v20, v20;
	v19 =	vld [tilespmem:s29+$0x85A0];
	v21 =	vadd.f32 v30, v21;
	v30 =	vmul.f32 v8, v31  }
0x1bd: {  	v10 =	vadd.f32 v12, v10;
	v12 =	vmul.f32 v23, v22;
	v13 =	vadd.f32 v14, v13  }
0x1be: {  	v11 =	vmul.f32 v11, v9;
	v14 =	vmul.f32 v29, v29;
	v22 =	vld [tilespmem:s29+$0x85B0];
	v21 =	vadd.f32 v30, v21  }
0x1bf: {  	v10 =	vadd.f32 v12, v10;
	v12 =	vmul.f32 v29, v20;
	v13 =	vadd.f32 v16, v13  }
0x1c0: {  	v16 =	vmul.f32 v17, v17;
	v17 =	vld [tilespmem:s29+$0x85C0];
	v11 =	vadd.f32 v11, v21  }
0x1c1: {  	v10 =	vadd.f32 v12, v10;
	v12 =	vadd.f32 v14, v13;
	v13 =	vmul.f32 v19, v25  }
0x1c2: {  	v14 =	vmul.f32 v25, v25;
	v20 =	vld [tilespmem:s29+$0x85D0];
	(xrf2) =	vadd.scan.msk.f32 $0xffff, v11  }
0x1c3: {  	v11 =	vadd.f32 v16, v12;
	v10 =	vadd.f32 v13, v10;
	v12 =	vmul.f32 v22, v18  }
0x1c4: {  	v13 =	vmul.f32 v19, v19;
	v16 =	vld [tilespmem:s29+$0x85E0]  }
0x1c5: {  	v11 =	vadd.f32 v14, v11;
	v10 =	vadd.f32 v12, v10;
	v12 =	vmul.f32 v17, v27  }
0x1c6: {  	v14 =	vmul.f32 v24, v24;
	v19 =	vld [tilespmem:s29+$0x85F0]  }
0x1c7: {  	v11 =	vadd.f32 v13, v11;
	v10 =	vadd.f32 v12, v10;
	v12 =	vmul.f32 v20, v15  }
0x1c8: {  	v13 =	vmul.f32 v18, v18  }
0x1c9: {  	v11 =	vadd.f32 v14, v11;
	v10 =	vadd.f32 v12, v10;
	v12 =	vmul.f32 v16, v31  }
0x1ca: {  	v14 =	vmul.f32 v22, v22  }
0x1cb: {  	v11 =	vadd.f32 v13, v11;
	v10 =	vadd.f32 v12, v10;
	v12 =	vmul.f32 v19, v9  }
0x1cc: {  	v13 =	vmul.f32 v26, v26;
	v18, _, _ =	vpop (xrf2)  }
0x1cd: {  	v11 =	vadd.f32 v14, v11;
	v10 =	vadd.f32 v12, v10;
	v12 =	vbroadcast v18, $0xF  }
0x1ce: {  	v14 =	vmul.f32 v27, v27  }
0x1cf: {  	v11 =	vadd.f32 v13, v11;
	(xrf2) =	vadd.scan.msk.f32 $0xffff, v10  }
0x1d0: {  	v10 =	vmul.f32 v17, v17  }
0x1d1: {  	v11 =	vadd.f32 v14, v11  }
0x1d2: {  	v7 =	vmul.f32 v7, v7  }
0x1d3: {  	v10 =	vadd.f32 v10, v11  }
0x1d4: {  	v11 =	vmul.f32 v15, v15  }
0x1d5: {  	v7 =	vadd.f32 v7, v10  }
0x1d6: {  	v13 =	vmul.f32 v20, v20  }
0x1d7: {  	v7 =	vadd.f32 v11, v7  }
0x1d8: {  	v11 =	vmul.f32 v28, v28  }
0x1d9: {  	s29 =	sand.u32 $0xF, s28;
	s28 =	smov.u32 s1;
	v7 =	vadd.f32 v13, v7;
	v10, _, _ =	vpop (xrf2)  }
0x1da: {  	v14 =	vmov s29;
	v13 =	vmul.f32 v31, v31;
	v10 =	vbroadcast v10, $0xF  }
0x1db: {  	vm1 =	veq.s32 v14, v0;
	v7 =	vadd.f32 v11, v7  }
0x1dc: {  	s30 =	sadd.s32 $0x80, s30;
	s31 =	sadd.s32 $0x100, s31;
	p1 =	sne.s32 s29, $0xF;
	v11 =	vmul.f32 v16, v16;
	v4 =	vsel vm1, v10, v4  }
0x1dd: {  	s1 =	sand.u32 $0x7800, s31;
	s29 =	sand.u32 $0x380, s30;
	v5 =	vsel vm1, v12, v5;
	v7 =	vadd.f32 v13, v7;
	[tilespmem:s25+$0x0] =	vst @!p1 v4  }
0x1de: {  	s29 =	sor.u32 s29, s1;
	v12 =	vmul.f32 v8, v8;
	[tilespmem:s26+$0x0] =	vst @!p1 v5  }
.Ltmp0:
0x1df: {  	v8 =	vld [tilespmem:s29+$0x1C0];
	v7 =	vadd.f32 v11, v7;
	(pc) =	sbr.rel @p0 .LBB2_2-.Ltmp0, $4  }
0x1e0: {  	v13 =	vmul.f32 v9, v9;
	v10 =	vld [tilespmem:s29+$0x8180]  }
0x1e1: {  	v11 =	vld [tilespmem:s29+$0x10180];
	v14 =	vadd.f32 v12, v7  }
0x1e2: {  	v12 =	vmul.f32 v19, v19;
	v9 =	vld [tilespmem:s29+$0x180]  }
0x1e3: {  	v7 =	vld [tilespmem:s29+$0x81C0];
	v13 =	vadd.f32 v13, v14  }
0x1e4: {  	_ = 	snop  }
0x1e5: {  	v12 =	vadd.f32 v12, v13;
	_ =	sdelay $0x1  }
0x1e6: {  	v44 =	vmul.f32 v9, v9;
	v6 =	vadd.f32 v6, v12  }
0x1e7: {  	v45 =	vld [tilespmem:s29+$0x190]  }
0x1e8: {  	v14 =	vmul.f32 v10, v10;
	v6 =	vadd.f32 v44, v6  }
0x1e9: {  	v46 =	vld [tilespmem:s29+$0x8190]  }
0x1ea: {  	v15 =	vmul.f32 v11, v11;
	v6 =	vadd.f32 v14, v6  }
0x1eb: {  	v47 =	vld [tilespmem:s29+$0x10190]  }
0x1ec: {  	v16 =	vmul.f32 v45, v45;
	v6 =	vadd.f32 v15, v6  }
0x1ed: {  	v48 =	vld [tilespmem:s29+$0x1A0]  }
0x1ee: {  	v17 =	vmul.f32 v46, v46;
	v6 =	vadd.f32 v16, v6  }
0x1ef: {  	v49 =	vld [tilespmem:s29+$0x81A0]  }
0x1f0: {  	v18 =	vmul.f32 v47, v47;
	v6 =	vadd.f32 v17, v6  }
0x1f1: {  	v50 =	vld [tilespmem:s29+$0x101A0]  }
0x1f2: {  	v19 =	vmul.f32 v48, v48;
	v6 =	vadd.f32 v18, v6  }
0x1f3: {  	v51 =	vld [tilespmem:s29+$0x1B0]  }
0x1f4: {  	v52 =	vmul.f32 v49, v49;
	v6 =	vadd.f32 v19, v6  }
0x1f5: {  	v20 =	vld [tilespmem:s29+$0x81B0]  }
0x1f6: {  	v21 =	vmul.f32 v50, v50;
	v6 =	vadd.f32 v52, v6  }
0x1f7: {  	v53 =	vld [tilespmem:s29+$0x101B0]  }
0x1f8: {  	v22 =	vmul.f32 v51, v51;
	v6 =	vadd.f32 v21, v6;
	_ =	sdelay $0x1  }
0x1f9: {  	v54 =	vmul.f32 v20, v20;
	v6 =	vadd.f32 v22, v6;
	_ =	sdelay $0x1  }
0x1fa: {  	v55 =	vmul.f32 v53, v53;
	v6 =	vadd.f32 v54, v6  }
0x1fb: {  	v56 =	vld [tilespmem:s29+$0x101C0]  }
0x1fc: {  	v23 =	vmul.f32 v8, v8;
	v6 =	vadd.f32 v55, v6  }
0x1fd: {  	v57 =	vld [tilespmem:s29+$0x1D0]  }
0x1fe: {  	v24 =	vmul.f32 v7, v7;
	v6 =	vadd.f32 v23, v6  }
0x1ff: {  	v58 =	vld [tilespmem:s29+$0x81D0]  }
0x200: {  	v25 =	vmul.f32 v56, v56;
	v6 =	vadd.f32 v24, v6  }
0x201: {  	v59 =	vld [tilespmem:s29+$0x101D0]  }
0x202: {  	v26 =	vmul.f32 v57, v57;
	v6 =	vadd.f32 v25, v6  }
0x203: {  	v25 =	vld [tilespmem:s29+$0x1E0]  }
0x204: {  	v27 =	vmul.f32 v58, v58;
	v6 =	vadd.f32 v26, v6  }
0x205: {  	v26 =	vld [tilespmem:s29+$0x81E0]  }
0x206: {  	v28 =	vmul.f32 v59, v59;
	v6 =	vadd.f32 v27, v6  }
0x207: {  	v60 =	vld [tilespmem:s29+$0x101E0]  }
0x208: {  	v29 =	vmul.f32 v25, v25;
	v6 =	vadd.f32 v28, v6  }
0x209: {  	v28 =	vld [tilespmem:s29+$0x1F0]  }
0x20a: {  	v30 =	vmul.f32 v26, v26;
	v6 =	vadd.f32 v29, v6  }
0x20b: {  	v29 =	vld [tilespmem:s29+$0x81F0]  }
0x20c: {  	v31 =	vmul.f32 v60, v60;
	v6 =	vadd.f32 v30, v6  }
0x20d: {  	v62 =	vld [tilespmem:s29+$0x101F0]  }
0x20e: {  	v32 =	vmul.f32 v28, v28;
	v6 =	vadd.f32 v31, v6  }
0x20f: {  	v31 =	vld [tilespmem:s29+$0x580]  }
0x210: {  	v34 =	vld [tilespmem:s29+$0x8580];
	v63 =	vmul.f32 v29, v29;
	v6 =	vadd.f32 v32, v6  }
0x211: {  	v61 =	vmul.f32 v11, v9  }
0x212: {  	v36 =	vmul.f32 v62, v62;
	v6 =	vadd.f32 v63, v6  }
0x213: {  	v38 =	vld [tilespmem:s29+$0x10580];
	v35 =	vmul.f32 v10, v9;
	v11 =	vadd.f32 $0.0e+00, v61  }
0x214: {  	v14 =	vmul.f32 v47, v45;
	v39 =	vmul.f32 v31, v31;
	v6 =	vadd.f32 v36, v6  }
0x215: {  	v41 =	vld [tilespmem:s29+$0x590];
	v12 =	vmul.f32 v46, v45;
	v9 =	vadd.f32 $0.0e+00, v35;
	v42 =	vmul.f32 v34, v34  }
0x216: {  	v11 =	vadd.f32 v14, v11;
	v17 =	vmul.f32 v50, v48;
	v6 =	vadd.f32 v39, v6  }
0x217: {  	v37 =	vmul.f32 v53, v51;
	v9 =	vadd.f32 v12, v9;
	v45 =	vld [tilespmem:s29+$0x8590];
	v15 =	vmul.f32 v49, v48  }
0x218: {  	v46 =	vmul.f32 v38, v38;
	v11 =	vadd.f32 v17, v11;
	v6 =	vadd.f32 v42, v6  }
0x219: {  	v40 =	vmul.f32 v56, v8;
	v43 =	vmul.f32 v20, v51;
	v49 =	vld [tilespmem:s29+$0x10590];
	v9 =	vadd.f32 v15, v9  }
0x21a: {  	v50 =	vmul.f32 v41, v41;
	v11 =	vadd.f32 v37, v11;
	v6 =	vadd.f32 v46, v6  }
0x21b: {  	v44 =	vmul.f32 v59, v57;
	v47 =	vmul.f32 v7, v8;
	v9 =	vadd.f32 v43, v9;
	v52 =	vld [tilespmem:s29+$0x5A0]  }
0x21c: {  	v56 =	vld [tilespmem:s29+$0x85A0];
	v53 =	vmul.f32 v45, v45;
	v10 =	vadd.f32 v40, v11;
	v6 =	vadd.f32 v50, v6  }
0x21d: {  	v59 =	vld [tilespmem:s29+$0x105C0];
	v7 =	vadd.f32 v47, v9;
	v54 =	vmul.f32 v58, v57  }
0x21e: {  	v10 =	vadd.f32 v44, v10;
	v57 =	vld [tilespmem:s29+$0x105A0];
	v58 =	vmul.f32 v49, v49;
	v6 =	vadd.f32 v53, v6  }
0x21f: {  	v61 =	vld [tilespmem:s29+$0x105B0];
	v7 =	vadd.f32 v54, v7;
	v48 =	vmul.f32 v60, v25;
	v60 =	vmul.f32 v26, v25  }
0x220: {  	v43 =	vld [tilespmem:s29+$0x105F0];
	v51 =	vmul.f32 v62, v28;
	v62 =	vmul.f32 v52, v52;
	v6 =	vadd.f32 v58, v6  }
0x221: {  	v8 =	vadd.f32 v48, v10;
	v26 =	vmul.f32 v56, v56;
	v63 =	vld [tilespmem:s29+$0x5B0]  }
0x222: {  	v47 =	vld [tilespmem:s29+$0x85F0];
	v7 =	vadd.f32 v60, v7;
	v24 =	vmul.f32 v29, v28;
	v6 =	vadd.f32 v62, v6  }
0x223: {  	v17 =	vmul.f32 v57, v57;
	v8 =	vadd.f32 v51, v8;
	v29 =	vld [tilespmem:s29+$0x85B0];
	v55 =	vmul.f32 v38, v31  }
0x224: {  	v37 =	vld [tilespmem:s29+$0x85D0];
	v7 =	vadd.f32 v24, v7;
	v28 =	vmul.f32 v34, v31;
	v6 =	vadd.f32 v26, v6  }
0x225: {  	v11 =	vmul.f32 v49, v41;
	v25 =	vld [tilespmem:s29+$0x5C0];
	v32 =	vmul.f32 v45, v41;
	v8 =	vadd.f32 v55, v8  }
0x226: {  	v30 =	vld [tilespmem:s29+$0x105D0];
	v7 =	vadd.f32 v28, v7;
	v35 =	vmul.f32 v63, v63;
	v6 =	vadd.f32 v17, v6  }
0x227: {  	v27 =	vmul.f32 v57, v52;
	v10 =	vmul.f32 v56, v52;
	v34 =	vld [tilespmem:s29+$0x85C0];
	v8 =	vadd.f32 v11, v8  }
0x228: {  	v31 =	vld [tilespmem:s29+$0x5D0];
	v38 =	vmul.f32 v29, v29;
	v7 =	vadd.f32 v32, v7;
	v6 =	vadd.f32 v35, v6  }
0x229: {  	v16 =	vmul.f32 v61, v61;
	v36 =	vld [tilespmem:s29+$0x105E0];
	v33 =	vmul.f32 v61, v63;
	v8 =	vadd.f32 v27, v8  }
0x22a: {  	v39 =	vld [tilespmem:s29+$0x5E0];
	v41 =	vmul.f32 v29, v63;
	v7 =	vadd.f32 v10, v7;
	v6 =	vadd.f32 v38, v6  }
0x22b: {  	v40 =	vmul.f32 v59, v25;
	v21 =	vmul.f32 v25, v25;
	v42 =	vld [tilespmem:s29+$0x85E0];
	v8 =	vadd.f32 v33, v8  }
0x22c: {  	v45 =	vld [tilespmem:s29+$0x5F0];
	v44 =	vmul.f32 v34, v25;
	v7 =	vadd.f32 v41, v7;
	v6 =	vadd.f32 v16, v6  }
0x22d: {  	v48 =	vmul.f32 v37, v31;
	v46 =	vmul.f32 v30, v31;
	v8 =	vadd.f32 v40, v8  }
0x22e: {  	v18 =	vmul.f32 v34, v34;
	v7 =	vadd.f32 v44, v7;
	v6 =	vadd.f32 v21, v6  }
0x22f: {  	v9 =	vmul.f32 v59, v59;
	v49 =	vmul.f32 v36, v39;
	v8 =	vadd.f32 v46, v8  }
0x230: {  	v50 =	vmul.f32 v42, v39;
	v7 =	vadd.f32 v48, v7;
	v6 =	vadd.f32 v18, v6  }
0x231: {  	v51 =	vmul.f32 v43, v45;
	v52 =	vmul.f32 v47, v45;
	v8 =	vadd.f32 v49, v8  }
0x232: {  	v11 =	vmul.f32 v31, v31;
	v7 =	vadd.f32 v50, v7;
	v6 =	vadd.f32 v9, v6  }
0x233: {  	v8 =	vadd.f32 v51, v8  }
0x234: {  	v53 =	vmul.f32 v37, v37;
	v7 =	vadd.f32 v52, v7;
	v6 =	vadd.f32 v11, v6  }
0x235: {  	(xrf2) =	vadd.scan.msk.f32 $0xffff, v8  }
0x236: {  	v54 =	vmul.f32 v30, v30;
	(xrf2) =	vadd.scan.msk.f32 $0xffff, v7;
	v6 =	vadd.f32 v53, v6;
	_ =	sdelay $0x1  }
0x237: {  	v55 =	vmul.f32 v39, v39;
	v6 =	vadd.f32 v54, v6;
	_ =	sdelay $0x1  }
0x238: {  	v56 =	vmul.f32 v42, v42;
	v6 =	vadd.f32 v55, v6;
	_ =	sdelay $0x1  }
0x239: {  	v57 =	vmul.f32 v36, v36;
	v6 =	vadd.f32 v56, v6;
	_ =	sdelay $0x1  }
0x23a: {  	v58 =	vmul.f32 v45, v45;
	v6 =	vadd.f32 v57, v6  }
0x23b: {  	s0 =	sand.u32 $0xF, s28;
	v59, _, _ =	vpop (xrf2)  }
0x23c: {  	v61 =	vmul.f32 v47, v47;
	v63 =	vmov s0;
	v60, _, _ =	vpop (xrf2);
	v6 =	vadd.f32 v58, v6  }
0x23d: {  	vm1 =	veq.s32 v63, v0;
	v9 =	vbroadcast v60, $0xF  }
0x23e: {  	v62 =	vmul.f32 v43, v43;
	v8 =	vbroadcast v59, $0xF;
	v6 =	vadd.f32 v61, v6  }
0x23f: {  	s1 =	sadd.s32 $0x1, s25;
	p0 =	sne.s32 s0, $0xF;
	v4 =	vsel vm1, v9, v4  }
0x240: {  	s0 =	sadd.s32 $0x1, s26;
	v5 =	vsel vm1, v8, v5;
	[tilespmem:s1+$0x0] =	vst @!p0 v4;
	v4 =	vadd.f32 v62, v6  }
0x241: {  	[tilespmem:s0+$0x0] =	vst @!p0 v5  }
0x242: {  	[tilespmem:$0x18280] =	vst v4  }
0x243: {  	[hbm4b:s7+s2] =	stream.linear.scatter [tilespmem:s21], [sflag:$0x2], $0x80, $0x38;
	[tilespmem:$0x18300] =	vst v63  }
0x244: {  	_ =	swait.ge [sflag:s11], $0x80  }
0x245: {  	[sflag:s11] =	ssyncset.done $0x0  }
0x246: {  	[sflag:s11] =	ssyncadd.s32 $0xFFFFFF80  }
0x247: {  	[hbm4b:s8+s2] =	stream.linear.scatter [tilespmem:s22], [sflag:$0x2], $0x80, $0x38;
	[tilespmem:$0x18300] =	vst v63  }
0x248: {  	s24 =	sadd.s32 $0x1, s24;
	_ =	swait.ge [sflag:s11], $0x80  }
0x249: {  	p0 =	sne.s32 s24, s10;
	[sflag:s11] =	ssyncset.done $0x0  }
.Ltmp1:
0x24a: {  	[sflag:s11] =	ssyncadd.s32 $0xFFFFFF80;
	(pc) =	sbr.rel @p0 .LBB2_1-.Ltmp1, $4  }
0x24b: {  	[hbm4b:s9+s2] =	stream.linear.scatter [tilespmem:s23], [sflag:$0x2], $0x10, $0x38;
	[tilespmem:$0x18300] =	vst v63  }
0x24c: {  	_ =	swait.ge [sflag:s11], $0x10  }
0x24d: {  	[sflag:s11] =	ssyncset.done $0x0  }
0x24e: {  	[sflag:s11] =	ssyncadd.s32 $0xFFFFFFF0  }
0x24f: {  	_ =	sfence.sel $0x180000  }
0x250: {  	[bflag:$0x0] =	sbarrier.arrive $0xFFFF  }
0x251: {  	_ =	strace $0x9000004A  }
0x252: {  	s0 =	stileid.u32;
	[bflag:$0x2] =	sbarrier.arrive $0xFFFF  }
0x253: {  	p0 =	sne.s32 s0, $0x0;
	s0 =	rddreg [dreg:$0x2]  }
0x254: {  	s0 =	sadd.s32 @!p0 $0x100000, s0  }
0x255: {  	[sflag:s0] =	ssyncadd.tile.s32 @!p0 $0x1;
	_ =	shalt  }
.Lfunc_end2:
_tile_overlayer_lowered:
.L_overlay_start_2:
0x256: {  	(tag) =	ssettag $0x2  }
0x257: {  	s0 =	rddreg [dreg:$0x0];
	s2 =	stileid.u32  }
0x258: {  	s1 =	rddreg [dreg:$0x1];
	p0 =	sne.s32 s2, $0x0  }
0x259: {  	s3 =	rddreg [dreg:$0x2];
	[bflag:$0x3] =	sbarrier.arrive $0xFFFF;
	s2 =	simm.s32 @!p0 $0x1C02  }
0x25a: {  	[timem:s3], [sflag:s2] =	dma.local @!p0 [hbm:s0], s1  }
0x25b: {  	s0 =	simm.s32 @!p0 $0x2  }
0x25c: {  	_ =	swait.ge @!p0 [sflag:s0], s1  }
0x25d: {  	s1 =	ssub.s32 @!p0 $0x0, s1;
	[sflag:s0] =	ssyncset.done @!p0 $0x0  }
0x25e: {  	[sflag:s0] =	ssyncadd.s32 @!p0 s1  }
0x25f: {  	[bflag:$0x3] =	sbarrier.arrive $0xFFFF  }
0x260: {  	_ =	shalt  }

</sc_bundles>
